<compile_context>
chip_gen: v7x
topology: tpu7x:2x2x1
jax: 0.10.2.dev20260603
libtpu: 0.0.44.dev20260713+nightly
codegen_flags: <defaults>
</compile_context>

<pallas_src>
import functools

import jax
import jax.numpy as jnp
from jax import lax
from jax.experimental import pallas as pl
from jax.experimental.pallas import tpu as pltpu
import jax.experimental.pallas.tpu_sc as plsc

N = 10000
C = 128
NC, NS, L = 2, 16, 16
NW = NC * NS
NPAD = 10240
SLICE = NPAD // NS
B = 128
ROWS_W = 80
ROWS = NW * ROWS_W
EPAD = ROWS * B
HROWS = ROWS_W // 2
NSL = N // NS

_mesh = plsc.VectorSubcoreMesh(
    core_axis_name="c", subcore_axis_name="s", num_cores=NC, num_subcores=NS)


@functools.partial(
    pl.kernel,
    out_type=jax.ShapeDtypeStruct((NC, NPAD), jnp.float32),
    mesh=_mesh,
    compiler_params=pltpu.CompilerParams(needs_layout_passes=False),
    scratch_types=[
        pltpu.VMEM((ROWS_W, B), jnp.int32),
        pltpu.VMEM((ROWS_W, B), jnp.float32),
        pltpu.VMEM((SLICE,), jnp.float32),
        pltpu.VMEM_SHARED((NPAD,), jnp.float32),
        pltpu.SemaphoreType.DMA,
    ],
)
def _deg_kernel(col_hbm, ew_hbm, pdeg_hbm, colv, ewv, zv, sdeg, sem):
    c = lax.axis_index("c")
    s = lax.axis_index("s")
    for k in range(SLICE // L):
        zv[pl.ds(k * L, L)] = jnp.zeros((L,), jnp.float32)
    pltpu.sync_copy(zv, sdeg.at[pl.ds(s * SLICE, SLICE)])
    plsc.subcore_barrier()
    base = (c * NS + s) * ROWS_W
    pltpu.sync_copy(col_hbm.at[pl.ds(base, ROWS_W)], colv)
    pltpu.sync_copy(ew_hbm.at[pl.ds(base, ROWS_W)], ewv)

    def step(j, carry):
        pltpu.async_copy(ewv.at[j], sdeg.at[colv.at[j]], sem, add=True)
        return carry

    lax.fori_loop(0, ROWS_W, step, 0)

    def drain(j, carry):
        pltpu.make_async_copy(ewv.at[0], sdeg.at[colv.at[0]], sem).wait()
        return carry

    lax.fori_loop(0, ROWS_W, drain, 0)
    plsc.subcore_barrier()
    pltpu.sync_copy(sdeg.at[pl.ds(s * SLICE, SLICE)],
                    pdeg_hbm.at[c, pl.ds(s * SLICE, SLICE)])


CH = 8
NCHUNK = ROWS_W // CH
GBYTES = B * C * 4


@functools.partial(
    pl.kernel,
    out_type=(jax.ShapeDtypeStruct((NC, NPAD, C), jnp.float32),
              jax.ShapeDtypeStruct((NPAD,), jnp.float32)),
    mesh=_mesh,
    compiler_params=pltpu.CompilerParams(needs_layout_passes=False),
    scratch_types=[
        pltpu.VMEM((CH, B), jnp.int32),
        pltpu.VMEM((CH, B), jnp.int32),
        pltpu.VMEM((CH, B), jnp.float32),
        pltpu.VMEM((SLICE,), jnp.float32),
        pltpu.VMEM((SLICE,), jnp.float32),
        pltpu.VMEM((NPAD,), jnp.float32),
        pltpu.VMEM((B,), jnp.float32),
        pltpu.VMEM((B, C), jnp.float32),
        pltpu.VMEM((B, C), jnp.float32),
        pltpu.VMEM_SHARED((NPAD, C), jnp.float32),
        pltpu.VMEM_SHARED((NPAD,), jnp.float32),
        pltpu.SemaphoreType.DMA,
        pltpu.SemaphoreType.DMA,
        pltpu.SemaphoreType.DMA,
        pltpu.SemaphoreType.DMA,
    ],
)
def _agg_kernel(row_hbm, col_hbm, ew_hbm, x_hbm, pdeg_hbm,
                pagg_hbm, dis_hbm,
                rowstg, colstg, ewstg, pa, pb, dis, scale, msg0, msg1,
                sagg, sdis, semg0, semg1, sems0, sems1):
    c = lax.axis_index("c")
    s = lax.axis_index("s")

    def zrow(j, carry):
        for k in range(C // L):
            msg0[j, pl.ds(k * L, L)] = jnp.zeros((L,), jnp.float32)
        return carry

    lax.fori_loop(0, B, zrow, 0)
    for m in range(SLICE // B):
        pltpu.async_copy(msg0, sagg.at[pl.ds(s * SLICE + m * B, B)], semg0)
    for m in range(SLICE // B):
        pltpu.make_async_copy(
            msg0, sagg.at[pl.ds(s * SLICE, B)], semg0).wait()

    off = s * SLICE
    pltpu.sync_copy(pdeg_hbm.at[0, pl.ds(off, SLICE)], pa)
    pltpu.sync_copy(pdeg_hbm.at[1, pl.ds(off, SLICE)], pb)

    @plsc.parallel_loop(0, SLICE // L, unroll=2)
    def _newt(k):
        sl = pl.ds(k * L, L)
        d = pa[sl] + pb[sl] + 2.0
        y = jnp.where(
            d < 8.0, 0.35355339,
            jnp.where(d < 128.0, 0.08838835,
                      jnp.where(d < 2048.0, 0.02209709,
                                jnp.where(d < 32768.0, 0.00552427,
                                          0.00138107))))
        for _ in range(8):
            y = y * (1.5 - 0.5 * d * y * y)
        dis[pl.ds(off + k * L, L)] = jnp.where(d > 0.0, y, 0.0)
    pltpu.sync_copy(dis.at[pl.ds(off, SLICE)], sdis.at[pl.ds(off, SLICE)])
    plsc.subcore_barrier()
    pltpu.sync_copy(sdis, dis)

    @pl.when(jnp.logical_and(c == 0, s == 0))
    def _():
        pltpu.sync_copy(sdis, dis_hbm)

    base = (c * NS + s) * ROWS_W

    def _scale(j):
        rvs = [rowstg[j, pl.ds(k * L, L)] for k in range(B // L)]
        dvs = [plsc.load_gather(dis, [rv]) for rv in rvs]
        for k in range(B // L):
            scale[pl.ds(k * L, L)] = ewstg[j, pl.ds(k * L, L)] * dvs[k]

    def _apply(mref):
        @plsc.parallel_loop(0, B, unroll=8)
        def _(e):
            w = plsc.load_gather(scale, [jnp.zeros((L,), jnp.int32) + e])
            for k in range(C // L):
                mref[e, pl.ds(k * L, L)] = mref[e, pl.ds(k * L, L)] * w

    def chunk(ch, carry):
        @pl.when(ch > 0)
        def _():
            pltpu.make_async_copy(msg0, sagg.at[colstg.at[0]], sems0).wait()
            pltpu.make_async_copy(msg1, sagg.at[colstg.at[1]], sems1).wait()

        hb = base + ch * CH
        pltpu.sync_copy(row_hbm.at[pl.ds(hb, CH)], rowstg)
        pltpu.sync_copy(col_hbm.at[pl.ds(hb, CH)], colstg)
        pltpu.sync_copy(ew_hbm.at[pl.ds(hb, CH)], ewstg)
        pltpu.async_copy(x_hbm.at[rowstg.at[0]], msg0, semg0)

        def pair(t, cc):
            j0 = 2 * t
            j1 = j0 + 1

            @pl.when(t > 0)
            def _():
                pltpu.make_async_copy(
                    msg1, sagg.at[colstg.at[j1]], sems1).wait()

            pltpu.async_copy(x_hbm.at[rowstg.at[j1]], msg1, semg1)
            _scale(j0)
            pltpu.make_async_copy(x_hbm.at[rowstg.at[j0]], msg0, semg0).wait()
            _apply(msg0)
            pltpu.async_copy(msg0, sagg.at[colstg.at[j0]], sems0, add=True)
            _scale(j1)
            pltpu.make_async_copy(x_hbm.at[rowstg.at[j1]], msg1, semg1).wait()
            _apply(msg1)

            @pl.when(t < CH // 2 - 1)
            def _():
                pltpu.make_async_copy(
                    msg0, sagg.at[colstg.at[j0]], sems0).wait()
                pltpu.async_copy(x_hbm.at[rowstg.at[j0 + 2]], msg0, semg0)

            pltpu.async_copy(msg1, sagg.at[colstg.at[j1]], sems1, add=True)
            return cc

        lax.fori_loop(0, CH // 2, pair, 0)
        return carry

    lax.fori_loop(0, NCHUNK, chunk, 0)
    pltpu.make_async_copy(msg0, sagg.at[colstg.at[0]], sems0).wait()
    pltpu.make_async_copy(msg1, sagg.at[colstg.at[1]], sems1).wait()
    plsc.subcore_barrier()
    pltpu.sync_copy(sagg.at[pl.ds(s * SLICE, SLICE)],
                    pagg_hbm.at[c, pl.ds(s * SLICE, SLICE)])


BLK = 2000


def _fin_body(dis_ref, pagg_ref, x_ref, wt_ref, b_ref, out_ref):
    dis = dis_ref[...]
    agg = pagg_ref[0] + pagg_ref[1]
    y = dis * agg + (2.0 * dis * dis) * x_ref[...]
    out_ref[...] = (
        jnp.dot(y, wt_ref[...], preferred_element_type=jnp.float32)
        + b_ref[...])


def kernel(x, edge_index, edge_weight, W, bias):
    row = edge_index[0]
    col = edge_index[1]
    e = edge_weight.shape[0]
    pad = EPAD - e
    pad_idx = jnp.arange(pad, dtype=jnp.int32) % N
    rowp = jnp.concatenate([row, pad_idx]).reshape(ROWS, B)
    colp = jnp.concatenate([col, pad_idx]).reshape(ROWS, B)
    ewp = jnp.concatenate(
        [edge_weight, jnp.zeros((pad,), jnp.float32)]).reshape(ROWS, B)

    pdeg = _deg_kernel(colp, ewp)
    pagg, dis = _agg_kernel(rowp, colp, ewp, x, pdeg)

    out = pl.pallas_call(
        _fin_body,
        grid=(N // BLK,),
        in_specs=[
            pl.BlockSpec((BLK, 1), lambda i: (i, 0)),
            pl.BlockSpec((NC, BLK, C), lambda i: (0, i, 0)),
            pl.BlockSpec((BLK, C), lambda i: (i, 0)),
            pl.BlockSpec((C, C), lambda i: (0, 0)),
            pl.BlockSpec((1, C), lambda i: (0, 0)),
        ],
        out_specs=pl.BlockSpec((BLK, C), lambda i: (i, 0)),
        out_shape=jax.ShapeDtypeStruct((N, C), jnp.float32),
    )(dis.reshape(NPAD, 1), pagg, x, W.T, bias.reshape(1, C))
    return (out, out)

# --- scband reference (transcript-rebuilt; emitter-appended) ---
"""Pipeline reference for scband-decoder-layer-70600672411682 (READ-ONLY COPY).

The authoritative reference and input builder live on the scoring server;
editing this copy changes nothing except your own understanding.
"""

import jax, jax.numpy as jnp
import numpy as np

N = 10000
E = 320000
C_IN = 128
C_OUT = 128

def setup_inputs(seed: int = 0) -> dict:
    key = jax.random.key(seed)
    k1, k2, k3, k4, k5 = jax.random.split(key, 5)
    x = jax.random.normal(k1, (N, C_IN), dtype=jnp.float32)
    edge_index = jax.random.randint(k2, (2, E), 0, N, dtype=jnp.int32)
    edge_weight = jax.random.uniform(k3, (E,), dtype=jnp.float32)
    # GCNConv params: lin weight [out, in] (no bias in lin), separate bias [out]
    W = jax.random.normal(k4, (C_OUT, C_IN), dtype=jnp.float32) * (1.0 / np.sqrt(C_IN))
    bias = jax.random.normal(k5, (C_OUT,), dtype=jnp.float32) * 0.01
    return {"x": x, "edge_index": edge_index, "edge_weight": edge_weight, "W": W, "bias": bias}

def reference(x, edge_index, edge_weight, W, bias):
    # GCNConv(add_self_loops=True, normalize=True, improved=True), act=None
    n = x.shape[0]
    row = edge_index[0]
    col = edge_index[1]
    loop = jnp.arange(n, dtype=edge_index.dtype)
    row = jnp.concatenate([row, loop])
    col = jnp.concatenate([col, loop])
    # improved=True -> self-loop fill_value = 2.0
    ew = jnp.concatenate([edge_weight, jnp.full((n,), 2.0, dtype=edge_weight.dtype)])
    # gcn_norm: deg over dst (col), sym normalization
    deg = jnp.zeros((n,), dtype=x.dtype).at[col].add(ew)
    deg_inv_sqrt = jnp.where(deg > 0, jax.lax.rsqrt(jnp.maximum(deg, 1e-12)), 0.0)
    norm = deg_inv_sqrt[row] * ew * deg_inv_sqrt[col]
    # linear transform then propagate (gather from src, scatter-add to dst)
    xl = x @ W.T
    msg = norm[:, None] * xl[row]
    out = jnp.zeros((n, W.shape[0]), dtype=x.dtype).at[col].add(msg)
    out = out + bias
    embedding = out
    # act is None -> return (x, embedding)
    return (out, embedding)

if __name__ == "__main__":
    import jax
    _d = setup_inputs()
    print(jax.jit(kernel)(*tuple(_d.values())))

</pallas_src>

<mosaic_0001>
#map = affine_map<(d0, d1) -> (0, 0)>
#map1 = affine_map<(d0, d1) -> (0, 0, 0)>
#map2 = affine_map<(d0, d1) -> (0)>
module attributes {stable_mosaic.version = 14 : i64} {
  func.func @_agg_kernel(%arg0: i32, %arg1: i32, %arg2: memref<2560x128xi32, #tpu.memory_space<hbm>>, %arg3: memref<2560x128xi32, #tpu.memory_space<hbm>>, %arg4: memref<2560x128xf32, #tpu.memory_space<hbm>>, %arg5: memref<10000x128xf32, #tpu.memory_space<hbm>>, %arg6: memref<2x10240xf32, #tpu.memory_space<hbm>>, %arg7: memref<2x10240x128xf32, #tpu.memory_space<hbm>>, %arg8: memref<10240xf32, #tpu.memory_space<hbm>>, %arg9: memref<8x128xi32, #tpu.memory_space<vmem>>, %arg10: memref<8x128xi32, #tpu.memory_space<vmem>>, %arg11: memref<8x128xf32, #tpu.memory_space<vmem>>, %arg12: memref<640xf32, #tpu.memory_space<vmem>>, %arg13: memref<640xf32, #tpu.memory_space<vmem>>, %arg14: memref<10240xf32, #tpu.memory_space<vmem>>, %arg15: memref<128xf32, #tpu.memory_space<vmem>>, %arg16: memref<128x128xf32, #tpu.memory_space<vmem>>, %arg17: memref<128x128xf32, #tpu.memory_space<vmem>>, %arg18: memref<10240x128xf32, #tpu.memory_space<vmem_shared>>, %arg19: memref<10240xf32, #tpu.memory_space<vmem_shared>>, %arg20: memref<!tpu.dma_semaphore, #tpu.memory_space<semaphore_mem>>, %arg21: memref<!tpu.dma_semaphore, #tpu.memory_space<semaphore_mem>>, %arg22: memref<!tpu.dma_semaphore, #tpu.memory_space<semaphore_mem>>, %arg23: memref<!tpu.dma_semaphore, #tpu.memory_space<semaphore_mem>>) attributes {dimension_semantics = [#tpu.dimension_semantics<core_parallel>, #tpu.dimension_semantics<subcore_parallel>], iteration_bounds = array<i64: 2, 16>, scalar_prefetch = 0 : i64, scratch_operands = 15 : i64, tpu.core_type = #tpu.core_type<sc_vector_subcore>, window_params = [{transform_indices = #map}, {transform_indices = #map}, {transform_indices = #map}, {transform_indices = #map}, {transform_indices = #map}, {transform_indices = #map1}, {transform_indices = #map2}]} {
    %scan3A = arith.constant 0 : i32
    %scan3A_0 = arith.constant 0 : i32
    %scan3A_1 = arith.constant 128 : i32
    %scan3A_2 = arith.addi %scan3A_0, %scan3A_1 : i32
    %scan3A_3 = arith.constant 1 : i32
    scf.for %scan3A_110 = %scan3A_0 to %scan3A_2 step %scan3A_3  : i32 {
      %broadcast_in_dim3A = arith.constant 0.000000e+00 : f32
      %broadcast_in_dim3A_111 = vector.broadcast %broadcast_in_dim3A : f32 to vector<16xf32>
      %swap3A = arith.index_cast %scan3A_110 : i32 to index
      %swap3A_112 = arith.constant 0 : index
      %swap3A_113 = tpu.vector_load %arg16[%swap3A, %swap3A_112] {strides = array<i32>} : memref<128x128xf32, #tpu.memory_space<vmem>>, vector<16xf32>,
      tpu.vector_store %arg16[%swap3A, %swap3A_112], %broadcast_in_dim3A_111 {strides = array<i32>} : memref<128x128xf32, #tpu.memory_space<vmem>>, vector<16xf32>,
      %broadcast_in_dim3A_114 = arith.constant 0.000000e+00 : f32
      %broadcast_in_dim3A_115 = vector.broadcast %broadcast_in_dim3A_114 : f32 to vector<16xf32>
      %swap3A_116 = arith.index_cast %scan3A_110 : i32 to index
      %swap3A_117 = arith.constant 16 : index
      %swap3A_118 = tpu.vector_load %arg16[%swap3A_116, %swap3A_117] {strides = array<i32>} : memref<128x128xf32, #tpu.memory_space<vmem>>, vector<16xf32>,
      tpu.vector_store %arg16[%swap3A_116, %swap3A_117], %broadcast_in_dim3A_115 {strides = array<i32>} : memref<128x128xf32, #tpu.memory_space<vmem>>, vector<16xf32>,
      %broadcast_in_dim3A_119 = arith.constant 0.000000e+00 : f32
      %broadcast_in_dim3A_120 = vector.broadcast %broadcast_in_dim3A_119 : f32 to vector<16xf32>
      %swap3A_121 = arith.index_cast %scan3A_110 : i32 to index
      %swap3A_122 = arith.constant 32 : index
      %swap3A_123 = tpu.vector_load %arg16[%swap3A_121, %swap3A_122] {strides = array<i32>} : memref<128x128xf32, #tpu.memory_space<vmem>>, vector<16xf32>,
      tpu.vector_store %arg16[%swap3A_121, %swap3A_122], %broadcast_in_dim3A_120 {strides = array<i32>} : memref<128x128xf32, #tpu.memory_space<vmem>>, vector<16xf32>,
      %broadcast_in_dim3A_124 = arith.constant 0.000000e+00 : f32
      %broadcast_in_dim3A_125 = vector.broadcast %broadcast_in_dim3A_124 : f32 to vector<16xf32>
      %swap3A_126 = arith.index_cast %scan3A_110 : i32 to index
      %swap3A_127 = arith.constant 48 : index
      %swap3A_128 = tpu.vector_load %arg16[%swap3A_126, %swap3A_127] {strides = array<i32>} : memref<128x128xf32, #tpu.memory_space<vmem>>, vector<16xf32>,
      tpu.vector_store %arg16[%swap3A_126, %swap3A_127], %broadcast_in_dim3A_125 {strides = array<i32>} : memref<128x128xf32, #tpu.memory_space<vmem>>, vector<16xf32>,
      %broadcast_in_dim3A_129 = arith.constant 0.000000e+00 : f32
      %broadcast_in_dim3A_130 = vector.broadcast %broadcast_in_dim3A_129 : f32 to vector<16xf32>
      %swap3A_131 = arith.index_cast %scan3A_110 : i32 to index
      %swap3A_132 = arith.constant 64 : index
      %swap3A_133 = tpu.vector_load %arg16[%swap3A_131, %swap3A_132] {strides = array<i32>} : memref<128x128xf32, #tpu.memory_space<vmem>>, vector<16xf32>,
      tpu.vector_store %arg16[%swap3A_131, %swap3A_132], %broadcast_in_dim3A_130 {strides = array<i32>} : memref<128x128xf32, #tpu.memory_space<vmem>>, vector<16xf32>,
      %broadcast_in_dim3A_134 = arith.constant 0.000000e+00 : f32
      %broadcast_in_dim3A_135 = vector.broadcast %broadcast_in_dim3A_134 : f32 to vector<16xf32>
      %swap3A_136 = arith.index_cast %scan3A_110 : i32 to index
      %swap3A_137 = arith.constant 80 : index
      %swap3A_138 = tpu.vector_load %arg16[%swap3A_136, %swap3A_137] {strides = array<i32>} : memref<128x128xf32, #tpu.memory_space<vmem>>, vector<16xf32>,
      tpu.vector_store %arg16[%swap3A_136, %swap3A_137], %broadcast_in_dim3A_135 {strides = array<i32>} : memref<128x128xf32, #tpu.memory_space<vmem>>, vector<16xf32>,
      %broadcast_in_dim3A_139 = arith.constant 0.000000e+00 : f32
      %broadcast_in_dim3A_140 = vector.broadcast %broadcast_in_dim3A_139 : f32 to vector<16xf32>
      %swap3A_141 = arith.index_cast %scan3A_110 : i32 to index
      %swap3A_142 = arith.constant 96 : index
      %swap3A_143 = tpu.vector_load %arg16[%swap3A_141, %swap3A_142] {strides = array<i32>} : memref<128x128xf32, #tpu.memory_space<vmem>>, vector<16xf32>,
      tpu.vector_store %arg16[%swap3A_141, %swap3A_142], %broadcast_in_dim3A_140 {strides = array<i32>} : memref<128x128xf32, #tpu.memory_space<vmem>>, vector<16xf32>,
      %broadcast_in_dim3A_144 = arith.constant 0.000000e+00 : f32
      %broadcast_in_dim3A_145 = vector.broadcast %broadcast_in_dim3A_144 : f32 to vector<16xf32>
      %swap3A_146 = arith.index_cast %scan3A_110 : i32 to index
      %swap3A_147 = arith.constant 112 : index
      %swap3A_148 = tpu.vector_load %arg16[%swap3A_146, %swap3A_147] {strides = array<i32>} : memref<128x128xf32, #tpu.memory_space<vmem>>, vector<16xf32>,
      tpu.vector_store %arg16[%swap3A_146, %swap3A_147], %broadcast_in_dim3A_145 {strides = array<i32>} : memref<128x128xf32, #tpu.memory_space<vmem>>, vector<16xf32>,
    }
    %scan3A_4 = arith.constant 128 : i32
    %mul3A = arith.constant 640 : i32
    %mul3A_5 = arith.muli %arg1, %mul3A : i32
    %add3A = arith.constant 0 : i32
    %add3A_6 = arith.addi %mul3A_5, %add3A : i32
    %dma_start3A = arith.constant 0 : i32
    %dma_start3A_7 = tpu.memref_slice %arg18[%add3A_6, %dma_start3A] : memref<10240x128xf32, #tpu.memory_space<vmem_shared>> -> memref<128x128xf32, #tpu.memory_space<vmem_shared>>
    %dma_start3A_8 = arith.constant 0 : i32
    %dma_start3A_9 = tpu.memref_slice %arg18[%add3A_6, %dma_start3A_8] : memref<10240x128xf32, #tpu.memory_space<vmem_shared>> -> memref<128x128xf32, #tpu.memory_space<vmem_shared>>
    tpu.enqueue_dma source(%arg16 : memref<128x128xf32, #tpu.memory_space<vmem>>) target(%dma_start3A_9 : memref<128x128xf32, #tpu.memory_space<vmem_shared>>) target_semaphore(%arg20 : memref<!tpu.dma_semaphore, #tpu.memory_space<semaphore_mem>>)
    %mul3A_10 = arith.constant 640 : i32
    %mul3A_11 = arith.muli %arg1, %mul3A_10 : i32
    %add3A_12 = arith.constant 128 : i32
    %add3A_13 = arith.addi %mul3A_11, %add3A_12 : i32
    %dma_start3A_14 = arith.constant 0 : i32
    %dma_start3A_15 = tpu.memref_slice %arg18[%add3A_13, %dma_start3A_14] : memref<10240x128xf32, #tpu.memory_space<vmem_shared>> -> memref<128x128xf32, #tpu.memory_space<vmem_shared>>
    %dma_start3A_16 = arith.constant 0 : i32
    %dma_start3A_17 = tpu.memref_slice %arg18[%add3A_13, %dma_start3A_16] : memref<10240x128xf32, #tpu.memory_space<vmem_shared>> -> memref<128x128xf32, #tpu.memory_space<vmem_shared>>
    tpu.enqueue_dma source(%arg16 : memref<128x128xf32, #tpu.memory_space<vmem>>) target(%dma_start3A_17 : memref<128x128xf32, #tpu.memory_space<vmem_shared>>) target_semaphore(%arg20 : memref<!tpu.dma_semaphore, #tpu.memory_space<semaphore_mem>>)
    %mul3A_18 = arith.constant 640 : i32
    %mul3A_19 = arith.muli %arg1, %mul3A_18 : i32
    %add3A_20 = arith.constant 256 : i32
    %add3A_21 = arith.addi %mul3A_19, %add3A_20 : i32
    %dma_start3A_22 = arith.constant 0 : i32
    %dma_start3A_23 = tpu.memref_slice %arg18[%add3A_21, %dma_start3A_22] : memref<10240x128xf32, #tpu.memory_space<vmem_shared>> -> memref<128x128xf32, #tpu.memory_space<vmem_shared>>
    %dma_start3A_24 = arith.constant 0 : i32
    %dma_start3A_25 = tpu.memref_slice %arg18[%add3A_21, %dma_start3A_24] : memref<10240x128xf32, #tpu.memory_space<vmem_shared>> -> memref<128x128xf32, #tpu.memory_space<vmem_shared>>
    tpu.enqueue_dma source(%arg16 : memref<128x128xf32, #tpu.memory_space<vmem>>) target(%dma_start3A_25 : memref<128x128xf32, #tpu.memory_space<vmem_shared>>) target_semaphore(%arg20 : memref<!tpu.dma_semaphore, #tpu.memory_space<semaphore_mem>>)
    %mul3A_26 = arith.constant 640 : i32
    %mul3A_27 = arith.muli %arg1, %mul3A_26 : i32
    %add3A_28 = arith.constant 384 : i32
    %add3A_29 = arith.addi %mul3A_27, %add3A_28 : i32
    %dma_start3A_30 = arith.constant 0 : i32
    %dma_start3A_31 = tpu.memref_slice %arg18[%add3A_29, %dma_start3A_30] : memref<10240x128xf32, #tpu.memory_space<vmem_shared>> -> memref<128x128xf32, #tpu.memory_space<vmem_shared>>
    %dma_start3A_32 = arith.constant 0 : i32
    %dma_start3A_33 = tpu.memref_slice %arg18[%add3A_29, %dma_start3A_32] : memref<10240x128xf32, #tpu.memory_space<vmem_shared>> -> memref<128x128xf32, #tpu.memory_space<vmem_shared>>
    tpu.enqueue_dma source(%arg16 : memref<128x128xf32, #tpu.memory_space<vmem>>) target(%dma_start3A_33 : memref<128x128xf32, #tpu.memory_space<vmem_shared>>) target_semaphore(%arg20 : memref<!tpu.dma_semaphore, #tpu.memory_space<semaphore_mem>>)
    %mul3A_34 = arith.constant 640 : i32
    %mul3A_35 = arith.muli %arg1, %mul3A_34 : i32
    %add3A_36 = arith.constant 512 : i32
    %add3A_37 = arith.addi %mul3A_35, %add3A_36 : i32
    %dma_start3A_38 = arith.constant 0 : i32
    %dma_start3A_39 = tpu.memref_slice %arg18[%add3A_37, %dma_start3A_38] : memref<10240x128xf32, #tpu.memory_space<vmem_shared>> -> memref<128x128xf32, #tpu.memory_space<vmem_shared>>
    %dma_start3A_40 = arith.constant 0 : i32
    %dma_start3A_41 = tpu.memref_slice %arg18[%add3A_37, %dma_start3A_40] : memref<10240x128xf32, #tpu.memory_space<vmem_shared>> -> memref<128x128xf32, #tpu.memory_space<vmem_shared>>
    tpu.enqueue_dma source(%arg16 : memref<128x128xf32, #tpu.memory_space<vmem>>) target(%dma_start3A_41 : memref<128x128xf32, #tpu.memory_space<vmem_shared>>) target_semaphore(%arg20 : memref<!tpu.dma_semaphore, #tpu.memory_space<semaphore_mem>>)
    %mul3A_42 = arith.constant 640 : i32
    %mul3A_43 = arith.muli %arg1, %mul3A_42 : i32
    %dma_wait3A = arith.constant 0 : i32
    %dma_wait3A_44 = tpu.memref_slice %arg18[%mul3A_43, %dma_wait3A] : memref<10240x128xf32, #tpu.memory_space<vmem_shared>> -> memref<128x128xf32, #tpu.memory_space<vmem_shared>>
    %dma_wait3A_45 = arith.constant 0 : i32
    %dma_wait3A_46 = tpu.memref_slice %arg18[%mul3A_43, %dma_wait3A_45] : memref<10240x128xf32, #tpu.memory_space<vmem_shared>> -> memref<128x128xf32, #tpu.memory_space<vmem_shared>>
    tpu.wait_dma2 semaphore(%arg20 : memref<!tpu.dma_semaphore, #tpu.memory_space<semaphore_mem>>) src(%arg16 : memref<128x128xf32, #tpu.memory_space<vmem>>) dst(%dma_wait3A_46 : memref<128x128xf32, #tpu.memory_space<vmem_shared>>)
    %mul3A_47 = arith.constant 640 : i32
    %mul3A_48 = arith.muli %arg1, %mul3A_47 : i32
    %dma_wait3A_49 = arith.constant 0 : i32
    %dma_wait3A_50 = tpu.memref_slice %arg18[%mul3A_48, %dma_wait3A_49] : memref<10240x128xf32, #tpu.memory_space<vmem_shared>> -> memref<128x128xf32, #tpu.memory_space<vmem_shared>>
    %dma_wait3A_51 = arith.constant 0 : i32
    %dma_wait3A_52 = tpu.memref_slice %arg18[%mul3A_48, %dma_wait3A_51] : memref<10240x128xf32, #tpu.memory_space<vmem_shared>> -> memref<128x128xf32, #tpu.memory_space<vmem_shared>>
    tpu.wait_dma2 semaphore(%arg20 : memref<!tpu.dma_semaphore, #tpu.memory_space<semaphore_mem>>) src(%arg16 : memref<128x128xf32, #tpu.memory_space<vmem>>) dst(%dma_wait3A_52 : memref<128x128xf32, #tpu.memory_space<vmem_shared>>)
    %mul3A_53 = arith.constant 640 : i32
    %mul3A_54 = arith.muli %arg1, %mul3A_53 : i32
    %dma_wait3A_55 = arith.constant 0 : i32
    %dma_wait3A_56 = tpu.memref_slice %arg18[%mul3A_54, %dma_wait3A_55] : memref<10240x128xf32, #tpu.memory_space<vmem_shared>> -> memref<128x128xf32, #tpu.memory_space<vmem_shared>>
    %dma_wait3A_57 = arith.constant 0 : i32
    %dma_wait3A_58 = tpu.memref_slice %arg18[%mul3A_54, %dma_wait3A_57] : memref<10240x128xf32, #tpu.memory_space<vmem_shared>> -> memref<128x128xf32, #tpu.memory_space<vmem_shared>>
    tpu.wait_dma2 semaphore(%arg20 : memref<!tpu.dma_semaphore, #tpu.memory_space<semaphore_mem>>) src(%arg16 : memref<128x128xf32, #tpu.memory_space<vmem>>) dst(%dma_wait3A_58 : memref<128x128xf32, #tpu.memory_space<vmem_shared>>)
    %mul3A_59 = arith.constant 640 : i32
    %mul3A_60 = arith.muli %arg1, %mul3A_59 : i32
    %dma_wait3A_61 = arith.constant 0 : i32
    %dma_wait3A_62 = tpu.memref_slice %arg18[%mul3A_60, %dma_wait3A_61] : memref<10240x128xf32, #tpu.memory_space<vmem_shared>> -> memref<128x128xf32, #tpu.memory_space<vmem_shared>>
    %dma_wait3A_63 = arith.constant 0 : i32
    %dma_wait3A_64 = tpu.memref_slice %arg18[%mul3A_60, %dma_wait3A_63] : memref<10240x128xf32, #tpu.memory_space<vmem_shared>> -> memref<128x128xf32, #tpu.memory_space<vmem_shared>>
    tpu.wait_dma2 semaphore(%arg20 : memref<!tpu.dma_semaphore, #tpu.memory_space<semaphore_mem>>) src(%arg16 : memref<128x128xf32, #tpu.memory_space<vmem>>) dst(%dma_wait3A_64 : memref<128x128xf32, #tpu.memory_space<vmem_shared>>)
    %mul3A_65 = arith.constant 640 : i32
    %mul3A_66 = arith.muli %arg1, %mul3A_65 : i32
    %dma_wait3A_67 = arith.constant 0 : i32
    %dma_wait3A_68 = tpu.memref_slice %arg18[%mul3A_66, %dma_wait3A_67] : memref<10240x128xf32, #tpu.memory_space<vmem_shared>> -> memref<128x128xf32, #tpu.memory_space<vmem_shared>>
    %dma_wait3A_69 = arith.constant 0 : i32
    %dma_wait3A_70 = tpu.memref_slice %arg18[%mul3A_66, %dma_wait3A_69] : memref<10240x128xf32, #tpu.memory_space<vmem_shared>> -> memref<128x128xf32, #tpu.memory_space<vmem_shared>>
    tpu.wait_dma2 semaphore(%arg20 : memref<!tpu.dma_semaphore, #tpu.memory_space<semaphore_mem>>) src(%arg16 : memref<128x128xf32, #tpu.memory_space<vmem>>) dst(%dma_wait3A_70 : memref<128x128xf32, #tpu.memory_space<vmem_shared>>)
    %mul3A_71 = arith.constant 640 : i32
    %mul3A_72 = arith.muli %arg1, %mul3A_71 : i32
    %run_scoped3A = arith.constant 0 : i32
    "tpu.region"() ({
      %run_scoped3A_110 = tpu.sem_alloc : memref<!tpu.dma_semaphore, #tpu.memory_space<semaphore_mem>>
      %dma_start3A_111 = tpu.memref_slice %arg6[%run_scoped3A, %mul3A_72] : memref<2x10240xf32, #tpu.memory_space<hbm>> -> memref<1x640xf32, #tpu.memory_space<hbm>>
      %dma_start3A_112 = tpu.memref_squeeze %dma_start3A_111 : memref<1x640xf32, #tpu.memory_space<hbm>> -> memref<640xf32, #tpu.memory_space<hbm>>
      %dma_start3A_113 = tpu.memref_slice %arg6[%run_scoped3A, %mul3A_72] : memref<2x10240xf32, #tpu.memory_space<hbm>> -> memref<1x640xf32, #tpu.memory_space<hbm>>
      %dma_start3A_114 = tpu.memref_squeeze %dma_start3A_113 : memref<1x640xf32, #tpu.memory_space<hbm>> -> memref<640xf32, #tpu.memory_space<hbm>>
      tpu.enqueue_dma source(%dma_start3A_114 : memref<640xf32, #tpu.memory_space<hbm>>) target(%arg12 : memref<640xf32, #tpu.memory_space<vmem>>) target_semaphore(%run_scoped3A_110 : memref<!tpu.dma_semaphore, #tpu.memory_space<semaphore_mem>>)
      %dma_wait3A_115 = tpu.memref_slice %arg6[%run_scoped3A, %mul3A_72] : memref<2x10240xf32, #tpu.memory_space<hbm>> -> memref<1x640xf32, #tpu.memory_space<hbm>>
      %dma_wait3A_116 = tpu.memref_squeeze %dma_wait3A_115 : memref<1x640xf32, #tpu.memory_space<hbm>> -> memref<640xf32, #tpu.memory_space<hbm>>
      %dma_wait3A_117 = tpu.memref_slice %arg6[%run_scoped3A, %mul3A_72] : memref<2x10240xf32, #tpu.memory_space<hbm>> -> memref<1x640xf32, #tpu.memory_space<hbm>>
      %dma_wait3A_118 = tpu.memref_squeeze %dma_wait3A_117 : memref<1x640xf32, #tpu.memory_space<hbm>> -> memref<640xf32, #tpu.memory_space<hbm>>
      tpu.wait_dma2 semaphore(%run_scoped3A_110 : memref<!tpu.dma_semaphore, #tpu.memory_space<semaphore_mem>>) src(%dma_wait3A_118 : memref<640xf32, #tpu.memory_space<hbm>>) dst(%arg12 : memref<640xf32, #tpu.memory_space<vmem>>)
      tpu.yield
    }) : () -> ()
    %run_scoped3A_73 = arith.constant 1 : i32
    "tpu.region"() ({
      %run_scoped3A_110 = tpu.sem_alloc : memref<!tpu.dma_semaphore, #tpu.memory_space<semaphore_mem>>
      %dma_start3A_111 = tpu.memref_slice %arg6[%run_scoped3A_73, %mul3A_72] : memref<2x10240xf32, #tpu.memory_space<hbm>> -> memref<1x640xf32, #tpu.memory_space<hbm>>
      %dma_start3A_112 = tpu.memref_squeeze %dma_start3A_111 : memref<1x640xf32, #tpu.memory_space<hbm>> -> memref<640xf32, #tpu.memory_space<hbm>>
      %dma_start3A_113 = tpu.memref_slice %arg6[%run_scoped3A_73, %mul3A_72] : memref<2x10240xf32, #tpu.memory_space<hbm>> -> memref<1x640xf32, #tpu.memory_space<hbm>>
      %dma_start3A_114 = tpu.memref_squeeze %dma_start3A_113 : memref<1x640xf32, #tpu.memory_space<hbm>> -> memref<640xf32, #tpu.memory_space<hbm>>
      tpu.enqueue_dma source(%dma_start3A_114 : memref<640xf32, #tpu.memory_space<hbm>>) target(%arg13 : memref<640xf32, #tpu.memory_space<vmem>>) target_semaphore(%run_scoped3A_110 : memref<!tpu.dma_semaphore, #tpu.memory_space<semaphore_mem>>)
      %dma_wait3A_115 = tpu.memref_slice %arg6[%run_scoped3A_73, %mul3A_72] : memref<2x10240xf32, #tpu.memory_space<hbm>> -> memref<1x640xf32, #tpu.memory_space<hbm>>
      %dma_wait3A_116 = tpu.memref_squeeze %dma_wait3A_115 : memref<1x640xf32, #tpu.memory_space<hbm>> -> memref<640xf32, #tpu.memory_space<hbm>>
      %dma_wait3A_117 = tpu.memref_slice %arg6[%run_scoped3A_73, %mul3A_72] : memref<2x10240xf32, #tpu.memory_space<hbm>> -> memref<1x640xf32, #tpu.memory_space<hbm>>
      %dma_wait3A_118 = tpu.memref_squeeze %dma_wait3A_117 : memref<1x640xf32, #tpu.memory_space<hbm>> -> memref<640xf32, #tpu.memory_space<hbm>>
      tpu.wait_dma2 semaphore(%run_scoped3A_110 : memref<!tpu.dma_semaphore, #tpu.memory_space<semaphore_mem>>) src(%dma_wait3A_118 : memref<640xf32, #tpu.memory_space<hbm>>) dst(%arg13 : memref<640xf32, #tpu.memory_space<vmem>>)
      tpu.yield
    }) : () -> ()
    %parallel_loop3A = arith.constant 0 : i32
    %parallel_loop3A_74 = arith.constant 40 : i32
    %parallel_loop3A_75 = arith.constant 1 : i32
    scf.for %parallel_loop3A_110 = %parallel_loop3A to %parallel_loop3A_74 step %parallel_loop3A_75  : i32 {
      %parallel_loop3A_111 = arith.constant 16 : i32
      %parallel_loop3A_112 = arith.muli %parallel_loop3A_110, %parallel_loop3A_111 : i32
      %parallel_loop3A_113 = arith.index_cast %parallel_loop3A_112 : i32 to index
      %parallel_loop3A_114 = tpu.vector_load %arg12[%parallel_loop3A_113] {strides = array<i32>} : memref<640xf32, #tpu.memory_space<vmem>>, vector<16xf32>,
      %parallel_loop3A_115 = arith.index_cast %parallel_loop3A_112 : i32 to index
      %parallel_loop3A_116 = tpu.vector_load %arg13[%parallel_loop3A_115] {strides = array<i32>} : memref<640xf32, #tpu.memory_space<vmem>>, vector<16xf32>,
      %parallel_loop3A_117 = arith.addf %parallel_loop3A_114, %parallel_loop3A_116 : vector<16xf32>
      %parallel_loop3A_118 = arith.constant 2.000000e+00 : f32
      %parallel_loop3A_119 = vector.broadcast %parallel_loop3A_118 : f32 to vector<16xf32>
      %parallel_loop3A_120 = arith.addf %parallel_loop3A_117, %parallel_loop3A_119 : vector<16xf32>
      %parallel_loop3A_121 = arith.constant 8.000000e+00 : f32
      %parallel_loop3A_122 = vector.broadcast %parallel_loop3A_121 : f32 to vector<16xf32>
      %parallel_loop3A_123 = arith.cmpf olt, %parallel_loop3A_120, %parallel_loop3A_122 : vector<16xf32>
      %parallel_loop3A_124 = arith.constant 1.280000e+02 : f32
      %parallel_loop3A_125 = vector.broadcast %parallel_loop3A_124 : f32 to vector<16xf32>
      %parallel_loop3A_126 = arith.cmpf olt, %parallel_loop3A_120, %parallel_loop3A_125 : vector<16xf32>
      %parallel_loop3A_127 = arith.constant 2.048000e+03 : f32
      %parallel_loop3A_128 = vector.broadcast %parallel_loop3A_127 : f32 to vector<16xf32>
      %parallel_loop3A_129 = arith.cmpf olt, %parallel_loop3A_120, %parallel_loop3A_128 : vector<16xf32>
      %parallel_loop3A_130 = arith.constant 3.276800e+04 : f32
      %parallel_loop3A_131 = vector.broadcast %parallel_loop3A_130 : f32 to vector<16xf32>
      %parallel_loop3A_132 = arith.cmpf olt, %parallel_loop3A_120, %parallel_loop3A_131 : vector<16xf32>
      %parallel_loop3A_133 = arith.constant 5.524270e-03 : f32
      %parallel_loop3A_134 = arith.constant 1.381070e-03 : f32
      %parallel_loop3A_135 = vector.broadcast %parallel_loop3A_133 : f32 to vector<16xf32>
      %parallel_loop3A_136 = vector.broadcast %parallel_loop3A_134 : f32 to vector<16xf32>
      %parallel_loop3A_137 = arith.select %parallel_loop3A_132, %parallel_loop3A_135, %parallel_loop3A_136 : vector<16xi1>, vector<16xf32>
      %parallel_loop3A_138 = arith.constant 0.0220970903 : f32
      %parallel_loop3A_139 = vector.broadcast %parallel_loop3A_138 : f32 to vector<16xf32>
      %parallel_loop3A_140 = arith.select %parallel_loop3A_129, %parallel_loop3A_139, %parallel_loop3A_137 : vector<16xi1>, vector<16xf32>
      %parallel_loop3A_141 = arith.constant 0.0883883535 : f32
      %parallel_loop3A_142 = vector.broadcast %parallel_loop3A_141 : f32 to vector<16xf32>
      %parallel_loop3A_143 = arith.select %parallel_loop3A_126, %parallel_loop3A_142, %parallel_loop3A_140 : vector<16xi1>, vector<16xf32>
      %parallel_loop3A_144 = arith.constant 0.353553385 : f32
      %parallel_loop3A_145 = vector.broadcast %parallel_loop3A_144 : f32 to vector<16xf32>
      %parallel_loop3A_146 = arith.select %parallel_loop3A_123, %parallel_loop3A_145, %parallel_loop3A_143 : vector<16xi1>, vector<16xf32>
      %parallel_loop3A_147 = arith.constant 5.000000e-01 : f32
      %parallel_loop3A_148 = vector.broadcast %parallel_loop3A_147 : f32 to vector<16xf32>
      %parallel_loop3A_149 = arith.mulf %parallel_loop3A_148, %parallel_loop3A_120 : vector<16xf32>
      %parallel_loop3A_150 = arith.mulf %parallel_loop3A_149, %parallel_loop3A_146 : vector<16xf32>
      %parallel_loop3A_151 = arith.mulf %parallel_loop3A_150, %parallel_loop3A_146 : vector<16xf32>
      %parallel_loop3A_152 = arith.constant 1.500000e+00 : f32
      %parallel_loop3A_153 = vector.broadcast %parallel_loop3A_152 : f32 to vector<16xf32>
      %parallel_loop3A_154 = arith.subf %parallel_loop3A_153, %parallel_loop3A_151 : vector<16xf32>
      %parallel_loop3A_155 = arith.mulf %parallel_loop3A_146, %parallel_loop3A_154 : vector<16xf32>
      %parallel_loop3A_156 = arith.constant 5.000000e-01 : f32
      %parallel_loop3A_157 = vector.broadcast %parallel_loop3A_156 : f32 to vector<16xf32>
      %parallel_loop3A_158 = arith.mulf %parallel_loop3A_157, %parallel_loop3A_120 : vector<16xf32>
      %parallel_loop3A_159 = arith.mulf %parallel_loop3A_158, %parallel_loop3A_155 : vector<16xf32>
      %parallel_loop3A_160 = arith.mulf %parallel_loop3A_159, %parallel_loop3A_155 : vector<16xf32>
      %parallel_loop3A_161 = arith.constant 1.500000e+00 : f32
      %parallel_loop3A_162 = vector.broadcast %parallel_loop3A_161 : f32 to vector<16xf32>
      %parallel_loop3A_163 = arith.subf %parallel_loop3A_162, %parallel_loop3A_160 : vector<16xf32>
      %parallel_loop3A_164 = arith.mulf %parallel_loop3A_155, %parallel_loop3A_163 : vector<16xf32>
      %parallel_loop3A_165 = arith.constant 5.000000e-01 : f32
      %parallel_loop3A_166 = vector.broadcast %parallel_loop3A_165 : f32 to vector<16xf32>
      %parallel_loop3A_167 = arith.mulf %parallel_loop3A_166, %parallel_loop3A_120 : vector<16xf32>
      %parallel_loop3A_168 = arith.mulf %parallel_loop3A_167, %parallel_loop3A_164 : vector<16xf32>
      %parallel_loop3A_169 = arith.mulf %parallel_loop3A_168, %parallel_loop3A_164 : vector<16xf32>
      %parallel_loop3A_170 = arith.constant 1.500000e+00 : f32
      %parallel_loop3A_171 = vector.broadcast %parallel_loop3A_170 : f32 to vector<16xf32>
      %parallel_loop3A_172 = arith.subf %parallel_loop3A_171, %parallel_loop3A_169 : vector<16xf32>
      %parallel_loop3A_173 = arith.mulf %parallel_loop3A_164, %parallel_loop3A_172 : vector<16xf32>
      %parallel_loop3A_174 = arith.constant 5.000000e-01 : f32
      %parallel_loop3A_175 = vector.broadcast %parallel_loop3A_174 : f32 to vector<16xf32>
      %parallel_loop3A_176 = arith.mulf %parallel_loop3A_175, %parallel_loop3A_120 : vector<16xf32>
      %parallel_loop3A_177 = arith.mulf %parallel_loop3A_176, %parallel_loop3A_173 : vector<16xf32>
      %parallel_loop3A_178 = arith.mulf %parallel_loop3A_177, %parallel_loop3A_173 : vector<16xf32>
      %parallel_loop3A_179 = arith.constant 1.500000e+00 : f32
      %parallel_loop3A_180 = vector.broadcast %parallel_loop3A_179 : f32 to vector<16xf32>
      %parallel_loop3A_181 = arith.subf %parallel_loop3A_180, %parallel_loop3A_178 : vector<16xf32>
      %parallel_loop3A_182 = arith.mulf %parallel_loop3A_173, %parallel_loop3A_181 : vector<16xf32>
      %parallel_loop3A_183 = arith.constant 5.000000e-01 : f32
      %parallel_loop3A_184 = vector.broadcast %parallel_loop3A_183 : f32 to vector<16xf32>
      %parallel_loop3A_185 = arith.mulf %parallel_loop3A_184, %parallel_loop3A_120 : vector<16xf32>
      %parallel_loop3A_186 = arith.mulf %parallel_loop3A_185, %parallel_loop3A_182 : vector<16xf32>
      %parallel_loop3A_187 = arith.mulf %parallel_loop3A_186, %parallel_loop3A_182 : vector<16xf32>
      %parallel_loop3A_188 = arith.constant 1.500000e+00 : f32
      %parallel_loop3A_189 = vector.broadcast %parallel_loop3A_188 : f32 to vector<16xf32>
      %parallel_loop3A_190 = arith.subf %parallel_loop3A_189, %parallel_loop3A_187 : vector<16xf32>
      %parallel_loop3A_191 = arith.mulf %parallel_loop3A_182, %parallel_loop3A_190 : vector<16xf32>
      %parallel_loop3A_192 = arith.constant 5.000000e-01 : f32
      %parallel_loop3A_193 = vector.broadcast %parallel_loop3A_192 : f32 to vector<16xf32>
      %parallel_loop3A_194 = arith.mulf %parallel_loop3A_193, %parallel_loop3A_120 : vector<16xf32>
      %parallel_loop3A_195 = arith.mulf %parallel_loop3A_194, %parallel_loop3A_191 : vector<16xf32>
      %parallel_loop3A_196 = arith.mulf %parallel_loop3A_195, %parallel_loop3A_191 : vector<16xf32>
      %parallel_loop3A_197 = arith.constant 1.500000e+00 : f32
      %parallel_loop3A_198 = vector.broadcast %parallel_loop3A_197 : f32 to vector<16xf32>
      %parallel_loop3A_199 = arith.subf %parallel_loop3A_198, %parallel_loop3A_196 : vector<16xf32>
      %parallel_loop3A_200 = arith.mulf %parallel_loop3A_191, %parallel_loop3A_199 : vector<16xf32>
      %parallel_loop3A_201 = arith.constant 5.000000e-01 : f32
      %parallel_loop3A_202 = vector.broadcast %parallel_loop3A_201 : f32 to vector<16xf32>
      %parallel_loop3A_203 = arith.mulf %parallel_loop3A_202, %parallel_loop3A_120 : vector<16xf32>
      %parallel_loop3A_204 = arith.mulf %parallel_loop3A_203, %parallel_loop3A_200 : vector<16xf32>
      %parallel_loop3A_205 = arith.mulf %parallel_loop3A_204, %parallel_loop3A_200 : vector<16xf32>
      %parallel_loop3A_206 = arith.constant 1.500000e+00 : f32
      %parallel_loop3A_207 = vector.broadcast %parallel_loop3A_206 : f32 to vector<16xf32>
      %parallel_loop3A_208 = arith.subf %parallel_loop3A_207, %parallel_loop3A_205 : vector<16xf32>
      %parallel_loop3A_209 = arith.mulf %parallel_loop3A_200, %parallel_loop3A_208 : vector<16xf32>
      %parallel_loop3A_210 = arith.constant 5.000000e-01 : f32
      %parallel_loop3A_211 = vector.broadcast %parallel_loop3A_210 : f32 to vector<16xf32>
      %parallel_loop3A_212 = arith.mulf %parallel_loop3A_211, %parallel_loop3A_120 : vector<16xf32>
      %parallel_loop3A_213 = arith.mulf %parallel_loop3A_212, %parallel_loop3A_209 : vector<16xf32>
      %parallel_loop3A_214 = arith.mulf %parallel_loop3A_213, %parallel_loop3A_209 : vector<16xf32>
      %parallel_loop3A_215 = arith.constant 1.500000e+00 : f32
      %parallel_loop3A_216 = vector.broadcast %parallel_loop3A_215 : f32 to vector<16xf32>
      %parallel_loop3A_217 = arith.subf %parallel_loop3A_216, %parallel_loop3A_214 : vector<16xf32>
      %parallel_loop3A_218 = arith.mulf %parallel_loop3A_209, %parallel_loop3A_217 : vector<16xf32>
      %parallel_loop3A_219 = arith.constant 0.000000e+00 : f32
      %parallel_loop3A_220 = vector.broadcast %parallel_loop3A_219 : f32 to vector<16xf32>
      %parallel_loop3A_221 = arith.cmpf ogt, %parallel_loop3A_120, %parallel_loop3A_220 : vector<16xf32>
      %parallel_loop3A_222 = arith.constant 0.000000e+00 : f32
      %parallel_loop3A_223 = vector.broadcast %parallel_loop3A_222 : f32 to vector<16xf32>
      %parallel_loop3A_224 = arith.select %parallel_loop3A_221, %parallel_loop3A_218, %parallel_loop3A_223 : vector<16xi1>, vector<16xf32>
      %parallel_loop3A_225 = arith.constant 16 : i32
      %parallel_loop3A_226 = arith.muli %parallel_loop3A_110, %parallel_loop3A_225 : i32
      %parallel_loop3A_227 = arith.addi %mul3A_72, %parallel_loop3A_226 : i32
      %parallel_loop3A_228 = arith.index_cast %parallel_loop3A_227 : i32 to index
      %parallel_loop3A_229 = tpu.vector_load %arg14[%parallel_loop3A_228] {strides = array<i32>} : memref<10240xf32, #tpu.memory_space<vmem>>, vector<16xf32>,
      tpu.vector_store %arg14[%parallel_loop3A_228], %parallel_loop3A_224 {strides = array<i32>} : memref<10240xf32, #tpu.memory_space<vmem>>, vector<16xf32>,
    } {sc.loop_unroll_factor = 2 : i64, sc.parallel_access}
    "tpu.region"() ({
      %run_scoped3A_110 = tpu.sem_alloc : memref<!tpu.dma_semaphore, #tpu.memory_space<semaphore_mem>>
      %dma_start3A_111 = tpu.memref_slice %arg14[%mul3A_72] : memref<10240xf32, #tpu.memory_space<vmem>> -> memref<640xf32, #tpu.memory_space<vmem>>
      %dma_start3A_112 = tpu.memref_slice %arg19[%mul3A_72] : memref<10240xf32, #tpu.memory_space<vmem_shared>> -> memref<640xf32, #tpu.memory_space<vmem_shared>>
      %dma_start3A_113 = tpu.memref_slice %arg19[%mul3A_72] : memref<10240xf32, #tpu.memory_space<vmem_shared>> -> memref<640xf32, #tpu.memory_space<vmem_shared>>
      %dma_start3A_114 = tpu.memref_slice %arg14[%mul3A_72] : memref<10240xf32, #tpu.memory_space<vmem>> -> memref<640xf32, #tpu.memory_space<vmem>>
      tpu.enqueue_dma source(%dma_start3A_114 : memref<640xf32, #tpu.memory_space<vmem>>) target(%dma_start3A_113 : memref<640xf32, #tpu.memory_space<vmem_shared>>) target_semaphore(%run_scoped3A_110 : memref<!tpu.dma_semaphore, #tpu.memory_space<semaphore_mem>>)
      %dma_wait3A_115 = tpu.memref_slice %arg14[%mul3A_72] : memref<10240xf32, #tpu.memory_space<vmem>> -> memref<640xf32, #tpu.memory_space<vmem>>
      %dma_wait3A_116 = tpu.memref_slice %arg19[%mul3A_72] : memref<10240xf32, #tpu.memory_space<vmem_shared>> -> memref<640xf32, #tpu.memory_space<vmem_shared>>
      %dma_wait3A_117 = tpu.memref_slice %arg19[%mul3A_72] : memref<10240xf32, #tpu.memory_space<vmem_shared>> -> memref<640xf32, #tpu.memory_space<vmem_shared>>
      %dma_wait3A_118 = tpu.memref_slice %arg14[%mul3A_72] : memref<10240xf32, #tpu.memory_space<vmem>> -> memref<640xf32, #tpu.memory_space<vmem>>
      tpu.wait_dma2 semaphore(%run_scoped3A_110 : memref<!tpu.dma_semaphore, #tpu.memory_space<semaphore_mem>>) src(%dma_wait3A_118 : memref<640xf32, #tpu.memory_space<vmem>>) dst(%dma_wait3A_117 : memref<640xf32, #tpu.memory_space<vmem_shared>>)
      tpu.yield
    }) : () -> ()
    %barrier3A = arith.constant 0 : index
    tpu.barrier barrier_id(%barrier3A)
    "tpu.region"() ({
      %run_scoped3A_110 = tpu.sem_alloc : memref<!tpu.dma_semaphore, #tpu.memory_space<semaphore_mem>>
      tpu.enqueue_dma source(%arg19 : memref<10240xf32, #tpu.memory_space<vmem_shared>>) target(%arg14 : memref<10240xf32, #tpu.memory_space<vmem>>) target_semaphore(%run_scoped3A_110 : memref<!tpu.dma_semaphore, #tpu.memory_space<semaphore_mem>>)
      tpu.wait_dma2 semaphore(%run_scoped3A_110 : memref<!tpu.dma_semaphore, #tpu.memory_space<semaphore_mem>>) src(%arg19 : memref<10240xf32, #tpu.memory_space<vmem_shared>>) dst(%arg14 : memref<10240xf32, #tpu.memory_space<vmem>>)
      tpu.yield
    }) : () -> ()
    %eq3A = arith.constant 0 : i32
    %eq3A_76 = arith.cmpi eq, %arg0, %eq3A : i32
    %eq3A_77 = arith.constant 0 : i32
    %eq3A_78 = arith.cmpi eq, %arg1, %eq3A_77 : i32
    %and3A = arith.andi %eq3A_76, %eq3A_78 : i1
    %convert_element_type3A = arith.extui %and3A : i1 to i32
    %cond3A = arith.constant 0 : i32
    %cond3A_79 = arith.cmpi ne, %convert_element_type3A, %cond3A : i32
    scf.if %cond3A_79 {
      "tpu.region"() ({
        %run_scoped3A_110 = tpu.sem_alloc : memref<!tpu.dma_semaphore, #tpu.memory_space<semaphore_mem>>
        tpu.enqueue_dma source(%arg19 : memref<10240xf32, #tpu.memory_space<vmem_shared>>) target(%arg8 : memref<10240xf32, #tpu.memory_space<hbm>>) target_semaphore(%run_scoped3A_110 : memref<!tpu.dma_semaphore, #tpu.memory_space<semaphore_mem>>)
        tpu.wait_dma2 semaphore(%run_scoped3A_110 : memref<!tpu.dma_semaphore, #tpu.memory_space<semaphore_mem>>) src(%arg19 : memref<10240xf32, #tpu.memory_space<vmem_shared>>) dst(%arg8 : memref<10240xf32, #tpu.memory_space<hbm>>)
        tpu.yield
      }) : () -> ()
    } else {
    }
    %mul3A_80 = arith.constant 16 : i32
    %mul3A_81 = arith.muli %arg0, %mul3A_80 : i32
    %add3A_82 = arith.addi %mul3A_81, %arg1 : i32
    %mul3A_83 = arith.constant 80 : i32
    %mul3A_84 = arith.muli %add3A_82, %mul3A_83 : i32
    %scan3A_85 = arith.constant 0 : i32
    %scan3A_86 = arith.constant 0 : i32
    %scan3A_87 = arith.constant 10 : i32
    %scan3A_88 = arith.addi %scan3A_86, %scan3A_87 : i32
    %scan3A_89 = arith.constant 1 : i32
    scf.for %scan3A_110 = %scan3A_86 to %scan3A_88 step %scan3A_89  : i32 {
      %gt3A = arith.constant 0 : i32
      %gt3A_111 = arith.cmpi sgt, %scan3A_110, %gt3A : i32
      %convert_element_type3A_112 = arith.extui %gt3A_111 : i1 to i32
      %cond3A_113 = arith.constant 0 : i32
      %cond3A_114 = arith.cmpi ne, %convert_element_type3A_112, %cond3A_113 : i32
      scf.if %cond3A_114 {
        %dma_wait3A_131 = arith.constant 0 : i32
        %dma_wait3A_132 = arith.constant 0 : i32
        %dma_wait3A_133 = tpu.memref_slice %arg10[%dma_wait3A_131, %dma_wait3A_132] : memref<8x128xi32, #tpu.memory_space<vmem>> -> memref<1x128xi32, #tpu.memory_space<vmem>>
        %dma_wait3A_134 = tpu.memref_squeeze %dma_wait3A_133 : memref<1x128xi32, #tpu.memory_space<vmem>> -> memref<128xi32, #tpu.memory_space<vmem>>
        %dma_wait3A_135 = arith.constant 0 : i32
        %dma_wait3A_136 = arith.constant 0 : i32
        %dma_wait3A_137 = tpu.memref_slice %arg18[%dma_wait3A_135, %dma_wait3A_136] : memref<10240x128xf32, #tpu.memory_space<vmem_shared>> -> memref<10240x128xf32, #tpu.memory_space<vmem_shared>>
        tpu.wait_indirect_dma semaphore(%arg22 : memref<!tpu.dma_semaphore, #tpu.memory_space<semaphore_mem>>) src(%arg16 : memref<128x128xf32, #tpu.memory_space<vmem>>) dst(%dma_wait3A_137 : memref<10240x128xf32, #tpu.memory_space<vmem_shared>>)
        %dma_wait3A_138 = arith.constant 1 : i32
        %dma_wait3A_139 = arith.constant 0 : i32
        %dma_wait3A_140 = tpu.memref_slice %arg10[%dma_wait3A_138, %dma_wait3A_139] : memref<8x128xi32, #tpu.memory_space<vmem>> -> memref<1x128xi32, #tpu.memory_space<vmem>>
        %dma_wait3A_141 = tpu.memref_squeeze %dma_wait3A_140 : memref<1x128xi32, #tpu.memory_space<vmem>> -> memref<128xi32, #tpu.memory_space<vmem>>
        %dma_wait3A_142 = arith.constant 0 : i32
        %dma_wait3A_143 = arith.constant 0 : i32
        %dma_wait3A_144 = tpu.memref_slice %arg18[%dma_wait3A_142, %dma_wait3A_143] : memref<10240x128xf32, #tpu.memory_space<vmem_shared>> -> memref<10240x128xf32, #tpu.memory_space<vmem_shared>>
        tpu.wait_indirect_dma semaphore(%arg23 : memref<!tpu.dma_semaphore, #tpu.memory_space<semaphore_mem>>) src(%arg17 : memref<128x128xf32, #tpu.memory_space<vmem>>) dst(%dma_wait3A_144 : memref<10240x128xf32, #tpu.memory_space<vmem_shared>>)
      } else {
      }
      %mul3A_115 = arith.constant 8 : i32
      %mul3A_116 = arith.muli %scan3A_110, %mul3A_115 : i32
      %add3A_117 = arith.addi %mul3A_84, %mul3A_116 : i32
      "tpu.region"() ({
        %run_scoped3A_131 = tpu.sem_alloc : memref<!tpu.dma_semaphore, #tpu.memory_space<semaphore_mem>>
        %dma_start3A_132 = arith.constant 0 : i32
        %dma_start3A_133 = tpu.memref_slice %arg2[%add3A_117, %dma_start3A_132] : memref<2560x128xi32, #tpu.memory_space<hbm>> -> memref<8x128xi32, #tpu.memory_space<hbm>>
        %dma_start3A_134 = arith.constant 0 : i32
        %dma_start3A_135 = tpu.memref_slice %arg2[%add3A_117, %dma_start3A_134] : memref<2560x128xi32, #tpu.memory_space<hbm>> -> memref<8x128xi32, #tpu.memory_space<hbm>>
        tpu.enqueue_dma source(%dma_start3A_135 : memref<8x128xi32, #tpu.memory_space<hbm>>) target(%arg9 : memref<8x128xi32, #tpu.memory_space<vmem>>) target_semaphore(%run_scoped3A_131 : memref<!tpu.dma_semaphore, #tpu.memory_space<semaphore_mem>>)
        %dma_wait3A_136 = arith.constant 0 : i32
        %dma_wait3A_137 = tpu.memref_slice %arg2[%add3A_117, %dma_wait3A_136] : memref<2560x128xi32, #tpu.memory_space<hbm>> -> memref<8x128xi32, #tpu.memory_space<hbm>>
        %dma_wait3A_138 = arith.constant 0 : i32
        %dma_wait3A_139 = tpu.memref_slice %arg2[%add3A_117, %dma_wait3A_138] : memref<2560x128xi32, #tpu.memory_space<hbm>> -> memref<8x128xi32, #tpu.memory_space<hbm>>
        tpu.wait_dma2 semaphore(%run_scoped3A_131 : memref<!tpu.dma_semaphore, #tpu.memory_space<semaphore_mem>>) src(%dma_wait3A_139 : memref<8x128xi32, #tpu.memory_space<hbm>>) dst(%arg9 : memref<8x128xi32, #tpu.memory_space<vmem>>)
        tpu.yield
      }) : () -> ()
      "tpu.region"() ({
        %run_scoped3A_131 = tpu.sem_alloc : memref<!tpu.dma_semaphore, #tpu.memory_space<semaphore_mem>>
        %dma_start3A_132 = arith.constant 0 : i32
        %dma_start3A_133 = tpu.memref_slice %arg3[%add3A_117, %dma_start3A_132] : memref<2560x128xi32, #tpu.memory_space<hbm>> -> memref<8x128xi32, #tpu.memory_space<hbm>>
        %dma_start3A_134 = arith.constant 0 : i32
        %dma_start3A_135 = tpu.memref_slice %arg3[%add3A_117, %dma_start3A_134] : memref<2560x128xi32, #tpu.memory_space<hbm>> -> memref<8x128xi32, #tpu.memory_space<hbm>>
        tpu.enqueue_dma source(%dma_start3A_135 : memref<8x128xi32, #tpu.memory_space<hbm>>) target(%arg10 : memref<8x128xi32, #tpu.memory_space<vmem>>) target_semaphore(%run_scoped3A_131 : memref<!tpu.dma_semaphore, #tpu.memory_space<semaphore_mem>>)
        %dma_wait3A_136 = arith.constant 0 : i32
        %dma_wait3A_137 = tpu.memref_slice %arg3[%add3A_117, %dma_wait3A_136] : memref<2560x128xi32, #tpu.memory_space<hbm>> -> memref<8x128xi32, #tpu.memory_space<hbm>>
        %dma_wait3A_138 = arith.constant 0 : i32
        %dma_wait3A_139 = tpu.memref_slice %arg3[%add3A_117, %dma_wait3A_138] : memref<2560x128xi32, #tpu.memory_space<hbm>> -> memref<8x128xi32, #tpu.memory_space<hbm>>
        tpu.wait_dma2 semaphore(%run_scoped3A_131 : memref<!tpu.dma_semaphore, #tpu.memory_space<semaphore_mem>>) src(%dma_wait3A_139 : memref<8x128xi32, #tpu.memory_space<hbm>>) dst(%arg10 : memref<8x128xi32, #tpu.memory_space<vmem>>)
        tpu.yield
      }) : () -> ()
      "tpu.region"() ({
        %run_scoped3A_131 = tpu.sem_alloc : memref<!tpu.dma_semaphore, #tpu.memory_space<semaphore_mem>>
        %dma_start3A_132 = arith.constant 0 : i32
        %dma_start3A_133 = tpu.memref_slice %arg4[%add3A_117, %dma_start3A_132] : memref<2560x128xf32, #tpu.memory_space<hbm>> -> memref<8x128xf32, #tpu.memory_space<hbm>>
        %dma_start3A_134 = arith.constant 0 : i32
        %dma_start3A_135 = tpu.memref_slice %arg4[%add3A_117, %dma_start3A_134] : memref<2560x128xf32, #tpu.memory_space<hbm>> -> memref<8x128xf32, #tpu.memory_space<hbm>>
        tpu.enqueue_dma source(%dma_start3A_135 : memref<8x128xf32, #tpu.memory_space<hbm>>) target(%arg11 : memref<8x128xf32, #tpu.memory_space<vmem>>) target_semaphore(%run_scoped3A_131 : memref<!tpu.dma_semaphore, #tpu.memory_space<semaphore_mem>>)
        %dma_wait3A_136 = arith.constant 0 : i32
        %dma_wait3A_137 = tpu.memref_slice %arg4[%add3A_117, %dma_wait3A_136] : memref<2560x128xf32, #tpu.memory_space<hbm>> -> memref<8x128xf32, #tpu.memory_space<hbm>>
        %dma_wait3A_138 = arith.constant 0 : i32
        %dma_wait3A_139 = tpu.memref_slice %arg4[%add3A_117, %dma_wait3A_138] : memref<2560x128xf32, #tpu.memory_space<hbm>> -> memref<8x128xf32, #tpu.memory_space<hbm>>
        tpu.wait_dma2 semaphore(%run_scoped3A_131 : memref<!tpu.dma_semaphore, #tpu.memory_space<semaphore_mem>>) src(%dma_wait3A_139 : memref<8x128xf32, #tpu.memory_space<hbm>>) dst(%arg11 : memref<8x128xf32, #tpu.memory_space<vmem>>)
        tpu.yield
      }) : () -> ()
      %dma_start3A_118 = arith.constant 0 : i32
      %dma_start3A_119 = arith.constant 0 : i32
      %dma_start3A_120 = tpu.memref_slice %arg9[%dma_start3A_118, %dma_start3A_119] : memref<8x128xi32, #tpu.memory_space<vmem>> -> memref<1x128xi32, #tpu.memory_space<vmem>>
      %dma_start3A_121 = tpu.memref_squeeze %dma_start3A_120 : memref<1x128xi32, #tpu.memory_space<vmem>> -> memref<128xi32, #tpu.memory_space<vmem>>
      %dma_start3A_122 = arith.constant 0 : i32
      %dma_start3A_123 = arith.constant 0 : i32
      %dma_start3A_124 = tpu.memref_slice %arg5[%dma_start3A_122, %dma_start3A_123] : memref<10000x128xf32, #tpu.memory_space<hbm>> -> memref<10000x128xf32, #tpu.memory_space<hbm>>
      tpu.enqueue_indirect_dma source(%dma_start3A_124 : memref<10000x128xf32, #tpu.memory_space<hbm>>) target(%arg16 : memref<128x128xf32, #tpu.memory_space<vmem>>) offsets(%dma_start3A_121 : memref<128xi32, #tpu.memory_space<vmem>>) semaphore(%arg20 : memref<!tpu.dma_semaphore, #tpu.memory_space<semaphore_mem>>)
      %scan3A_125 = arith.constant 0 : i32
      %scan3A_126 = arith.constant 0 : i32
      %scan3A_127 = arith.constant 4 : i32
      %scan3A_128 = arith.addi %scan3A_126, %scan3A_127 : i32
      %scan3A_129 = arith.constant 1 : i32
      scf.for %scan3A_131 = %scan3A_126 to %scan3A_128 step %scan3A_129  : i32 {
        %mul3A_132 = arith.constant 2 : i32
        %mul3A_133 = arith.muli %mul3A_132, %scan3A_131 : i32
        %add3A_134 = arith.constant 1 : i32
        %add3A_135 = arith.addi %mul3A_133, %add3A_134 : i32
        %gt3A_136 = arith.constant 0 : i32
        %gt3A_137 = arith.cmpi sgt, %scan3A_131, %gt3A_136 : i32
        %convert_element_type3A_138 = arith.extui %gt3A_137 : i1 to i32
        %cond3A_139 = arith.constant 0 : i32
        %cond3A_140 = arith.cmpi ne, %convert_element_type3A_138, %cond3A_139 : i32
        scf.if %cond3A_140 {
          %dma_wait3A_338 = arith.constant 0 : i32
          %dma_wait3A_339 = tpu.memref_slice %arg10[%add3A_135, %dma_wait3A_338] : memref<8x128xi32, #tpu.memory_space<vmem>> -> memref<1x128xi32, #tpu.memory_space<vmem>>
          %dma_wait3A_340 = tpu.memref_squeeze %dma_wait3A_339 : memref<1x128xi32, #tpu.memory_space<vmem>> -> memref<128xi32, #tpu.memory_space<vmem>>
          %dma_wait3A_341 = arith.constant 0 : i32
          %dma_wait3A_342 = arith.constant 0 : i32
          %dma_wait3A_343 = tpu.memref_slice %arg18[%dma_wait3A_341, %dma_wait3A_342] : memref<10240x128xf32, #tpu.memory_space<vmem_shared>> -> memref<10240x128xf32, #tpu.memory_space<vmem_shared>>
          tpu.wait_indirect_dma semaphore(%arg23 : memref<!tpu.dma_semaphore, #tpu.memory_space<semaphore_mem>>) src(%arg17 : memref<128x128xf32, #tpu.memory_space<vmem>>) dst(%dma_wait3A_343 : memref<10240x128xf32, #tpu.memory_space<vmem_shared>>)
        } else {
        }
        %dma_start3A_141 = arith.constant 0 : i32
        %dma_start3A_142 = tpu.memref_slice %arg9[%add3A_135, %dma_start3A_141] : memref<8x128xi32, #tpu.memory_space<vmem>> -> memref<1x128xi32, #tpu.memory_space<vmem>>
        %dma_start3A_143 = tpu.memref_squeeze %dma_start3A_142 : memref<1x128xi32, #tpu.memory_space<vmem>> -> memref<128xi32, #tpu.memory_space<vmem>>
        %dma_start3A_144 = arith.constant 0 : i32
        %dma_start3A_145 = arith.constant 0 : i32
        %dma_start3A_146 = tpu.memref_slice %arg5[%dma_start3A_144, %dma_start3A_145] : memref<10000x128xf32, #tpu.memory_space<hbm>> -> memref<10000x128xf32, #tpu.memory_space<hbm>>
        tpu.enqueue_indirect_dma source(%dma_start3A_146 : memref<10000x128xf32, #tpu.memory_space<hbm>>) target(%arg17 : memref<128x128xf32, #tpu.memory_space<vmem>>) offsets(%dma_start3A_143 : memref<128xi32, #tpu.memory_space<vmem>>) semaphore(%arg21 : memref<!tpu.dma_semaphore, #tpu.memory_space<semaphore_mem>>)
        %get3A = arith.index_cast %mul3A_133 : i32 to index
        %get3A_147 = arith.constant 0 : index
        %get3A_148 = tpu.vector_load %arg9[%get3A, %get3A_147] {strides = array<i32>} : memref<8x128xi32, #tpu.memory_space<vmem>>, vector<16xi32>,
        %get3A_149 = arith.index_cast %mul3A_133 : i32 to index
        %get3A_150 = arith.constant 16 : index
        %get3A_151 = tpu.vector_load %arg9[%get3A_149, %get3A_150] {strides = array<i32>} : memref<8x128xi32, #tpu.memory_space<vmem>>, vector<16xi32>,
        %get3A_152 = arith.index_cast %mul3A_133 : i32 to index
        %get3A_153 = arith.constant 32 : index
        %get3A_154 = tpu.vector_load %arg9[%get3A_152, %get3A_153] {strides = array<i32>} : memref<8x128xi32, #tpu.memory_space<vmem>>, vector<16xi32>,
        %get3A_155 = arith.index_cast %mul3A_133 : i32 to index
        %get3A_156 = arith.constant 48 : index
        %get3A_157 = tpu.vector_load %arg9[%get3A_155, %get3A_156] {strides = array<i32>} : memref<8x128xi32, #tpu.memory_space<vmem>>, vector<16xi32>,
        %get3A_158 = arith.index_cast %mul3A_133 : i32 to index
        %get3A_159 = arith.constant 64 : index
        %get3A_160 = tpu.vector_load %arg9[%get3A_158, %get3A_159] {strides = array<i32>} : memref<8x128xi32, #tpu.memory_space<vmem>>, vector<16xi32>,
        %get3A_161 = arith.index_cast %mul3A_133 : i32 to index
        %get3A_162 = arith.constant 80 : index
        %get3A_163 = tpu.vector_load %arg9[%get3A_161, %get3A_162] {strides = array<i32>} : memref<8x128xi32, #tpu.memory_space<vmem>>, vector<16xi32>,
        %get3A_164 = arith.index_cast %mul3A_133 : i32 to index
        %get3A_165 = arith.constant 96 : index
        %get3A_166 = tpu.vector_load %arg9[%get3A_164, %get3A_165] {strides = array<i32>} : memref<8x128xi32, #tpu.memory_space<vmem>>, vector<16xi32>,
        %get3A_167 = arith.index_cast %mul3A_133 : i32 to index
        %get3A_168 = arith.constant 112 : index
        %get3A_169 = tpu.vector_load %arg9[%get3A_167, %get3A_168] {strides = array<i32>} : memref<8x128xi32, #tpu.memory_space<vmem>>, vector<16xi32>,
        %gather3A = tpu.vector_load_idx %arg14[%get3A_148] : memref<10240xf32, #tpu.memory_space<vmem>>[vector<16xi32>], vector<16xf32>,
        %gather3A_170 = tpu.vector_load_idx %arg14[%get3A_151] : memref<10240xf32, #tpu.memory_space<vmem>>[vector<16xi32>], vector<16xf32>,
        %gather3A_171 = tpu.vector_load_idx %arg14[%get3A_154] : memref<10240xf32, #tpu.memory_space<vmem>>[vector<16xi32>], vector<16xf32>,
        %gather3A_172 = tpu.vector_load_idx %arg14[%get3A_157] : memref<10240xf32, #tpu.memory_space<vmem>>[vector<16xi32>], vector<16xf32>,
        %gather3A_173 = tpu.vector_load_idx %arg14[%get3A_160] : memref<10240xf32, #tpu.memory_space<vmem>>[vector<16xi32>], vector<16xf32>,
        %gather3A_174 = tpu.vector_load_idx %arg14[%get3A_163] : memref<10240xf32, #tpu.memory_space<vmem>>[vector<16xi32>], vector<16xf32>,
        %gather3A_175 = tpu.vector_load_idx %arg14[%get3A_166] : memref<10240xf32, #tpu.memory_space<vmem>>[vector<16xi32>], vector<16xf32>,
        %gather3A_176 = tpu.vector_load_idx %arg14[%get3A_169] : memref<10240xf32, #tpu.memory_space<vmem>>[vector<16xi32>], vector<16xf32>,
        %get3A_177 = arith.index_cast %mul3A_133 : i32 to index
        %get3A_178 = arith.constant 0 : index
        %get3A_179 = tpu.vector_load %arg11[%get3A_177, %get3A_178] {strides = array<i32>} : memref<8x128xf32, #tpu.memory_space<vmem>>, vector<16xf32>,
        %mul3A_180 = arith.mulf %get3A_179, %gather3A : vector<16xf32>
        %swap3A = arith.constant 0 : index
        %swap3A_181 = tpu.vector_load %arg15[%swap3A] {strides = array<i32>} : memref<128xf32, #tpu.memory_space<vmem>>, vector<16xf32>,
        tpu.vector_store %arg15[%swap3A], %mul3A_180 {strides = array<i32>} : memref<128xf32, #tpu.memory_space<vmem>>, vector<16xf32>,
        %get3A_182 = arith.index_cast %mul3A_133 : i32 to index
        %get3A_183 = arith.constant 16 : index
        %get3A_184 = tpu.vector_load %arg11[%get3A_182, %get3A_183] {strides = array<i32>} : memref<8x128xf32, #tpu.memory_space<vmem>>, vector<16xf32>,
        %mul3A_185 = arith.mulf %get3A_184, %gather3A_170 : vector<16xf32>
        %swap3A_186 = arith.constant 16 : index
        %swap3A_187 = tpu.vector_load %arg15[%swap3A_186] {strides = array<i32>} : memref<128xf32, #tpu.memory_space<vmem>>, vector<16xf32>,
        tpu.vector_store %arg15[%swap3A_186], %mul3A_185 {strides = array<i32>} : memref<128xf32, #tpu.memory_space<vmem>>, vector<16xf32>,
        %get3A_188 = arith.index_cast %mul3A_133 : i32 to index
        %get3A_189 = arith.constant 32 : index
        %get3A_190 = tpu.vector_load %arg11[%get3A_188, %get3A_189] {strides = array<i32>} : memref<8x128xf32, #tpu.memory_space<vmem>>, vector<16xf32>,
        %mul3A_191 = arith.mulf %get3A_190, %gather3A_171 : vector<16xf32>
        %swap3A_192 = arith.constant 32 : index
        %swap3A_193 = tpu.vector_load %arg15[%swap3A_192] {strides = array<i32>} : memref<128xf32, #tpu.memory_space<vmem>>, vector<16xf32>,
        tpu.vector_store %arg15[%swap3A_192], %mul3A_191 {strides = array<i32>} : memref<128xf32, #tpu.memory_space<vmem>>, vector<16xf32>,
        %get3A_194 = arith.index_cast %mul3A_133 : i32 to index
        %get3A_195 = arith.constant 48 : index
        %get3A_196 = tpu.vector_load %arg11[%get3A_194, %get3A_195] {strides = array<i32>} : memref<8x128xf32, #tpu.memory_space<vmem>>, vector<16xf32>,
        %mul3A_197 = arith.mulf %get3A_196, %gather3A_172 : vector<16xf32>
        %swap3A_198 = arith.constant 48 : index
        %swap3A_199 = tpu.vector_load %arg15[%swap3A_198] {strides = array<i32>} : memref<128xf32, #tpu.memory_space<vmem>>, vector<16xf32>,
        tpu.vector_store %arg15[%swap3A_198], %mul3A_197 {strides = array<i32>} : memref<128xf32, #tpu.memory_space<vmem>>, vector<16xf32>,
        %get3A_200 = arith.index_cast %mul3A_133 : i32 to index
        %get3A_201 = arith.constant 64 : index
        %get3A_202 = tpu.vector_load %arg11[%get3A_200, %get3A_201] {strides = array<i32>} : memref<8x128xf32, #tpu.memory_space<vmem>>, vector<16xf32>,
        %mul3A_203 = arith.mulf %get3A_202, %gather3A_173 : vector<16xf32>
        %swap3A_204 = arith.constant 64 : index
        %swap3A_205 = tpu.vector_load %arg15[%swap3A_204] {strides = array<i32>} : memref<128xf32, #tpu.memory_space<vmem>>, vector<16xf32>,
        tpu.vector_store %arg15[%swap3A_204], %mul3A_203 {strides = array<i32>} : memref<128xf32, #tpu.memory_space<vmem>>, vector<16xf32>,
        %get3A_206 = arith.index_cast %mul3A_133 : i32 to index
        %get3A_207 = arith.constant 80 : index
        %get3A_208 = tpu.vector_load %arg11[%get3A_206, %get3A_207] {strides = array<i32>} : memref<8x128xf32, #tpu.memory_space<vmem>>, vector<16xf32>,
        %mul3A_209 = arith.mulf %get3A_208, %gather3A_174 : vector<16xf32>
        %swap3A_210 = arith.constant 80 : index
        %swap3A_211 = tpu.vector_load %arg15[%swap3A_210] {strides = array<i32>} : memref<128xf32, #tpu.memory_space<vmem>>, vector<16xf32>,
        tpu.vector_store %arg15[%swap3A_210], %mul3A_209 {strides = array<i32>} : memref<128xf32, #tpu.memory_space<vmem>>, vector<16xf32>,
        %get3A_212 = arith.index_cast %mul3A_133 : i32 to index
        %get3A_213 = arith.constant 96 : index
        %get3A_214 = tpu.vector_load %arg11[%get3A_212, %get3A_213] {strides = array<i32>} : memref<8x128xf32, #tpu.memory_space<vmem>>, vector<16xf32>,
        %mul3A_215 = arith.mulf %get3A_214, %gather3A_175 : vector<16xf32>
        %swap3A_216 = arith.constant 96 : index
        %swap3A_217 = tpu.vector_load %arg15[%swap3A_216] {strides = array<i32>} : memref<128xf32, #tpu.memory_space<vmem>>, vector<16xf32>,
        tpu.vector_store %arg15[%swap3A_216], %mul3A_215 {strides = array<i32>} : memref<128xf32, #tpu.memory_space<vmem>>, vector<16xf32>,
        %get3A_218 = arith.index_cast %mul3A_133 : i32 to index
        %get3A_219 = arith.constant 112 : index
        %get3A_220 = tpu.vector_load %arg11[%get3A_218, %get3A_219] {strides = array<i32>} : memref<8x128xf32, #tpu.memory_space<vmem>>, vector<16xf32>,
        %mul3A_221 = arith.mulf %get3A_220, %gather3A_176 : vector<16xf32>
        %swap3A_222 = arith.constant 112 : index
        %swap3A_223 = tpu.vector_load %arg15[%swap3A_222] {strides = array<i32>} : memref<128xf32, #tpu.memory_space<vmem>>, vector<16xf32>,
        tpu.vector_store %arg15[%swap3A_222], %mul3A_221 {strides = array<i32>} : memref<128xf32, #tpu.memory_space<vmem>>, vector<16xf32>,
        %dma_wait3A_224 = arith.constant 0 : i32
        %dma_wait3A_225 = tpu.memref_slice %arg9[%mul3A_133, %dma_wait3A_224] : memref<8x128xi32, #tpu.memory_space<vmem>> -> memref<1x128xi32, #tpu.memory_space<vmem>>
        %dma_wait3A_226 = tpu.memref_squeeze %dma_wait3A_225 : memref<1x128xi32, #tpu.memory_space<vmem>> -> memref<128xi32, #tpu.memory_space<vmem>>
        %dma_wait3A_227 = arith.constant 0 : i32
        %dma_wait3A_228 = arith.constant 0 : i32
        %dma_wait3A_229 = tpu.memref_slice %arg5[%dma_wait3A_227, %dma_wait3A_228] : memref<10000x128xf32, #tpu.memory_space<hbm>> -> memref<10000x128xf32, #tpu.memory_space<hbm>>
        tpu.wait_indirect_dma semaphore(%arg20 : memref<!tpu.dma_semaphore, #tpu.memory_space<semaphore_mem>>) src(%dma_wait3A_229 : memref<10000x128xf32, #tpu.memory_space<hbm>>) dst(%arg16 : memref<128x128xf32, #tpu.memory_space<vmem>>)
        %parallel_loop3A_230 = arith.constant 0 : i32
        %parallel_loop3A_231 = arith.constant 128 : i32
        %parallel_loop3A_232 = arith.constant 1 : i32
        scf.for %parallel_loop3A_338 = %parallel_loop3A_230 to %parallel_loop3A_231 step %parallel_loop3A_232  : i32 {
          %parallel_loop3A_339 = arith.constant 0 : i32
          %parallel_loop3A_340 = vector.broadcast %parallel_loop3A_339 : i32 to vector<16xi32>
          %parallel_loop3A_341 = vector.broadcast %parallel_loop3A_338 : i32 to vector<16xi32>
          %parallel_loop3A_342 = arith.addi %parallel_loop3A_340, %parallel_loop3A_341 : vector<16xi32>
          %parallel_loop3A_343 = tpu.vector_load_idx %arg15[%parallel_loop3A_342] : memref<128xf32, #tpu.memory_space<vmem>>[vector<16xi32>], vector<16xf32>,
          %parallel_loop3A_344 = arith.index_cast %parallel_loop3A_338 : i32 to index
          %parallel_loop3A_345 = arith.constant 0 : index
          %parallel_loop3A_346 = tpu.vector_load %arg16[%parallel_loop3A_344, %parallel_loop3A_345] {strides = array<i32>} : memref<128x128xf32, #tpu.memory_space<vmem>>, vector<16xf32>,
          %parallel_loop3A_347 = arith.mulf %parallel_loop3A_346, %parallel_loop3A_343 : vector<16xf32>
          %parallel_loop3A_348 = arith.index_cast %parallel_loop3A_338 : i32 to index
          %parallel_loop3A_349 = arith.constant 0 : index
          %parallel_loop3A_350 = tpu.vector_load %arg16[%parallel_loop3A_348, %parallel_loop3A_349] {strides = array<i32>} : memref<128x128xf32, #tpu.memory_space<vmem>>, vector<16xf32>,
          tpu.vector_store %arg16[%parallel_loop3A_348, %parallel_loop3A_349], %parallel_loop3A_347 {strides = array<i32>} : memref<128x128xf32, #tpu.memory_space<vmem>>, vector<16xf32>,
          %parallel_loop3A_351 = arith.index_cast %parallel_loop3A_338 : i32 to index
          %parallel_loop3A_352 = arith.constant 16 : index
          %parallel_loop3A_353 = tpu.vector_load %arg16[%parallel_loop3A_351, %parallel_loop3A_352] {strides = array<i32>} : memref<128x128xf32, #tpu.memory_space<vmem>>, vector<16xf32>,
          %parallel_loop3A_354 = arith.mulf %parallel_loop3A_353, %parallel_loop3A_343 : vector<16xf32>
          %parallel_loop3A_355 = arith.index_cast %parallel_loop3A_338 : i32 to index
          %parallel_loop3A_356 = arith.constant 16 : index
          %parallel_loop3A_357 = tpu.vector_load %arg16[%parallel_loop3A_355, %parallel_loop3A_356] {strides = array<i32>} : memref<128x128xf32, #tpu.memory_space<vmem>>, vector<16xf32>,
          tpu.vector_store %arg16[%parallel_loop3A_355, %parallel_loop3A_356], %parallel_loop3A_354 {strides = array<i32>} : memref<128x128xf32, #tpu.memory_space<vmem>>, vector<16xf32>,
          %parallel_loop3A_358 = arith.index_cast %parallel_loop3A_338 : i32 to index
          %parallel_loop3A_359 = arith.constant 32 : index
          %parallel_loop3A_360 = tpu.vector_load %arg16[%parallel_loop3A_358, %parallel_loop3A_359] {strides = array<i32>} : memref<128x128xf32, #tpu.memory_space<vmem>>, vector<16xf32>,
          %parallel_loop3A_361 = arith.mulf %parallel_loop3A_360, %parallel_loop3A_343 : vector<16xf32>
          %parallel_loop3A_362 = arith.index_cast %parallel_loop3A_338 : i32 to index
          %parallel_loop3A_363 = arith.constant 32 : index
          %parallel_loop3A_364 = tpu.vector_load %arg16[%parallel_loop3A_362, %parallel_loop3A_363] {strides = array<i32>} : memref<128x128xf32, #tpu.memory_space<vmem>>, vector<16xf32>,
          tpu.vector_store %arg16[%parallel_loop3A_362, %parallel_loop3A_363], %parallel_loop3A_361 {strides = array<i32>} : memref<128x128xf32, #tpu.memory_space<vmem>>, vector<16xf32>,
          %parallel_loop3A_365 = arith.index_cast %parallel_loop3A_338 : i32 to index
          %parallel_loop3A_366 = arith.constant 48 : index
          %parallel_loop3A_367 = tpu.vector_load %arg16[%parallel_loop3A_365, %parallel_loop3A_366] {strides = array<i32>} : memref<128x128xf32, #tpu.memory_space<vmem>>, vector<16xf32>,
          %parallel_loop3A_368 = arith.mulf %parallel_loop3A_367, %parallel_loop3A_343 : vector<16xf32>
          %parallel_loop3A_369 = arith.index_cast %parallel_loop3A_338 : i32 to index
          %parallel_loop3A_370 = arith.constant 48 : index
          %parallel_loop3A_371 = tpu.vector_load %arg16[%parallel_loop3A_369, %parallel_loop3A_370] {strides = array<i32>} : memref<128x128xf32, #tpu.memory_space<vmem>>, vector<16xf32>,
          tpu.vector_store %arg16[%parallel_loop3A_369, %parallel_loop3A_370], %parallel_loop3A_368 {strides = array<i32>} : memref<128x128xf32, #tpu.memory_space<vmem>>, vector<16xf32>,
          %parallel_loop3A_372 = arith.index_cast %parallel_loop3A_338 : i32 to index
          %parallel_loop3A_373 = arith.constant 64 : index
          %parallel_loop3A_374 = tpu.vector_load %arg16[%parallel_loop3A_372, %parallel_loop3A_373] {strides = array<i32>} : memref<128x128xf32, #tpu.memory_space<vmem>>, vector<16xf32>,
          %parallel_loop3A_375 = arith.mulf %parallel_loop3A_374, %parallel_loop3A_343 : vector<16xf32>
          %parallel_loop3A_376 = arith.index_cast %parallel_loop3A_338 : i32 to index
          %parallel_loop3A_377 = arith.constant 64 : index
          %parallel_loop3A_378 = tpu.vector_load %arg16[%parallel_loop3A_376, %parallel_loop3A_377] {strides = array<i32>} : memref<128x128xf32, #tpu.memory_space<vmem>>, vector<16xf32>,
          tpu.vector_store %arg16[%parallel_loop3A_376, %parallel_loop3A_377], %parallel_loop3A_375 {strides = array<i32>} : memref<128x128xf32, #tpu.memory_space<vmem>>, vector<16xf32>,
          %parallel_loop3A_379 = arith.index_cast %parallel_loop3A_338 : i32 to index
          %parallel_loop3A_380 = arith.constant 80 : index
          %parallel_loop3A_381 = tpu.vector_load %arg16[%parallel_loop3A_379, %parallel_loop3A_380] {strides = array<i32>} : memref<128x128xf32, #tpu.memory_space<vmem>>, vector<16xf32>,
          %parallel_loop3A_382 = arith.mulf %parallel_loop3A_381, %parallel_loop3A_343 : vector<16xf32>
          %parallel_loop3A_383 = arith.index_cast %parallel_loop3A_338 : i32 to index
          %parallel_loop3A_384 = arith.constant 80 : index
          %parallel_loop3A_385 = tpu.vector_load %arg16[%parallel_loop3A_383, %parallel_loop3A_384] {strides = array<i32>} : memref<128x128xf32, #tpu.memory_space<vmem>>, vector<16xf32>,
          tpu.vector_store %arg16[%parallel_loop3A_383, %parallel_loop3A_384], %parallel_loop3A_382 {strides = array<i32>} : memref<128x128xf32, #tpu.memory_space<vmem>>, vector<16xf32>,
          %parallel_loop3A_386 = arith.index_cast %parallel_loop3A_338 : i32 to index
          %parallel_loop3A_387 = arith.constant 96 : index
          %parallel_loop3A_388 = tpu.vector_load %arg16[%parallel_loop3A_386, %parallel_loop3A_387] {strides = array<i32>} : memref<128x128xf32, #tpu.memory_space<vmem>>, vector<16xf32>,
          %parallel_loop3A_389 = arith.mulf %parallel_loop3A_388, %parallel_loop3A_343 : vector<16xf32>
          %parallel_loop3A_390 = arith.index_cast %parallel_loop3A_338 : i32 to index
          %parallel_loop3A_391 = arith.constant 96 : index
          %parallel_loop3A_392 = tpu.vector_load %arg16[%parallel_loop3A_390, %parallel_loop3A_391] {strides = array<i32>} : memref<128x128xf32, #tpu.memory_space<vmem>>, vector<16xf32>,
          tpu.vector_store %arg16[%parallel_loop3A_390, %parallel_loop3A_391], %parallel_loop3A_389 {strides = array<i32>} : memref<128x128xf32, #tpu.memory_space<vmem>>, vector<16xf32>,
          %parallel_loop3A_393 = arith.index_cast %parallel_loop3A_338 : i32 to index
          %parallel_loop3A_394 = arith.constant 112 : index
          %parallel_loop3A_395 = tpu.vector_load %arg16[%parallel_loop3A_393, %parallel_loop3A_394] {strides = array<i32>} : memref<128x128xf32, #tpu.memory_space<vmem>>, vector<16xf32>,
          %parallel_loop3A_396 = arith.mulf %parallel_loop3A_395, %parallel_loop3A_343 : vector<16xf32>
          %parallel_loop3A_397 = arith.index_cast %parallel_loop3A_338 : i32 to index
          %parallel_loop3A_398 = arith.constant 112 : index
          %parallel_loop3A_399 = tpu.vector_load %arg16[%parallel_loop3A_397, %parallel_loop3A_398] {strides = array<i32>} : memref<128x128xf32, #tpu.memory_space<vmem>>, vector<16xf32>,
          tpu.vector_store %arg16[%parallel_loop3A_397, %parallel_loop3A_398], %parallel_loop3A_396 {strides = array<i32>} : memref<128x128xf32, #tpu.memory_space<vmem>>, vector<16xf32>,
        } {sc.loop_unroll_factor = 8 : i64, sc.parallel_access}
        %dma_start3A_233 = arith.constant 0 : i32
        %dma_start3A_234 = tpu.memref_slice %arg10[%mul3A_133, %dma_start3A_233] : memref<8x128xi32, #tpu.memory_space<vmem>> -> memref<1x128xi32, #tpu.memory_space<vmem>>
        %dma_start3A_235 = tpu.memref_squeeze %dma_start3A_234 : memref<1x128xi32, #tpu.memory_space<vmem>> -> memref<128xi32, #tpu.memory_space<vmem>>
        %dma_start3A_236 = arith.constant 0 : i32
        %dma_start3A_237 = arith.constant 0 : i32
        %dma_start3A_238 = tpu.memref_slice %arg18[%dma_start3A_236, %dma_start3A_237] : memref<10240x128xf32, #tpu.memory_space<vmem_shared>> -> memref<10240x128xf32, #tpu.memory_space<vmem_shared>>
        tpu.enqueue_indirect_dma source(%arg16 : memref<128x128xf32, #tpu.memory_space<vmem>>) target(%dma_start3A_238 : memref<10240x128xf32, #tpu.memory_space<vmem_shared>>) offsets(%dma_start3A_235 : memref<128xi32, #tpu.memory_space<vmem>>) semaphore(%arg22 : memref<!tpu.dma_semaphore, #tpu.memory_space<semaphore_mem>>) {add = true}
        %get3A_239 = arith.index_cast %add3A_135 : i32 to index
        %get3A_240 = arith.constant 0 : index
        %get3A_241 = tpu.vector_load %arg9[%get3A_239, %get3A_240] {strides = array<i32>} : memref<8x128xi32, #tpu.memory_space<vmem>>, vector<16xi32>,
        %get3A_242 = arith.index_cast %add3A_135 : i32 to index
        %get3A_243 = arith.constant 16 : index
        %get3A_244 = tpu.vector_load %arg9[%get3A_242, %get3A_243] {strides = array<i32>} : memref<8x128xi32, #tpu.memory_space<vmem>>, vector<16xi32>,
        %get3A_245 = arith.index_cast %add3A_135 : i32 to index
        %get3A_246 = arith.constant 32 : index
        %get3A_247 = tpu.vector_load %arg9[%get3A_245, %get3A_246] {strides = array<i32>} : memref<8x128xi32, #tpu.memory_space<vmem>>, vector<16xi32>,
        %get3A_248 = arith.index_cast %add3A_135 : i32 to index
        %get3A_249 = arith.constant 48 : index
        %get3A_250 = tpu.vector_load %arg9[%get3A_248, %get3A_249] {strides = array<i32>} : memref<8x128xi32, #tpu.memory_space<vmem>>, vector<16xi32>,
        %get3A_251 = arith.index_cast %add3A_135 : i32 to index
        %get3A_252 = arith.constant 64 : index
        %get3A_253 = tpu.vector_load %arg9[%get3A_251, %get3A_252] {strides = array<i32>} : memref<8x128xi32, #tpu.memory_space<vmem>>, vector<16xi32>,
        %get3A_254 = arith.index_cast %add3A_135 : i32 to index
        %get3A_255 = arith.constant 80 : index
        %get3A_256 = tpu.vector_load %arg9[%get3A_254, %get3A_255] {strides = array<i32>} : memref<8x128xi32, #tpu.memory_space<vmem>>, vector<16xi32>,
        %get3A_257 = arith.index_cast %add3A_135 : i32 to index
        %get3A_258 = arith.constant 96 : index
        %get3A_259 = tpu.vector_load %arg9[%get3A_257, %get3A_258] {strides = array<i32>} : memref<8x128xi32, #tpu.memory_space<vmem>>, vector<16xi32>,
        %get3A_260 = arith.index_cast %add3A_135 : i32 to index
        %get3A_261 = arith.constant 112 : index
        %get3A_262 = tpu.vector_load %arg9[%get3A_260, %get3A_261] {strides = array<i32>} : memref<8x128xi32, #tpu.memory_space<vmem>>, vector<16xi32>,
        %gather3A_263 = tpu.vector_load_idx %arg14[%get3A_241] : memref<10240xf32, #tpu.memory_space<vmem>>[vector<16xi32>], vector<16xf32>,
        %gather3A_264 = tpu.vector_load_idx %arg14[%get3A_244] : memref<10240xf32, #tpu.memory_space<vmem>>[vector<16xi32>], vector<16xf32>,
        %gather3A_265 = tpu.vector_load_idx %arg14[%get3A_247] : memref<10240xf32, #tpu.memory_space<vmem>>[vector<16xi32>], vector<16xf32>,
        %gather3A_266 = tpu.vector_load_idx %arg14[%get3A_250] : memref<10240xf32, #tpu.memory_space<vmem>>[vector<16xi32>], vector<16xf32>,
        %gather3A_267 = tpu.vector_load_idx %arg14[%get3A_253] : memref<10240xf32, #tpu.memory_space<vmem>>[vector<16xi32>], vector<16xf32>,
        %gather3A_268 = tpu.vector_load_idx %arg14[%get3A_256] : memref<10240xf32, #tpu.memory_space<vmem>>[vector<16xi32>], vector<16xf32>,
        %gather3A_269 = tpu.vector_load_idx %arg14[%get3A_259] : memref<10240xf32, #tpu.memory_space<vmem>>[vector<16xi32>], vector<16xf32>,
        %gather3A_270 = tpu.vector_load_idx %arg14[%get3A_262] : memref<10240xf32, #tpu.memory_space<vmem>>[vector<16xi32>], vector<16xf32>,
        %get3A_271 = arith.index_cast %add3A_135 : i32 to index
        %get3A_272 = arith.constant 0 : index
        %get3A_273 = tpu.vector_load %arg11[%get3A_271, %get3A_272] {strides = array<i32>} : memref<8x128xf32, #tpu.memory_space<vmem>>, vector<16xf32>,
        %mul3A_274 = arith.mulf %get3A_273, %gather3A_263 : vector<16xf32>
        %swap3A_275 = arith.constant 0 : index
        %swap3A_276 = tpu.vector_load %arg15[%swap3A_275] {strides = array<i32>} : memref<128xf32, #tpu.memory_space<vmem>>, vector<16xf32>,
        tpu.vector_store %arg15[%swap3A_275], %mul3A_274 {strides = array<i32>} : memref<128xf32, #tpu.memory_space<vmem>>, vector<16xf32>,
        %get3A_277 = arith.index_cast %add3A_135 : i32 to index
        %get3A_278 = arith.constant 16 : index
        %get3A_279 = tpu.vector_load %arg11[%get3A_277, %get3A_278] {strides = array<i32>} : memref<8x128xf32, #tpu.memory_space<vmem>>, vector<16xf32>,
        %mul3A_280 = arith.mulf %get3A_279, %gather3A_264 : vector<16xf32>
        %swap3A_281 = arith.constant 16 : index
        %swap3A_282 = tpu.vector_load %arg15[%swap3A_281] {strides = array<i32>} : memref<128xf32, #tpu.memory_space<vmem>>, vector<16xf32>,
        tpu.vector_store %arg15[%swap3A_281], %mul3A_280 {strides = array<i32>} : memref<128xf32, #tpu.memory_space<vmem>>, vector<16xf32>,
        %get3A_283 = arith.index_cast %add3A_135 : i32 to index
        %get3A_284 = arith.constant 32 : index
        %get3A_285 = tpu.vector_load %arg11[%get3A_283, %get3A_284] {strides = array<i32>} : memref<8x128xf32, #tpu.memory_space<vmem>>, vector<16xf32>,
        %mul3A_286 = arith.mulf %get3A_285, %gather3A_265 : vector<16xf32>
        %swap3A_287 = arith.constant 32 : index
        %swap3A_288 = tpu.vector_load %arg15[%swap3A_287] {strides = array<i32>} : memref<128xf32, #tpu.memory_space<vmem>>, vector<16xf32>,
        tpu.vector_store %arg15[%swap3A_287], %mul3A_286 {strides = array<i32>} : memref<128xf32, #tpu.memory_space<vmem>>, vector<16xf32>,
        %get3A_289 = arith.index_cast %add3A_135 : i32 to index
        %get3A_290 = arith.constant 48 : index
        %get3A_291 = tpu.vector_load %arg11[%get3A_289, %get3A_290] {strides = array<i32>} : memref<8x128xf32, #tpu.memory_space<vmem>>, vector<16xf32>,
        %mul3A_292 = arith.mulf %get3A_291, %gather3A_266 : vector<16xf32>
        %swap3A_293 = arith.constant 48 : index
        %swap3A_294 = tpu.vector_load %arg15[%swap3A_293] {strides = array<i32>} : memref<128xf32, #tpu.memory_space<vmem>>, vector<16xf32>,
        tpu.vector_store %arg15[%swap3A_293], %mul3A_292 {strides = array<i32>} : memref<128xf32, #tpu.memory_space<vmem>>, vector<16xf32>,
        %get3A_295 = arith.index_cast %add3A_135 : i32 to index
        %get3A_296 = arith.constant 64 : index
        %get3A_297 = tpu.vector_load %arg11[%get3A_295, %get3A_296] {strides = array<i32>} : memref<8x128xf32, #tpu.memory_space<vmem>>, vector<16xf32>,
        %mul3A_298 = arith.mulf %get3A_297, %gather3A_267 : vector<16xf32>
        %swap3A_299 = arith.constant 64 : index
        %swap3A_300 = tpu.vector_load %arg15[%swap3A_299] {strides = array<i32>} : memref<128xf32, #tpu.memory_space<vmem>>, vector<16xf32>,
        tpu.vector_store %arg15[%swap3A_299], %mul3A_298 {strides = array<i32>} : memref<128xf32, #tpu.memory_space<vmem>>, vector<16xf32>,
        %get3A_301 = arith.index_cast %add3A_135 : i32 to index
        %get3A_302 = arith.constant 80 : index
        %get3A_303 = tpu.vector_load %arg11[%get3A_301, %get3A_302] {strides = array<i32>} : memref<8x128xf32, #tpu.memory_space<vmem>>, vector<16xf32>,
        %mul3A_304 = arith.mulf %get3A_303, %gather3A_268 : vector<16xf32>
        %swap3A_305 = arith.constant 80 : index
        %swap3A_306 = tpu.vector_load %arg15[%swap3A_305] {strides = array<i32>} : memref<128xf32, #tpu.memory_space<vmem>>, vector<16xf32>,
        tpu.vector_store %arg15[%swap3A_305], %mul3A_304 {strides = array<i32>} : memref<128xf32, #tpu.memory_space<vmem>>, vector<16xf32>,
        %get3A_307 = arith.index_cast %add3A_135 : i32 to index
        %get3A_308 = arith.constant 96 : index
        %get3A_309 = tpu.vector_load %arg11[%get3A_307, %get3A_308] {strides = array<i32>} : memref<8x128xf32, #tpu.memory_space<vmem>>, vector<16xf32>,
        %mul3A_310 = arith.mulf %get3A_309, %gather3A_269 : vector<16xf32>
        %swap3A_311 = arith.constant 96 : index
        %swap3A_312 = tpu.vector_load %arg15[%swap3A_311] {strides = array<i32>} : memref<128xf32, #tpu.memory_space<vmem>>, vector<16xf32>,
        tpu.vector_store %arg15[%swap3A_311], %mul3A_310 {strides = array<i32>} : memref<128xf32, #tpu.memory_space<vmem>>, vector<16xf32>,
        %get3A_313 = arith.index_cast %add3A_135 : i32 to index
        %get3A_314 = arith.constant 112 : index
        %get3A_315 = tpu.vector_load %arg11[%get3A_313, %get3A_314] {strides = array<i32>} : memref<8x128xf32, #tpu.memory_space<vmem>>, vector<16xf32>,
        %mul3A_316 = arith.mulf %get3A_315, %gather3A_270 : vector<16xf32>
        %swap3A_317 = arith.constant 112 : index
        %swap3A_318 = tpu.vector_load %arg15[%swap3A_317] {strides = array<i32>} : memref<128xf32, #tpu.memory_space<vmem>>, vector<16xf32>,
        tpu.vector_store %arg15[%swap3A_317], %mul3A_316 {strides = array<i32>} : memref<128xf32, #tpu.memory_space<vmem>>, vector<16xf32>,
        %dma_wait3A_319 = arith.constant 0 : i32
        %dma_wait3A_320 = tpu.memref_slice %arg9[%add3A_135, %dma_wait3A_319] : memref<8x128xi32, #tpu.memory_space<vmem>> -> memref<1x128xi32, #tpu.memory_space<vmem>>
        %dma_wait3A_321 = tpu.memref_squeeze %dma_wait3A_320 : memref<1x128xi32, #tpu.memory_space<vmem>> -> memref<128xi32, #tpu.memory_space<vmem>>
        %dma_wait3A_322 = arith.constant 0 : i32
        %dma_wait3A_323 = arith.constant 0 : i32
        %dma_wait3A_324 = tpu.memref_slice %arg5[%dma_wait3A_322, %dma_wait3A_323] : memref<10000x128xf32, #tpu.memory_space<hbm>> -> memref<10000x128xf32, #tpu.memory_space<hbm>>
        tpu.wait_indirect_dma semaphore(%arg21 : memref<!tpu.dma_semaphore, #tpu.memory_space<semaphore_mem>>) src(%dma_wait3A_324 : memref<10000x128xf32, #tpu.memory_space<hbm>>) dst(%arg17 : memref<128x128xf32, #tpu.memory_space<vmem>>)
        %parallel_loop3A_325 = arith.constant 0 : i32
        %parallel_loop3A_326 = arith.constant 128 : i32
        %parallel_loop3A_327 = arith.constant 1 : i32
        scf.for %parallel_loop3A_338 = %parallel_loop3A_325 to %parallel_loop3A_326 step %parallel_loop3A_327  : i32 {
          %parallel_loop3A_339 = arith.constant 0 : i32
          %parallel_loop3A_340 = vector.broadcast %parallel_loop3A_339 : i32 to vector<16xi32>
          %parallel_loop3A_341 = vector.broadcast %parallel_loop3A_338 : i32 to vector<16xi32>
          %parallel_loop3A_342 = arith.addi %parallel_loop3A_340, %parallel_loop3A_341 : vector<16xi32>
          %parallel_loop3A_343 = tpu.vector_load_idx %arg15[%parallel_loop3A_342] : memref<128xf32, #tpu.memory_space<vmem>>[vector<16xi32>], vector<16xf32>,
          %parallel_loop3A_344 = arith.index_cast %parallel_loop3A_338 : i32 to index
          %parallel_loop3A_345 = arith.constant 0 : index
          %parallel_loop3A_346 = tpu.vector_load %arg17[%parallel_loop3A_344, %parallel_loop3A_345] {strides = array<i32>} : memref<128x128xf32, #tpu.memory_space<vmem>>, vector<16xf32>,
          %parallel_loop3A_347 = arith.mulf %parallel_loop3A_346, %parallel_loop3A_343 : vector<16xf32>
          %parallel_loop3A_348 = arith.index_cast %parallel_loop3A_338 : i32 to index
          %parallel_loop3A_349 = arith.constant 0 : index
          %parallel_loop3A_350 = tpu.vector_load %arg17[%parallel_loop3A_348, %parallel_loop3A_349] {strides = array<i32>} : memref<128x128xf32, #tpu.memory_space<vmem>>, vector<16xf32>,
          tpu.vector_store %arg17[%parallel_loop3A_348, %parallel_loop3A_349], %parallel_loop3A_347 {strides = array<i32>} : memref<128x128xf32, #tpu.memory_space<vmem>>, vector<16xf32>,
          %parallel_loop3A_351 = arith.index_cast %parallel_loop3A_338 : i32 to index
          %parallel_loop3A_352 = arith.constant 16 : index
          %parallel_loop3A_353 = tpu.vector_load %arg17[%parallel_loop3A_351, %parallel_loop3A_352] {strides = array<i32>} : memref<128x128xf32, #tpu.memory_space<vmem>>, vector<16xf32>,
          %parallel_loop3A_354 = arith.mulf %parallel_loop3A_353, %parallel_loop3A_343 : vector<16xf32>
          %parallel_loop3A_355 = arith.index_cast %parallel_loop3A_338 : i32 to index
          %parallel_loop3A_356 = arith.constant 16 : index
          %parallel_loop3A_357 = tpu.vector_load %arg17[%parallel_loop3A_355, %parallel_loop3A_356] {strides = array<i32>} : memref<128x128xf32, #tpu.memory_space<vmem>>, vector<16xf32>,
          tpu.vector_store %arg17[%parallel_loop3A_355, %parallel_loop3A_356], %parallel_loop3A_354 {strides = array<i32>} : memref<128x128xf32, #tpu.memory_space<vmem>>, vector<16xf32>,
          %parallel_loop3A_358 = arith.index_cast %parallel_loop3A_338 : i32 to index
          %parallel_loop3A_359 = arith.constant 32 : index
          %parallel_loop3A_360 = tpu.vector_load %arg17[%parallel_loop3A_358, %parallel_loop3A_359] {strides = array<i32>} : memref<128x128xf32, #tpu.memory_space<vmem>>, vector<16xf32>,
          %parallel_loop3A_361 = arith.mulf %parallel_loop3A_360, %parallel_loop3A_343 : vector<16xf32>
          %parallel_loop3A_362 = arith.index_cast %parallel_loop3A_338 : i32 to index
          %parallel_loop3A_363 = arith.constant 32 : index
          %parallel_loop3A_364 = tpu.vector_load %arg17[%parallel_loop3A_362, %parallel_loop3A_363] {strides = array<i32>} : memref<128x128xf32, #tpu.memory_space<vmem>>, vector<16xf32>,
          tpu.vector_store %arg17[%parallel_loop3A_362, %parallel_loop3A_363], %parallel_loop3A_361 {strides = array<i32>} : memref<128x128xf32, #tpu.memory_space<vmem>>, vector<16xf32>,
          %parallel_loop3A_365 = arith.index_cast %parallel_loop3A_338 : i32 to index
          %parallel_loop3A_366 = arith.constant 48 : index
          %parallel_loop3A_367 = tpu.vector_load %arg17[%parallel_loop3A_365, %parallel_loop3A_366] {strides = array<i32>} : memref<128x128xf32, #tpu.memory_space<vmem>>, vector<16xf32>,
          %parallel_loop3A_368 = arith.mulf %parallel_loop3A_367, %parallel_loop3A_343 : vector<16xf32>
          %parallel_loop3A_369 = arith.index_cast %parallel_loop3A_338 : i32 to index
          %parallel_loop3A_370 = arith.constant 48 : index
          %parallel_loop3A_371 = tpu.vector_load %arg17[%parallel_loop3A_369, %parallel_loop3A_370] {strides = array<i32>} : memref<128x128xf32, #tpu.memory_space<vmem>>, vector<16xf32>,
          tpu.vector_store %arg17[%parallel_loop3A_369, %parallel_loop3A_370], %parallel_loop3A_368 {strides = array<i32>} : memref<128x128xf32, #tpu.memory_space<vmem>>, vector<16xf32>,
          %parallel_loop3A_372 = arith.index_cast %parallel_loop3A_338 : i32 to index
          %parallel_loop3A_373 = arith.constant 64 : index
          %parallel_loop3A_374 = tpu.vector_load %arg17[%parallel_loop3A_372, %parallel_loop3A_373] {strides = array<i32>} : memref<128x128xf32, #tpu.memory_space<vmem>>, vector<16xf32>,
          %parallel_loop3A_375 = arith.mulf %parallel_loop3A_374, %parallel_loop3A_343 : vector<16xf32>
          %parallel_loop3A_376 = arith.index_cast %parallel_loop3A_338 : i32 to index
          %parallel_loop3A_377 = arith.constant 64 : index
          %parallel_loop3A_378 = tpu.vector_load %arg17[%parallel_loop3A_376, %parallel_loop3A_377] {strides = array<i32>} : memref<128x128xf32, #tpu.memory_space<vmem>>, vector<16xf32>,
          tpu.vector_store %arg17[%parallel_loop3A_376, %parallel_loop3A_377], %parallel_loop3A_375 {strides = array<i32>} : memref<128x128xf32, #tpu.memory_space<vmem>>, vector<16xf32>,
          %parallel_loop3A_379 = arith.index_cast %parallel_loop3A_338 : i32 to index
          %parallel_loop3A_380 = arith.constant 80 : index
          %parallel_loop3A_381 = tpu.vector_load %arg17[%parallel_loop3A_379, %parallel_loop3A_380] {strides = array<i32>} : memref<128x128xf32, #tpu.memory_space<vmem>>, vector<16xf32>,
          %parallel_loop3A_382 = arith.mulf %parallel_loop3A_381, %parallel_loop3A_343 : vector<16xf32>
          %parallel_loop3A_383 = arith.index_cast %parallel_loop3A_338 : i32 to index
          %parallel_loop3A_384 = arith.constant 80 : index
          %parallel_loop3A_385 = tpu.vector_load %arg17[%parallel_loop3A_383, %parallel_loop3A_384] {strides = array<i32>} : memref<128x128xf32, #tpu.memory_space<vmem>>, vector<16xf32>,
          tpu.vector_store %arg17[%parallel_loop3A_383, %parallel_loop3A_384], %parallel_loop3A_382 {strides = array<i32>} : memref<128x128xf32, #tpu.memory_space<vmem>>, vector<16xf32>,
          %parallel_loop3A_386 = arith.index_cast %parallel_loop3A_338 : i32 to index
          %parallel_loop3A_387 = arith.constant 96 : index
          %parallel_loop3A_388 = tpu.vector_load %arg17[%parallel_loop3A_386, %parallel_loop3A_387] {strides = array<i32>} : memref<128x128xf32, #tpu.memory_space<vmem>>, vector<16xf32>,
          %parallel_loop3A_389 = arith.mulf %parallel_loop3A_388, %parallel_loop3A_343 : vector<16xf32>
          %parallel_loop3A_390 = arith.index_cast %parallel_loop3A_338 : i32 to index
          %parallel_loop3A_391 = arith.constant 96 : index
          %parallel_loop3A_392 = tpu.vector_load %arg17[%parallel_loop3A_390, %parallel_loop3A_391] {strides = array<i32>} : memref<128x128xf32, #tpu.memory_space<vmem>>, vector<16xf32>,
          tpu.vector_store %arg17[%parallel_loop3A_390, %parallel_loop3A_391], %parallel_loop3A_389 {strides = array<i32>} : memref<128x128xf32, #tpu.memory_space<vmem>>, vector<16xf32>,
          %parallel_loop3A_393 = arith.index_cast %parallel_loop3A_338 : i32 to index
          %parallel_loop3A_394 = arith.constant 112 : index
          %parallel_loop3A_395 = tpu.vector_load %arg17[%parallel_loop3A_393, %parallel_loop3A_394] {strides = array<i32>} : memref<128x128xf32, #tpu.memory_space<vmem>>, vector<16xf32>,
          %parallel_loop3A_396 = arith.mulf %parallel_loop3A_395, %parallel_loop3A_343 : vector<16xf32>
          %parallel_loop3A_397 = arith.index_cast %parallel_loop3A_338 : i32 to index
          %parallel_loop3A_398 = arith.constant 112 : index
          %parallel_loop3A_399 = tpu.vector_load %arg17[%parallel_loop3A_397, %parallel_loop3A_398] {strides = array<i32>} : memref<128x128xf32, #tpu.memory_space<vmem>>, vector<16xf32>,
          tpu.vector_store %arg17[%parallel_loop3A_397, %parallel_loop3A_398], %parallel_loop3A_396 {strides = array<i32>} : memref<128x128xf32, #tpu.memory_space<vmem>>, vector<16xf32>,
        } {sc.loop_unroll_factor = 8 : i64, sc.parallel_access}
        %lt3A = arith.constant 3 : i32
        %lt3A_328 = arith.cmpi slt, %scan3A_131, %lt3A : i32
        %convert_element_type3A_329 = arith.extui %lt3A_328 : i1 to i32
        %cond3A_330 = arith.constant 0 : i32
        %cond3A_331 = arith.cmpi ne, %convert_element_type3A_329, %cond3A_330 : i32
        scf.if %cond3A_331 {
          %dma_wait3A_338 = arith.constant 0 : i32
          %dma_wait3A_339 = tpu.memref_slice %arg10[%mul3A_133, %dma_wait3A_338] : memref<8x128xi32, #tpu.memory_space<vmem>> -> memref<1x128xi32, #tpu.memory_space<vmem>>
          %dma_wait3A_340 = tpu.memref_squeeze %dma_wait3A_339 : memref<1x128xi32, #tpu.memory_space<vmem>> -> memref<128xi32, #tpu.memory_space<vmem>>
          %dma_wait3A_341 = arith.constant 0 : i32
          %dma_wait3A_342 = arith.constant 0 : i32
          %dma_wait3A_343 = tpu.memref_slice %arg18[%dma_wait3A_341, %dma_wait3A_342] : memref<10240x128xf32, #tpu.memory_space<vmem_shared>> -> memref<10240x128xf32, #tpu.memory_space<vmem_shared>>
          tpu.wait_indirect_dma semaphore(%arg22 : memref<!tpu.dma_semaphore, #tpu.memory_space<semaphore_mem>>) src(%arg16 : memref<128x128xf32, #tpu.memory_space<vmem>>) dst(%dma_wait3A_343 : memref<10240x128xf32, #tpu.memory_space<vmem_shared>>)
          %add3A_344 = arith.constant 2 : i32
          %add3A_345 = arith.addi %mul3A_133, %add3A_344 : i32
          %dma_start3A_346 = arith.constant 0 : i32
          %dma_start3A_347 = tpu.memref_slice %arg9[%add3A_345, %dma_start3A_346] : memref<8x128xi32, #tpu.memory_space<vmem>> -> memref<1x128xi32, #tpu.memory_space<vmem>>
          %dma_start3A_348 = tpu.memref_squeeze %dma_start3A_347 : memref<1x128xi32, #tpu.memory_space<vmem>> -> memref<128xi32, #tpu.memory_space<vmem>>
          %dma_start3A_349 = arith.constant 0 : i32
          %dma_start3A_350 = arith.constant 0 : i32
          %dma_start3A_351 = tpu.memref_slice %arg5[%dma_start3A_349, %dma_start3A_350] : memref<10000x128xf32, #tpu.memory_space<hbm>> -> memref<10000x128xf32, #tpu.memory_space<hbm>>
          tpu.enqueue_indirect_dma source(%dma_start3A_351 : memref<10000x128xf32, #tpu.memory_space<hbm>>) target(%arg16 : memref<128x128xf32, #tpu.memory_space<vmem>>) offsets(%dma_start3A_348 : memref<128xi32, #tpu.memory_space<vmem>>) semaphore(%arg20 : memref<!tpu.dma_semaphore, #tpu.memory_space<semaphore_mem>>)
        } else {
        }
        %dma_start3A_332 = arith.constant 0 : i32
        %dma_start3A_333 = tpu.memref_slice %arg10[%add3A_135, %dma_start3A_332] : memref<8x128xi32, #tpu.memory_space<vmem>> -> memref<1x128xi32, #tpu.memory_space<vmem>>
        %dma_start3A_334 = tpu.memref_squeeze %dma_start3A_333 : memref<1x128xi32, #tpu.memory_space<vmem>> -> memref<128xi32, #tpu.memory_space<vmem>>
        %dma_start3A_335 = arith.constant 0 : i32
        %dma_start3A_336 = arith.constant 0 : i32
        %dma_start3A_337 = tpu.memref_slice %arg18[%dma_start3A_335, %dma_start3A_336] : memref<10240x128xf32, #tpu.memory_space<vmem_shared>> -> memref<10240x128xf32, #tpu.memory_space<vmem_shared>>
        tpu.enqueue_indirect_dma source(%arg17 : memref<128x128xf32, #tpu.memory_space<vmem>>) target(%dma_start3A_337 : memref<10240x128xf32, #tpu.memory_space<vmem_shared>>) offsets(%dma_start3A_334 : memref<128xi32, #tpu.memory_space<vmem>>) semaphore(%arg23 : memref<!tpu.dma_semaphore, #tpu.memory_space<semaphore_mem>>) {add = true}
      }
      %scan3A_130 = arith.constant 4 : i32
    }
    %scan3A_90 = arith.constant 10 : i32
    %dma_wait3A_91 = arith.constant 0 : i32
    %dma_wait3A_92 = arith.constant 0 : i32
    %dma_wait3A_93 = tpu.memref_slice %arg10[%dma_wait3A_91, %dma_wait3A_92] : memref<8x128xi32, #tpu.memory_space<vmem>> -> memref<1x128xi32, #tpu.memory_space<vmem>>
    %dma_wait3A_94 = tpu.memref_squeeze %dma_wait3A_93 : memref<1x128xi32, #tpu.memory_space<vmem>> -> memref<128xi32, #tpu.memory_space<vmem>>
    %dma_wait3A_95 = arith.constant 0 : i32
    %dma_wait3A_96 = arith.constant 0 : i32
    %dma_wait3A_97 = tpu.memref_slice %arg18[%dma_wait3A_95, %dma_wait3A_96] : memref<10240x128xf32, #tpu.memory_space<vmem_shared>> -> memref<10240x128xf32, #tpu.memory_space<vmem_shared>>
    tpu.wait_indirect_dma semaphore(%arg22 : memref<!tpu.dma_semaphore, #tpu.memory_space<semaphore_mem>>) src(%arg16 : memref<128x128xf32, #tpu.memory_space<vmem>>) dst(%dma_wait3A_97 : memref<10240x128xf32, #tpu.memory_space<vmem_shared>>)
    %dma_wait3A_98 = arith.constant 1 : i32
    %dma_wait3A_99 = arith.constant 0 : i32
    %dma_wait3A_100 = tpu.memref_slice %arg10[%dma_wait3A_98, %dma_wait3A_99] : memref<8x128xi32, #tpu.memory_space<vmem>> -> memref<1x128xi32, #tpu.memory_space<vmem>>
    %dma_wait3A_101 = tpu.memref_squeeze %dma_wait3A_100 : memref<1x128xi32, #tpu.memory_space<vmem>> -> memref<128xi32, #tpu.memory_space<vmem>>
    %dma_wait3A_102 = arith.constant 0 : i32
    %dma_wait3A_103 = arith.constant 0 : i32
    %dma_wait3A_104 = tpu.memref_slice %arg18[%dma_wait3A_102, %dma_wait3A_103] : memref<10240x128xf32, #tpu.memory_space<vmem_shared>> -> memref<10240x128xf32, #tpu.memory_space<vmem_shared>>
    tpu.wait_indirect_dma semaphore(%arg23 : memref<!tpu.dma_semaphore, #tpu.memory_space<semaphore_mem>>) src(%arg17 : memref<128x128xf32, #tpu.memory_space<vmem>>) dst(%dma_wait3A_104 : memref<10240x128xf32, #tpu.memory_space<vmem_shared>>)
    %barrier3A_105 = arith.constant 0 : index
    tpu.barrier barrier_id(%barrier3A_105)
    %mul3A_106 = arith.constant 640 : i32
    %mul3A_107 = arith.muli %arg1, %mul3A_106 : i32
    %mul3A_108 = arith.constant 640 : i32
    %mul3A_109 = arith.muli %arg1, %mul3A_108 : i32
    "tpu.region"() ({
      %run_scoped3A_110 = tpu.sem_alloc : memref<!tpu.dma_semaphore, #tpu.memory_space<semaphore_mem>>
      %dma_start3A_111 = arith.constant 0 : i32
      %dma_start3A_112 = tpu.memref_slice %arg7[%arg0, %mul3A_109, %dma_start3A_111] : memref<2x10240x128xf32, #tpu.memory_space<hbm>> -> memref<1x640x128xf32, #tpu.memory_space<hbm>>
      %dma_start3A_113 = tpu.memref_squeeze %dma_start3A_112 : memref<1x640x128xf32, #tpu.memory_space<hbm>> -> memref<640x128xf32, #tpu.memory_space<hbm>>
      %dma_start3A_114 = arith.constant 0 : i32
      %dma_start3A_115 = tpu.memref_slice %arg18[%mul3A_107, %dma_start3A_114] : memref<10240x128xf32, #tpu.memory_space<vmem_shared>> -> memref<640x128xf32, #tpu.memory_space<vmem_shared>>
      tpu.enqueue_dma source(%dma_start3A_115 : memref<640x128xf32, #tpu.memory_space<vmem_shared>>) target(%dma_start3A_113 : memref<640x128xf32, #tpu.memory_space<hbm>>) target_semaphore(%run_scoped3A_110 : memref<!tpu.dma_semaphore, #tpu.memory_space<semaphore_mem>>)
      %dma_wait3A_116 = arith.constant 0 : i32
      %dma_wait3A_117 = tpu.memref_slice %arg7[%arg0, %mul3A_109, %dma_wait3A_116] : memref<2x10240x128xf32, #tpu.memory_space<hbm>> -> memref<1x640x128xf32, #tpu.memory_space<hbm>>
      %dma_wait3A_118 = tpu.memref_squeeze %dma_wait3A_117 : memref<1x640x128xf32, #tpu.memory_space<hbm>> -> memref<640x128xf32, #tpu.memory_space<hbm>>
      %dma_wait3A_119 = arith.constant 0 : i32
      %dma_wait3A_120 = tpu.memref_slice %arg18[%mul3A_107, %dma_wait3A_119] : memref<10240x128xf32, #tpu.memory_space<vmem_shared>> -> memref<640x128xf32, #tpu.memory_space<vmem_shared>>
      tpu.wait_dma2 semaphore(%run_scoped3A_110 : memref<!tpu.dma_semaphore, #tpu.memory_space<semaphore_mem>>) src(%dma_wait3A_120 : memref<640x128xf32, #tpu.memory_space<vmem_shared>>) dst(%dma_wait3A_118 : memref<640x128xf32, #tpu.memory_space<hbm>>)
      tpu.yield
    }) : () -> ()
    return
  }
}

#map = affine_map<(d0, d1) -> (0, 0)>
module attributes {stable_mosaic.version = 14 : i64} {
  func.func @_deg_kernel(%arg0: i32, %arg1: i32, %arg2: memref<2560x128xi32, #tpu.memory_space<hbm>>, %arg3: memref<2560x128xf32, #tpu.memory_space<hbm>>, %arg4: memref<2x10240xf32, #tpu.memory_space<hbm>>, %arg5: memref<80x128xi32, #tpu.memory_space<vmem>>, %arg6: memref<80x128xf32, #tpu.memory_space<vmem>>, %arg7: memref<640xf32, #tpu.memory_space<vmem>>, %arg8: memref<10240xf32, #tpu.memory_space<vmem_shared>>, %arg9: memref<!tpu.dma_semaphore, #tpu.memory_space<semaphore_mem>>) attributes {dimension_semantics = [#tpu.dimension_semantics<core_parallel>, #tpu.dimension_semantics<subcore_parallel>], iteration_bounds = array<i64: 2, 16>, scalar_prefetch = 0 : i64, scratch_operands = 5 : i64, tpu.core_type = #tpu.core_type<sc_vector_subcore>, window_params = [{transform_indices = #map}, {transform_indices = #map}, {transform_indices = #map}]} {
    %broadcast_in_dim3A = arith.constant 0.000000e+00 : f32
    %broadcast_in_dim3A_0 = vector.broadcast %broadcast_in_dim3A : f32 to vector<16xf32>
    %swap3A = arith.constant 0 : index
    %swap3A_1 = tpu.vector_load %arg7[%swap3A] {strides = array<i32>} : memref<640xf32, #tpu.memory_space<vmem>>, vector<16xf32>,
    tpu.vector_store %arg7[%swap3A], %broadcast_in_dim3A_0 {strides = array<i32>} : memref<640xf32, #tpu.memory_space<vmem>>, vector<16xf32>,
    %broadcast_in_dim3A_2 = arith.constant 0.000000e+00 : f32
    %broadcast_in_dim3A_3 = vector.broadcast %broadcast_in_dim3A_2 : f32 to vector<16xf32>
    %swap3A_4 = arith.constant 16 : index
    %swap3A_5 = tpu.vector_load %arg7[%swap3A_4] {strides = array<i32>} : memref<640xf32, #tpu.memory_space<vmem>>, vector<16xf32>,
    tpu.vector_store %arg7[%swap3A_4], %broadcast_in_dim3A_3 {strides = array<i32>} : memref<640xf32, #tpu.memory_space<vmem>>, vector<16xf32>,
    %broadcast_in_dim3A_6 = arith.constant 0.000000e+00 : f32
    %broadcast_in_dim3A_7 = vector.broadcast %broadcast_in_dim3A_6 : f32 to vector<16xf32>
    %swap3A_8 = arith.constant 32 : index
    %swap3A_9 = tpu.vector_load %arg7[%swap3A_8] {strides = array<i32>} : memref<640xf32, #tpu.memory_space<vmem>>, vector<16xf32>,
    tpu.vector_store %arg7[%swap3A_8], %broadcast_in_dim3A_7 {strides = array<i32>} : memref<640xf32, #tpu.memory_space<vmem>>, vector<16xf32>,
    %broadcast_in_dim3A_10 = arith.constant 0.000000e+00 : f32
    %broadcast_in_dim3A_11 = vector.broadcast %broadcast_in_dim3A_10 : f32 to vector<16xf32>
    %swap3A_12 = arith.constant 48 : index
    %swap3A_13 = tpu.vector_load %arg7[%swap3A_12] {strides = array<i32>} : memref<640xf32, #tpu.memory_space<vmem>>, vector<16xf32>,
    tpu.vector_store %arg7[%swap3A_12], %broadcast_in_dim3A_11 {strides = array<i32>} : memref<640xf32, #tpu.memory_space<vmem>>, vector<16xf32>,
    %broadcast_in_dim3A_14 = arith.constant 0.000000e+00 : f32
    %broadcast_in_dim3A_15 = vector.broadcast %broadcast_in_dim3A_14 : f32 to vector<16xf32>
    %swap3A_16 = arith.constant 64 : index
    %swap3A_17 = tpu.vector_load %arg7[%swap3A_16] {strides = array<i32>} : memref<640xf32, #tpu.memory_space<vmem>>, vector<16xf32>,
    tpu.vector_store %arg7[%swap3A_16], %broadcast_in_dim3A_15 {strides = array<i32>} : memref<640xf32, #tpu.memory_space<vmem>>, vector<16xf32>,
    %broadcast_in_dim3A_18 = arith.constant 0.000000e+00 : f32
    %broadcast_in_dim3A_19 = vector.broadcast %broadcast_in_dim3A_18 : f32 to vector<16xf32>
    %swap3A_20 = arith.constant 80 : index
    %swap3A_21 = tpu.vector_load %arg7[%swap3A_20] {strides = array<i32>} : memref<640xf32, #tpu.memory_space<vmem>>, vector<16xf32>,
    tpu.vector_store %arg7[%swap3A_20], %broadcast_in_dim3A_19 {strides = array<i32>} : memref<640xf32, #tpu.memory_space<vmem>>, vector<16xf32>,
    %broadcast_in_dim3A_22 = arith.constant 0.000000e+00 : f32
    %broadcast_in_dim3A_23 = vector.broadcast %broadcast_in_dim3A_22 : f32 to vector<16xf32>
    %swap3A_24 = arith.constant 96 : index
    %swap3A_25 = tpu.vector_load %arg7[%swap3A_24] {strides = array<i32>} : memref<640xf32, #tpu.memory_space<vmem>>, vector<16xf32>,
    tpu.vector_store %arg7[%swap3A_24], %broadcast_in_dim3A_23 {strides = array<i32>} : memref<640xf32, #tpu.memory_space<vmem>>, vector<16xf32>,
    %broadcast_in_dim3A_26 = arith.constant 0.000000e+00 : f32
    %broadcast_in_dim3A_27 = vector.broadcast %broadcast_in_dim3A_26 : f32 to vector<16xf32>
    %swap3A_28 = arith.constant 112 : index
    %swap3A_29 = tpu.vector_load %arg7[%swap3A_28] {strides = array<i32>} : memref<640xf32, #tpu.memory_space<vmem>>, vector<16xf32>,
    tpu.vector_store %arg7[%swap3A_28], %broadcast_in_dim3A_27 {strides = array<i32>} : memref<640xf32, #tpu.memory_space<vmem>>, vector<16xf32>,
    %broadcast_in_dim3A_30 = arith.constant 0.000000e+00 : f32
    %broadcast_in_dim3A_31 = vector.broadcast %broadcast_in_dim3A_30 : f32 to vector<16xf32>
    %swap3A_32 = arith.constant 128 : index
    %swap3A_33 = tpu.vector_load %arg7[%swap3A_32] {strides = array<i32>} : memref<640xf32, #tpu.memory_space<vmem>>, vector<16xf32>,
    tpu.vector_store %arg7[%swap3A_32], %broadcast_in_dim3A_31 {strides = array<i32>} : memref<640xf32, #tpu.memory_space<vmem>>, vector<16xf32>,
    %broadcast_in_dim3A_34 = arith.constant 0.000000e+00 : f32
    %broadcast_in_dim3A_35 = vector.broadcast %broadcast_in_dim3A_34 : f32 to vector<16xf32>
    %swap3A_36 = arith.constant 144 : index
    %swap3A_37 = tpu.vector_load %arg7[%swap3A_36] {strides = array<i32>} : memref<640xf32, #tpu.memory_space<vmem>>, vector<16xf32>,
    tpu.vector_store %arg7[%swap3A_36], %broadcast_in_dim3A_35 {strides = array<i32>} : memref<640xf32, #tpu.memory_space<vmem>>, vector<16xf32>,
    %broadcast_in_dim3A_38 = arith.constant 0.000000e+00 : f32
    %broadcast_in_dim3A_39 = vector.broadcast %broadcast_in_dim3A_38 : f32 to vector<16xf32>
    %swap3A_40 = arith.constant 160 : index
    %swap3A_41 = tpu.vector_load %arg7[%swap3A_40] {strides = array<i32>} : memref<640xf32, #tpu.memory_space<vmem>>, vector<16xf32>,
    tpu.vector_store %arg7[%swap3A_40], %broadcast_in_dim3A_39 {strides = array<i32>} : memref<640xf32, #tpu.memory_space<vmem>>, vector<16xf32>,
    %broadcast_in_dim3A_42 = arith.constant 0.000000e+00 : f32
    %broadcast_in_dim3A_43 = vector.broadcast %broadcast_in_dim3A_42 : f32 to vector<16xf32>
    %swap3A_44 = arith.constant 176 : index
    %swap3A_45 = tpu.vector_load %arg7[%swap3A_44] {strides = array<i32>} : memref<640xf32, #tpu.memory_space<vmem>>, vector<16xf32>,
    tpu.vector_store %arg7[%swap3A_44], %broadcast_in_dim3A_43 {strides = array<i32>} : memref<640xf32, #tpu.memory_space<vmem>>, vector<16xf32>,
    %broadcast_in_dim3A_46 = arith.constant 0.000000e+00 : f32
    %broadcast_in_dim3A_47 = vector.broadcast %broadcast_in_dim3A_46 : f32 to vector<16xf32>
    %swap3A_48 = arith.constant 192 : index
    %swap3A_49 = tpu.vector_load %arg7[%swap3A_48] {strides = array<i32>} : memref<640xf32, #tpu.memory_space<vmem>>, vector<16xf32>,
    tpu.vector_store %arg7[%swap3A_48], %broadcast_in_dim3A_47 {strides = array<i32>} : memref<640xf32, #tpu.memory_space<vmem>>, vector<16xf32>,
    %broadcast_in_dim3A_50 = arith.constant 0.000000e+00 : f32
    %broadcast_in_dim3A_51 = vector.broadcast %broadcast_in_dim3A_50 : f32 to vector<16xf32>
    %swap3A_52 = arith.constant 208 : index
    %swap3A_53 = tpu.vector_load %arg7[%swap3A_52] {strides = array<i32>} : memref<640xf32, #tpu.memory_space<vmem>>, vector<16xf32>,
    tpu.vector_store %arg7[%swap3A_52], %broadcast_in_dim3A_51 {strides = array<i32>} : memref<640xf32, #tpu.memory_space<vmem>>, vector<16xf32>,
    %broadcast_in_dim3A_54 = arith.constant 0.000000e+00 : f32
    %broadcast_in_dim3A_55 = vector.broadcast %broadcast_in_dim3A_54 : f32 to vector<16xf32>
    %swap3A_56 = arith.constant 224 : index
    %swap3A_57 = tpu.vector_load %arg7[%swap3A_56] {strides = array<i32>} : memref<640xf32, #tpu.memory_space<vmem>>, vector<16xf32>,
    tpu.vector_store %arg7[%swap3A_56], %broadcast_in_dim3A_55 {strides = array<i32>} : memref<640xf32, #tpu.memory_space<vmem>>, vector<16xf32>,
    %broadcast_in_dim3A_58 = arith.constant 0.000000e+00 : f32
    %broadcast_in_dim3A_59 = vector.broadcast %broadcast_in_dim3A_58 : f32 to vector<16xf32>
    %swap3A_60 = arith.constant 240 : index
    %swap3A_61 = tpu.vector_load %arg7[%swap3A_60] {strides = array<i32>} : memref<640xf32, #tpu.memory_space<vmem>>, vector<16xf32>,
    tpu.vector_store %arg7[%swap3A_60], %broadcast_in_dim3A_59 {strides = array<i32>} : memref<640xf32, #tpu.memory_space<vmem>>, vector<16xf32>,
    %broadcast_in_dim3A_62 = arith.constant 0.000000e+00 : f32
    %broadcast_in_dim3A_63 = vector.broadcast %broadcast_in_dim3A_62 : f32 to vector<16xf32>
    %swap3A_64 = arith.constant 256 : index
    %swap3A_65 = tpu.vector_load %arg7[%swap3A_64] {strides = array<i32>} : memref<640xf32, #tpu.memory_space<vmem>>, vector<16xf32>,
    tpu.vector_store %arg7[%swap3A_64], %broadcast_in_dim3A_63 {strides = array<i32>} : memref<640xf32, #tpu.memory_space<vmem>>, vector<16xf32>,
    %broadcast_in_dim3A_66 = arith.constant 0.000000e+00 : f32
    %broadcast_in_dim3A_67 = vector.broadcast %broadcast_in_dim3A_66 : f32 to vector<16xf32>
    %swap3A_68 = arith.constant 272 : index
    %swap3A_69 = tpu.vector_load %arg7[%swap3A_68] {strides = array<i32>} : memref<640xf32, #tpu.memory_space<vmem>>, vector<16xf32>,
    tpu.vector_store %arg7[%swap3A_68], %broadcast_in_dim3A_67 {strides = array<i32>} : memref<640xf32, #tpu.memory_space<vmem>>, vector<16xf32>,
    %broadcast_in_dim3A_70 = arith.constant 0.000000e+00 : f32
    %broadcast_in_dim3A_71 = vector.broadcast %broadcast_in_dim3A_70 : f32 to vector<16xf32>
    %swap3A_72 = arith.constant 288 : index
    %swap3A_73 = tpu.vector_load %arg7[%swap3A_72] {strides = array<i32>} : memref<640xf32, #tpu.memory_space<vmem>>, vector<16xf32>,
    tpu.vector_store %arg7[%swap3A_72], %broadcast_in_dim3A_71 {strides = array<i32>} : memref<640xf32, #tpu.memory_space<vmem>>, vector<16xf32>,
    %broadcast_in_dim3A_74 = arith.constant 0.000000e+00 : f32
    %broadcast_in_dim3A_75 = vector.broadcast %broadcast_in_dim3A_74 : f32 to vector<16xf32>
    %swap3A_76 = arith.constant 304 : index
    %swap3A_77 = tpu.vector_load %arg7[%swap3A_76] {strides = array<i32>} : memref<640xf32, #tpu.memory_space<vmem>>, vector<16xf32>,
    tpu.vector_store %arg7[%swap3A_76], %broadcast_in_dim3A_75 {strides = array<i32>} : memref<640xf32, #tpu.memory_space<vmem>>, vector<16xf32>,
    %broadcast_in_dim3A_78 = arith.constant 0.000000e+00 : f32
    %broadcast_in_dim3A_79 = vector.broadcast %broadcast_in_dim3A_78 : f32 to vector<16xf32>
    %swap3A_80 = arith.constant 320 : index
    %swap3A_81 = tpu.vector_load %arg7[%swap3A_80] {strides = array<i32>} : memref<640xf32, #tpu.memory_space<vmem>>, vector<16xf32>,
    tpu.vector_store %arg7[%swap3A_80], %broadcast_in_dim3A_79 {strides = array<i32>} : memref<640xf32, #tpu.memory_space<vmem>>, vector<16xf32>,
    %broadcast_in_dim3A_82 = arith.constant 0.000000e+00 : f32
    %broadcast_in_dim3A_83 = vector.broadcast %broadcast_in_dim3A_82 : f32 to vector<16xf32>
    %swap3A_84 = arith.constant 336 : index
    %swap3A_85 = tpu.vector_load %arg7[%swap3A_84] {strides = array<i32>} : memref<640xf32, #tpu.memory_space<vmem>>, vector<16xf32>,
    tpu.vector_store %arg7[%swap3A_84], %broadcast_in_dim3A_83 {strides = array<i32>} : memref<640xf32, #tpu.memory_space<vmem>>, vector<16xf32>,
    %broadcast_in_dim3A_86 = arith.constant 0.000000e+00 : f32
    %broadcast_in_dim3A_87 = vector.broadcast %broadcast_in_dim3A_86 : f32 to vector<16xf32>
    %swap3A_88 = arith.constant 352 : index
    %swap3A_89 = tpu.vector_load %arg7[%swap3A_88] {strides = array<i32>} : memref<640xf32, #tpu.memory_space<vmem>>, vector<16xf32>,
    tpu.vector_store %arg7[%swap3A_88], %broadcast_in_dim3A_87 {strides = array<i32>} : memref<640xf32, #tpu.memory_space<vmem>>, vector<16xf32>,
    %broadcast_in_dim3A_90 = arith.constant 0.000000e+00 : f32
    %broadcast_in_dim3A_91 = vector.broadcast %broadcast_in_dim3A_90 : f32 to vector<16xf32>
    %swap3A_92 = arith.constant 368 : index
    %swap3A_93 = tpu.vector_load %arg7[%swap3A_92] {strides = array<i32>} : memref<640xf32, #tpu.memory_space<vmem>>, vector<16xf32>,
    tpu.vector_store %arg7[%swap3A_92], %broadcast_in_dim3A_91 {strides = array<i32>} : memref<640xf32, #tpu.memory_space<vmem>>, vector<16xf32>,
    %broadcast_in_dim3A_94 = arith.constant 0.000000e+00 : f32
    %broadcast_in_dim3A_95 = vector.broadcast %broadcast_in_dim3A_94 : f32 to vector<16xf32>
    %swap3A_96 = arith.constant 384 : index
    %swap3A_97 = tpu.vector_load %arg7[%swap3A_96] {strides = array<i32>} : memref<640xf32, #tpu.memory_space<vmem>>, vector<16xf32>,
    tpu.vector_store %arg7[%swap3A_96], %broadcast_in_dim3A_95 {strides = array<i32>} : memref<640xf32, #tpu.memory_space<vmem>>, vector<16xf32>,
    %broadcast_in_dim3A_98 = arith.constant 0.000000e+00 : f32
    %broadcast_in_dim3A_99 = vector.broadcast %broadcast_in_dim3A_98 : f32 to vector<16xf32>
    %swap3A_100 = arith.constant 400 : index
    %swap3A_101 = tpu.vector_load %arg7[%swap3A_100] {strides = array<i32>} : memref<640xf32, #tpu.memory_space<vmem>>, vector<16xf32>,
    tpu.vector_store %arg7[%swap3A_100], %broadcast_in_dim3A_99 {strides = array<i32>} : memref<640xf32, #tpu.memory_space<vmem>>, vector<16xf32>,
    %broadcast_in_dim3A_102 = arith.constant 0.000000e+00 : f32
    %broadcast_in_dim3A_103 = vector.broadcast %broadcast_in_dim3A_102 : f32 to vector<16xf32>
    %swap3A_104 = arith.constant 416 : index
    %swap3A_105 = tpu.vector_load %arg7[%swap3A_104] {strides = array<i32>} : memref<640xf32, #tpu.memory_space<vmem>>, vector<16xf32>,
    tpu.vector_store %arg7[%swap3A_104], %broadcast_in_dim3A_103 {strides = array<i32>} : memref<640xf32, #tpu.memory_space<vmem>>, vector<16xf32>,
    %broadcast_in_dim3A_106 = arith.constant 0.000000e+00 : f32
    %broadcast_in_dim3A_107 = vector.broadcast %broadcast_in_dim3A_106 : f32 to vector<16xf32>
    %swap3A_108 = arith.constant 432 : index
    %swap3A_109 = tpu.vector_load %arg7[%swap3A_108] {strides = array<i32>} : memref<640xf32, #tpu.memory_space<vmem>>, vector<16xf32>,
    tpu.vector_store %arg7[%swap3A_108], %broadcast_in_dim3A_107 {strides = array<i32>} : memref<640xf32, #tpu.memory_space<vmem>>, vector<16xf32>,
    %broadcast_in_dim3A_110 = arith.constant 0.000000e+00 : f32
    %broadcast_in_dim3A_111 = vector.broadcast %broadcast_in_dim3A_110 : f32 to vector<16xf32>
    %swap3A_112 = arith.constant 448 : index
    %swap3A_113 = tpu.vector_load %arg7[%swap3A_112] {strides = array<i32>} : memref<640xf32, #tpu.memory_space<vmem>>, vector<16xf32>,
    tpu.vector_store %arg7[%swap3A_112], %broadcast_in_dim3A_111 {strides = array<i32>} : memref<640xf32, #tpu.memory_space<vmem>>, vector<16xf32>,
    %broadcast_in_dim3A_114 = arith.constant 0.000000e+00 : f32
    %broadcast_in_dim3A_115 = vector.broadcast %broadcast_in_dim3A_114 : f32 to vector<16xf32>
    %swap3A_116 = arith.constant 464 : index
    %swap3A_117 = tpu.vector_load %arg7[%swap3A_116] {strides = array<i32>} : memref<640xf32, #tpu.memory_space<vmem>>, vector<16xf32>,
    tpu.vector_store %arg7[%swap3A_116], %broadcast_in_dim3A_115 {strides = array<i32>} : memref<640xf32, #tpu.memory_space<vmem>>, vector<16xf32>,
    %broadcast_in_dim3A_118 = arith.constant 0.000000e+00 : f32
    %broadcast_in_dim3A_119 = vector.broadcast %broadcast_in_dim3A_118 : f32 to vector<16xf32>
    %swap3A_120 = arith.constant 480 : index
    %swap3A_121 = tpu.vector_load %arg7[%swap3A_120] {strides = array<i32>} : memref<640xf32, #tpu.memory_space<vmem>>, vector<16xf32>,
    tpu.vector_store %arg7[%swap3A_120], %broadcast_in_dim3A_119 {strides = array<i32>} : memref<640xf32, #tpu.memory_space<vmem>>, vector<16xf32>,
    %broadcast_in_dim3A_122 = arith.constant 0.000000e+00 : f32
    %broadcast_in_dim3A_123 = vector.broadcast %broadcast_in_dim3A_122 : f32 to vector<16xf32>
    %swap3A_124 = arith.constant 496 : index
    %swap3A_125 = tpu.vector_load %arg7[%swap3A_124] {strides = array<i32>} : memref<640xf32, #tpu.memory_space<vmem>>, vector<16xf32>,
    tpu.vector_store %arg7[%swap3A_124], %broadcast_in_dim3A_123 {strides = array<i32>} : memref<640xf32, #tpu.memory_space<vmem>>, vector<16xf32>,
    %broadcast_in_dim3A_126 = arith.constant 0.000000e+00 : f32
    %broadcast_in_dim3A_127 = vector.broadcast %broadcast_in_dim3A_126 : f32 to vector<16xf32>
    %swap3A_128 = arith.constant 512 : index
    %swap3A_129 = tpu.vector_load %arg7[%swap3A_128] {strides = array<i32>} : memref<640xf32, #tpu.memory_space<vmem>>, vector<16xf32>,
    tpu.vector_store %arg7[%swap3A_128], %broadcast_in_dim3A_127 {strides = array<i32>} : memref<640xf32, #tpu.memory_space<vmem>>, vector<16xf32>,
    %broadcast_in_dim3A_130 = arith.constant 0.000000e+00 : f32
    %broadcast_in_dim3A_131 = vector.broadcast %broadcast_in_dim3A_130 : f32 to vector<16xf32>
    %swap3A_132 = arith.constant 528 : index
    %swap3A_133 = tpu.vector_load %arg7[%swap3A_132] {strides = array<i32>} : memref<640xf32, #tpu.memory_space<vmem>>, vector<16xf32>,
    tpu.vector_store %arg7[%swap3A_132], %broadcast_in_dim3A_131 {strides = array<i32>} : memref<640xf32, #tpu.memory_space<vmem>>, vector<16xf32>,
    %broadcast_in_dim3A_134 = arith.constant 0.000000e+00 : f32
    %broadcast_in_dim3A_135 = vector.broadcast %broadcast_in_dim3A_134 : f32 to vector<16xf32>
    %swap3A_136 = arith.constant 544 : index
    %swap3A_137 = tpu.vector_load %arg7[%swap3A_136] {strides = array<i32>} : memref<640xf32, #tpu.memory_space<vmem>>, vector<16xf32>,
    tpu.vector_store %arg7[%swap3A_136], %broadcast_in_dim3A_135 {strides = array<i32>} : memref<640xf32, #tpu.memory_space<vmem>>, vector<16xf32>,
    %broadcast_in_dim3A_138 = arith.constant 0.000000e+00 : f32
    %broadcast_in_dim3A_139 = vector.broadcast %broadcast_in_dim3A_138 : f32 to vector<16xf32>
    %swap3A_140 = arith.constant 560 : index
    %swap3A_141 = tpu.vector_load %arg7[%swap3A_140] {strides = array<i32>} : memref<640xf32, #tpu.memory_space<vmem>>, vector<16xf32>,
    tpu.vector_store %arg7[%swap3A_140], %broadcast_in_dim3A_139 {strides = array<i32>} : memref<640xf32, #tpu.memory_space<vmem>>, vector<16xf32>,
    %broadcast_in_dim3A_142 = arith.constant 0.000000e+00 : f32
    %broadcast_in_dim3A_143 = vector.broadcast %broadcast_in_dim3A_142 : f32 to vector<16xf32>
    %swap3A_144 = arith.constant 576 : index
    %swap3A_145 = tpu.vector_load %arg7[%swap3A_144] {strides = array<i32>} : memref<640xf32, #tpu.memory_space<vmem>>, vector<16xf32>,
    tpu.vector_store %arg7[%swap3A_144], %broadcast_in_dim3A_143 {strides = array<i32>} : memref<640xf32, #tpu.memory_space<vmem>>, vector<16xf32>,
    %broadcast_in_dim3A_146 = arith.constant 0.000000e+00 : f32
    %broadcast_in_dim3A_147 = vector.broadcast %broadcast_in_dim3A_146 : f32 to vector<16xf32>
    %swap3A_148 = arith.constant 592 : index
    %swap3A_149 = tpu.vector_load %arg7[%swap3A_148] {strides = array<i32>} : memref<640xf32, #tpu.memory_space<vmem>>, vector<16xf32>,
    tpu.vector_store %arg7[%swap3A_148], %broadcast_in_dim3A_147 {strides = array<i32>} : memref<640xf32, #tpu.memory_space<vmem>>, vector<16xf32>,
    %broadcast_in_dim3A_150 = arith.constant 0.000000e+00 : f32
    %broadcast_in_dim3A_151 = vector.broadcast %broadcast_in_dim3A_150 : f32 to vector<16xf32>
    %swap3A_152 = arith.constant 608 : index
    %swap3A_153 = tpu.vector_load %arg7[%swap3A_152] {strides = array<i32>} : memref<640xf32, #tpu.memory_space<vmem>>, vector<16xf32>,
    tpu.vector_store %arg7[%swap3A_152], %broadcast_in_dim3A_151 {strides = array<i32>} : memref<640xf32, #tpu.memory_space<vmem>>, vector<16xf32>,
    %broadcast_in_dim3A_154 = arith.constant 0.000000e+00 : f32
    %broadcast_in_dim3A_155 = vector.broadcast %broadcast_in_dim3A_154 : f32 to vector<16xf32>
    %swap3A_156 = arith.constant 624 : index
    %swap3A_157 = tpu.vector_load %arg7[%swap3A_156] {strides = array<i32>} : memref<640xf32, #tpu.memory_space<vmem>>, vector<16xf32>,
    tpu.vector_store %arg7[%swap3A_156], %broadcast_in_dim3A_155 {strides = array<i32>} : memref<640xf32, #tpu.memory_space<vmem>>, vector<16xf32>,
    %mul3A = arith.constant 640 : i32
    %mul3A_158 = arith.muli %arg1, %mul3A : i32
    "tpu.region"() ({
      %run_scoped3A = tpu.sem_alloc : memref<!tpu.dma_semaphore, #tpu.memory_space<semaphore_mem>>
      %dma_start3A = tpu.memref_slice %arg8[%mul3A_158] : memref<10240xf32, #tpu.memory_space<vmem_shared>> -> memref<640xf32, #tpu.memory_space<vmem_shared>>
      %dma_start3A_179 = tpu.memref_slice %arg8[%mul3A_158] : memref<10240xf32, #tpu.memory_space<vmem_shared>> -> memref<640xf32, #tpu.memory_space<vmem_shared>>
      tpu.enqueue_dma source(%arg7 : memref<640xf32, #tpu.memory_space<vmem>>) target(%dma_start3A_179 : memref<640xf32, #tpu.memory_space<vmem_shared>>) target_semaphore(%run_scoped3A : memref<!tpu.dma_semaphore, #tpu.memory_space<semaphore_mem>>)
      %dma_wait3A = tpu.memref_slice %arg8[%mul3A_158] : memref<10240xf32, #tpu.memory_space<vmem_shared>> -> memref<640xf32, #tpu.memory_space<vmem_shared>>
      %dma_wait3A_180 = tpu.memref_slice %arg8[%mul3A_158] : memref<10240xf32, #tpu.memory_space<vmem_shared>> -> memref<640xf32, #tpu.memory_space<vmem_shared>>
      tpu.wait_dma2 semaphore(%run_scoped3A : memref<!tpu.dma_semaphore, #tpu.memory_space<semaphore_mem>>) src(%arg7 : memref<640xf32, #tpu.memory_space<vmem>>) dst(%dma_wait3A_180 : memref<640xf32, #tpu.memory_space<vmem_shared>>)
      tpu.yield
    }) : () -> ()
    %barrier3A = arith.constant 0 : index
    tpu.barrier barrier_id(%barrier3A)
    %mul3A_159 = arith.constant 16 : i32
    %mul3A_160 = arith.muli %arg0, %mul3A_159 : i32
    %add3A = arith.addi %mul3A_160, %arg1 : i32
    %mul3A_161 = arith.constant 80 : i32
    %mul3A_162 = arith.muli %add3A, %mul3A_161 : i32
    "tpu.region"() ({
      %run_scoped3A = tpu.sem_alloc : memref<!tpu.dma_semaphore, #tpu.memory_space<semaphore_mem>>
      %dma_start3A = arith.constant 0 : i32
      %dma_start3A_179 = tpu.memref_slice %arg2[%mul3A_162, %dma_start3A] : memref<2560x128xi32, #tpu.memory_space<hbm>> -> memref<80x128xi32, #tpu.memory_space<hbm>>
      %dma_start3A_180 = arith.constant 0 : i32
      %dma_start3A_181 = tpu.memref_slice %arg2[%mul3A_162, %dma_start3A_180] : memref<2560x128xi32, #tpu.memory_space<hbm>> -> memref<80x128xi32, #tpu.memory_space<hbm>>
      tpu.enqueue_dma source(%dma_start3A_181 : memref<80x128xi32, #tpu.memory_space<hbm>>) target(%arg5 : memref<80x128xi32, #tpu.memory_space<vmem>>) target_semaphore(%run_scoped3A : memref<!tpu.dma_semaphore, #tpu.memory_space<semaphore_mem>>)
      %dma_wait3A = arith.constant 0 : i32
      %dma_wait3A_182 = tpu.memref_slice %arg2[%mul3A_162, %dma_wait3A] : memref<2560x128xi32, #tpu.memory_space<hbm>> -> memref<80x128xi32, #tpu.memory_space<hbm>>
      %dma_wait3A_183 = arith.constant 0 : i32
      %dma_wait3A_184 = tpu.memref_slice %arg2[%mul3A_162, %dma_wait3A_183] : memref<2560x128xi32, #tpu.memory_space<hbm>> -> memref<80x128xi32, #tpu.memory_space<hbm>>
      tpu.wait_dma2 semaphore(%run_scoped3A : memref<!tpu.dma_semaphore, #tpu.memory_space<semaphore_mem>>) src(%dma_wait3A_184 : memref<80x128xi32, #tpu.memory_space<hbm>>) dst(%arg5 : memref<80x128xi32, #tpu.memory_space<vmem>>)
      tpu.yield
    }) : () -> ()
    "tpu.region"() ({
      %run_scoped3A = tpu.sem_alloc : memref<!tpu.dma_semaphore, #tpu.memory_space<semaphore_mem>>
      %dma_start3A = arith.constant 0 : i32
      %dma_start3A_179 = tpu.memref_slice %arg3[%mul3A_162, %dma_start3A] : memref<2560x128xf32, #tpu.memory_space<hbm>> -> memref<80x128xf32, #tpu.memory_space<hbm>>
      %dma_start3A_180 = arith.constant 0 : i32
      %dma_start3A_181 = tpu.memref_slice %arg3[%mul3A_162, %dma_start3A_180] : memref<2560x128xf32, #tpu.memory_space<hbm>> -> memref<80x128xf32, #tpu.memory_space<hbm>>
      tpu.enqueue_dma source(%dma_start3A_181 : memref<80x128xf32, #tpu.memory_space<hbm>>) target(%arg6 : memref<80x128xf32, #tpu.memory_space<vmem>>) target_semaphore(%run_scoped3A : memref<!tpu.dma_semaphore, #tpu.memory_space<semaphore_mem>>)
      %dma_wait3A = arith.constant 0 : i32
      %dma_wait3A_182 = tpu.memref_slice %arg3[%mul3A_162, %dma_wait3A] : memref<2560x128xf32, #tpu.memory_space<hbm>> -> memref<80x128xf32, #tpu.memory_space<hbm>>
      %dma_wait3A_183 = arith.constant 0 : i32
      %dma_wait3A_184 = tpu.memref_slice %arg3[%mul3A_162, %dma_wait3A_183] : memref<2560x128xf32, #tpu.memory_space<hbm>> -> memref<80x128xf32, #tpu.memory_space<hbm>>
      tpu.wait_dma2 semaphore(%run_scoped3A : memref<!tpu.dma_semaphore, #tpu.memory_space<semaphore_mem>>) src(%dma_wait3A_184 : memref<80x128xf32, #tpu.memory_space<hbm>>) dst(%arg6 : memref<80x128xf32, #tpu.memory_space<vmem>>)
      tpu.yield
    }) : () -> ()
    %scan3A = arith.constant 0 : i32
    %scan3A_163 = arith.constant 0 : i32
    %scan3A_164 = arith.constant 80 : i32
    %scan3A_165 = arith.addi %scan3A_163, %scan3A_164 : i32
    %scan3A_166 = arith.constant 1 : i32
    scf.for %scan3A_179 = %scan3A_163 to %scan3A_165 step %scan3A_166  : i32 {
      %dma_start3A = arith.constant 0 : i32
      %dma_start3A_180 = tpu.memref_slice %arg6[%scan3A_179, %dma_start3A] : memref<80x128xf32, #tpu.memory_space<vmem>> -> memref<1x128xf32, #tpu.memory_space<vmem>>
      %dma_start3A_181 = tpu.memref_squeeze %dma_start3A_180 : memref<1x128xf32, #tpu.memory_space<vmem>> -> memref<128xf32, #tpu.memory_space<vmem>>
      %dma_start3A_182 = arith.constant 0 : i32
      %dma_start3A_183 = tpu.memref_slice %arg5[%scan3A_179, %dma_start3A_182] : memref<80x128xi32, #tpu.memory_space<vmem>> -> memref<1x128xi32, #tpu.memory_space<vmem>>
      %dma_start3A_184 = tpu.memref_squeeze %dma_start3A_183 : memref<1x128xi32, #tpu.memory_space<vmem>> -> memref<128xi32, #tpu.memory_space<vmem>>
      %dma_start3A_185 = arith.constant 0 : i32
      %dma_start3A_186 = tpu.memref_slice %arg8[%dma_start3A_185] : memref<10240xf32, #tpu.memory_space<vmem_shared>> -> memref<10240xf32, #tpu.memory_space<vmem_shared>>
      tpu.enqueue_indirect_dma source(%dma_start3A_181 : memref<128xf32, #tpu.memory_space<vmem>>) target(%dma_start3A_186 : memref<10240xf32, #tpu.memory_space<vmem_shared>>) offsets(%dma_start3A_184 : memref<128xi32, #tpu.memory_space<vmem>>) semaphore(%arg9 : memref<!tpu.dma_semaphore, #tpu.memory_space<semaphore_mem>>) {add = true}
    }
    %scan3A_167 = arith.constant 80 : i32
    %scan3A_168 = arith.constant 0 : i32
    %scan3A_169 = arith.constant 0 : i32
    %scan3A_170 = arith.constant 80 : i32
    %scan3A_171 = arith.addi %scan3A_169, %scan3A_170 : i32
    %scan3A_172 = arith.constant 1 : i32
    scf.for %scan3A_179 = %scan3A_169 to %scan3A_171 step %scan3A_172  : i32 {
      %dma_wait3A = arith.constant 0 : i32
      %dma_wait3A_180 = arith.constant 0 : i32
      %dma_wait3A_181 = arith.constant 0 : i32
      %dma_wait3A_182 = tpu.memref_slice %arg6[%dma_wait3A, %dma_wait3A_181] : memref<80x128xf32, #tpu.memory_space<vmem>> -> memref<1x128xf32, #tpu.memory_space<vmem>>
      %dma_wait3A_183 = tpu.memref_squeeze %dma_wait3A_182 : memref<1x128xf32, #tpu.memory_space<vmem>> -> memref<128xf32, #tpu.memory_space<vmem>>
      %dma_wait3A_184 = arith.constant 0 : i32
      %dma_wait3A_185 = tpu.memref_slice %arg5[%dma_wait3A_180, %dma_wait3A_184] : memref<80x128xi32, #tpu.memory_space<vmem>> -> memref<1x128xi32, #tpu.memory_space<vmem>>
      %dma_wait3A_186 = tpu.memref_squeeze %dma_wait3A_185 : memref<1x128xi32, #tpu.memory_space<vmem>> -> memref<128xi32, #tpu.memory_space<vmem>>
      %dma_wait3A_187 = arith.constant 0 : i32
      %dma_wait3A_188 = tpu.memref_slice %arg8[%dma_wait3A_187] : memref<10240xf32, #tpu.memory_space<vmem_shared>> -> memref<10240xf32, #tpu.memory_space<vmem_shared>>
      tpu.wait_indirect_dma semaphore(%arg9 : memref<!tpu.dma_semaphore, #tpu.memory_space<semaphore_mem>>) src(%dma_wait3A_183 : memref<128xf32, #tpu.memory_space<vmem>>) dst(%dma_wait3A_188 : memref<10240xf32, #tpu.memory_space<vmem_shared>>)
    }
    %scan3A_173 = arith.constant 80 : i32
    %barrier3A_174 = arith.constant 0 : index
    tpu.barrier barrier_id(%barrier3A_174)
    %mul3A_175 = arith.constant 640 : i32
    %mul3A_176 = arith.muli %arg1, %mul3A_175 : i32
    %mul3A_177 = arith.constant 640 : i32
    %mul3A_178 = arith.muli %arg1, %mul3A_177 : i32
    "tpu.region"() ({
      %run_scoped3A = tpu.sem_alloc : memref<!tpu.dma_semaphore, #tpu.memory_space<semaphore_mem>>
      %dma_start3A = tpu.memref_slice %arg4[%arg0, %mul3A_178] : memref<2x10240xf32, #tpu.memory_space<hbm>> -> memref<1x640xf32, #tpu.memory_space<hbm>>
      %dma_start3A_179 = tpu.memref_squeeze %dma_start3A : memref<1x640xf32, #tpu.memory_space<hbm>> -> memref<640xf32, #tpu.memory_space<hbm>>
      %dma_start3A_180 = tpu.memref_slice %arg8[%mul3A_176] : memref<10240xf32, #tpu.memory_space<vmem_shared>> -> memref<640xf32, #tpu.memory_space<vmem_shared>>
      tpu.enqueue_dma source(%dma_start3A_180 : memref<640xf32, #tpu.memory_space<vmem_shared>>) target(%dma_start3A_179 : memref<640xf32, #tpu.memory_space<hbm>>) target_semaphore(%run_scoped3A : memref<!tpu.dma_semaphore, #tpu.memory_space<semaphore_mem>>)
      %dma_wait3A = tpu.memref_slice %arg4[%arg0, %mul3A_178] : memref<2x10240xf32, #tpu.memory_space<hbm>> -> memref<1x640xf32, #tpu.memory_space<hbm>>
      %dma_wait3A_181 = tpu.memref_squeeze %dma_wait3A : memref<1x640xf32, #tpu.memory_space<hbm>> -> memref<640xf32, #tpu.memory_space<hbm>>
      %dma_wait3A_182 = tpu.memref_slice %arg8[%mul3A_176] : memref<10240xf32, #tpu.memory_space<vmem_shared>> -> memref<640xf32, #tpu.memory_space<vmem_shared>>
      tpu.wait_dma2 semaphore(%run_scoped3A : memref<!tpu.dma_semaphore, #tpu.memory_space<semaphore_mem>>) src(%dma_wait3A_182 : memref<640xf32, #tpu.memory_space<vmem_shared>>) dst(%dma_wait3A_181 : memref<640xf32, #tpu.memory_space<hbm>>)
      tpu.yield
    }) : () -> ()
    return
  }
}

module attributes {stable_mosaic.version = 14 : i64} {
  func.func @_fin_body(%arg0: i32, %arg1: memref<2000x1xf32, #tpu.memory_space<vmem>>, %arg2: memref<2x2000x128xf32, #tpu.memory_space<vmem>>, %arg3: memref<2000x128xf32, #tpu.memory_space<vmem>>, %arg4: memref<128x128xf32, #tpu.memory_space<vmem>>, %arg5: memref<1x128xf32, #tpu.memory_space<vmem>>, %arg6: memref<2000x128xf32, #tpu.memory_space<vmem>>) attributes {dimension_semantics = [#tpu.dimension_semantics<arbitrary>], iteration_bounds = array<i64: 5>, scalar_prefetch = 0 : i64, scratch_operands = 0 : i64, tpu.core_type = #tpu.core_type<tc>, window_params = [{transform_indices = @transform_0, window_bounds = array<i64: 2000, 1>}, {transform_indices = @transform_1, window_bounds = array<i64: 2, 2000, 128>}, {transform_indices = @transform_2, window_bounds = array<i64: 2000, 128>}, {pipeline_mode = #tpu.pipeline_mode<synchronous>, transform_indices = @transform_3, window_bounds = array<i64: 128, 128>}, {pipeline_mode = #tpu.pipeline_mode<synchronous>, transform_indices = @transform_4, window_bounds = array<i64: 1, 128>}, {transform_indices = @transform_5, window_bounds = array<i64: 2000, 128>}]} {
    %get3A = arith.constant 0 : index
    %get3A_0 = arith.constant 0 : index
    %get3A_1 = vector.load %arg1[%get3A, %get3A_0] : memref<2000x1xf32, #tpu.memory_space<vmem>>, vector<2000x1xf32>
    %get3A_2 = arith.constant 0 : index
    %get3A_3 = arith.constant 0 : index
    %get3A_4 = arith.constant 0 : index
    %get3A_5 = vector.load %arg2[%get3A_2, %get3A_3, %get3A_4] : memref<2x2000x128xf32, #tpu.memory_space<vmem>>, vector<1x2000x128xf32>
    %get3A_6 = vector.shape_cast %get3A_5 : vector<1x2000x128xf32> to vector<2000x128xf32>
    %get3A_7 = arith.constant 1 : index
    %get3A_8 = arith.constant 0 : index
    %get3A_9 = arith.constant 0 : index
    %get3A_10 = vector.load %arg2[%get3A_7, %get3A_8, %get3A_9] : memref<2x2000x128xf32, #tpu.memory_space<vmem>>, vector<1x2000x128xf32>
    %get3A_11 = vector.shape_cast %get3A_10 : vector<1x2000x128xf32> to vector<2000x128xf32>
    %add3A = arith.addf %get3A_6, %get3A_11 : vector<2000x128xf32>
    %mul3A = vector.broadcast %get3A_1 : vector<2000x1xf32> to vector<2000x128xf32>
    %mul3A_12 = arith.mulf %mul3A, %add3A : vector<2000x128xf32>
    %mul3A_13 = arith.constant 2.000000e+00 : f32
    %mul3A_14 = vector.broadcast %mul3A_13 : f32 to vector<2000x1xf32>
    %mul3A_15 = arith.mulf %mul3A_14, %get3A_1 : vector<2000x1xf32>
    %mul3A_16 = arith.mulf %mul3A_15, %get3A_1 : vector<2000x1xf32>
    %get3A_17 = arith.constant 0 : index
    %get3A_18 = arith.constant 0 : index
    %get3A_19 = vector.load %arg3[%get3A_17, %get3A_18] : memref<2000x128xf32, #tpu.memory_space<vmem>>, vector<2000x128xf32>
    %mul3A_20 = vector.broadcast %mul3A_16 : vector<2000x1xf32> to vector<2000x128xf32>
    %mul3A_21 = arith.mulf %mul3A_20, %get3A_19 : vector<2000x128xf32>
    %add3A_22 = arith.addf %mul3A_12, %mul3A_21 : vector<2000x128xf32>
    %get3A_23 = arith.constant 0 : index
    %get3A_24 = arith.constant 0 : index
    %get3A_25 = vector.load %arg4[%get3A_23, %get3A_24] : memref<128x128xf32, #tpu.memory_space<vmem>>, vector<128x128xf32>
    %dot_general3A = arith.constant dense<0.000000e+00> : vector<2000x128xf32>
    %dot_general3A_26 = tpu.matmul %add3A_22, %get3A_25, %dot_general3A {dimension_numbers = #tpu.dot_dimension_numbers<[1], [0], [0], [1], [0, 0, 1, 1], [], []>, transpose_lhs_hint = false} : vector<2000x128xf32>, vector<128x128xf32>, vector<2000x128xf32> -> vector<2000x128xf32>
    %get3A_27 = arith.constant 0 : index
    %get3A_28 = arith.constant 0 : index
    %get3A_29 = vector.load %arg5[%get3A_27, %get3A_28] : memref<1x128xf32, #tpu.memory_space<vmem>>, vector<1x128xf32>
    %add3A_30 = vector.broadcast %get3A_29 : vector<1x128xf32> to vector<2000x128xf32>
    %add3A_31 = arith.addf %dot_general3A_26, %add3A_30 : vector<2000x128xf32>
    %swap3A = arith.constant 0 : index
    %swap3A_32 = arith.constant 0 : index
    %swap3A_33 = vector.load %arg6[%swap3A, %swap3A_32] : memref<2000x128xf32, #tpu.memory_space<vmem>>, vector<2000x128xf32>
    tpu.vector_store %arg6[%swap3A, %swap3A_32], %add3A_31 {strides = array<i32>} : memref<2000x128xf32, #tpu.memory_space<vmem>>, vector<2000x128xf32>,
    return
  }
  func.func @transform_0(%arg0: i32) -> (i32, i32) {
    %c0_i32 = arith.constant 0 : i32
    %c0_i32_0 = arith.constant 0 : i32
    return %arg0, %c0_i32 : i32, i32
  }
  func.func @transform_1(%arg0: i32) -> (i32, i32, i32) {
    %c0_i32 = arith.constant 0 : i32
    %c0_i32_0 = arith.constant 0 : i32
    %c0_i32_1 = arith.constant 0 : i32
    return %c0_i32, %arg0, %c0_i32_0 : i32, i32, i32
  }
  func.func @transform_2(%arg0: i32) -> (i32, i32) {
    %c0_i32 = arith.constant 0 : i32
    %c0_i32_0 = arith.constant 0 : i32
    return %arg0, %c0_i32 : i32, i32
  }
  func.func @transform_3(%arg0: i32) -> (i32, i32) {
    %c0_i32 = arith.constant 0 : i32
    %c0_i32_0 = arith.constant 0 : i32
    %c0_i32_1 = arith.constant 0 : i32
    return %c0_i32, %c0_i32_0 : i32, i32
  }
  func.func @transform_4(%arg0: i32) -> (i32, i32) {
    %c0_i32 = arith.constant 0 : i32
    %c0_i32_0 = arith.constant 0 : i32
    %c0_i32_1 = arith.constant 0 : i32
    return %c0_i32, %c0_i32_0 : i32, i32
  }
  func.func @transform_5(%arg0: i32) -> (i32, i32) {
    %c0_i32 = arith.constant 0 : i32
    %c0_i32_0 = arith.constant 0 : i32
    return %arg0, %c0_i32 : i32, i32
  }
}

</mosaic_0001>

<sc_bundles>
// kernel: kernel.5.cloned.1.call-start
scs
__scs_entry_jumppad:
0x0: {  	(pc) =	sbr.rel $0x88, $3  }
0x1: {  	(tag) =	ssettag $0x0;
	lr =	simm.s32 $0x1  }
0x2: {  	[smem:$0x3F9C] =	sst lr;
	_ =	strace $0xD0000000  }
0x3: {  	_ = 	snop  }
0x4: {  	_ = 	snop  }
0x5: {  	_ = 	snop  }
0x6: {  	_ = 	snop  }
0x7: {  	_ = 	snop  }
__scs_overlays_trampoline_lowered:
0x8: {  	[smem:$0x3FAB] =	sst s0  }
0x9: {  	[smem:$0x3FAC] =	sst s1  }
0xa: {  	[smem:$0x3FAD] =	sst s2  }
0xb: {  	[smem:$0x3FAE] =	sst s3  }
0xc: {  	[smem:$0x3FAF] =	sst s4  }
0xd: {  	[smem:$0x3FB0] =	sst s5  }
0xe: {  	[smem:$0x3FB1] =	sst s6  }
0xf: {  	[smem:$0x3FB2] =	sst s7  }
0x10: {  	[smem:$0x3FB3] =	sst s8  }
0x11: {  	[smem:$0x3FB4] =	sst s9;
	s0 =	simm.s32 @!p0 $0x0  }
0x12: {  	s1 =	sld [smem:$0x3F9A];
	s0 =	simm.s32 @p0 $0x1  }
0x13: {  	[smem:$0x3FB5] =	sst s0;
	s0 =	simm.s32 @!p1 $0x0  }
0x14: {  	s2 =	sld [smem:$0x3F99];
	s0 =	simm.s32 @p1 $0x1  }
0x15: {  	[smem:$0x3FB6] =	sst s0;
	s0 =	simm.s32 @!p2 $0x0  }
0x16: {  	s3 =	sld [smem:$0x3FDB];
	s0 =	simm.s32 @p2 $0x1  }
0x17: {  	s4 =	simm.s32 $0x1BF5;
	[smem:$0x3FB8] =	sst s0  }
0x18: {  	s0 =	sld [smem:$0x3F9B];
	_ =	swait.ge [sflag:s4], $0x0  }
0x19: {  	s7 =	sld [smem:$0x3F9C]  }
0x1a: {  	s8 =	sadd.s32 $0xFFFFE003, lr  }
0x1b: {  	s9 =	sadd.s32 $0xFFFFFEF7, lr;
	s5 =	simm.s32 $0xFFFFFFFF;
	p2 =	slt.u32 s8, $0xFFFFF086  }
0x1c: {  	p1 =	slt.u32 s9, $0xF7A;
	s5 =	simm.s32 @!p2 $0x0  }
0x1d: {  	s5 =	simm.s32 @p1 $0x1;
	p0 =	seq.s32 s7, s2  }
0x1e: {  	s7 =	smul.u32 @!p0 $0xF7A, s2;
	p2 =	seq.s32 @!p0 s5, $0x0  }
0x1f: {  	s9 =	smul.u32 $0xF7A, s1;
	s8 =	simm.s32 @!p0 $0x1BF5;
	p2 =	por !p2, p0  }
0x20: {  	[sflag:s8] =	ssyncset.s32 @!p0 $0xFFFFF086;
	s6 =	sadd.s32 @!p0 s3, s7;
	s7 =	simm.s32 @!p0 $0x108  }
0x21: {  	s3 =	sadd.s32 s3, s9;
	s6 =	sadd.s32 @!p0 $0x88, s6;
	s7 =	simm.s32 @p2 $0x1082  }
0x22: {  	[simem:s7], [sflag:s8] =	dma.local @!p0 [hbm:s6], $0xF7A  }
0x23: {  	s9 =	sor.u32 $0xD0000000, s2;
	s6 =	simm.s32 $0x108;
	_ =	swait.ge @!p0 [sflag:s8], $0x0  }
0x24: {  	s3 =	sadd.s32 $0x88, s3;
	s6 =	simm.s32 @!p1 $0x1082;
	[sflag:s4] =	ssyncset.s32 $0xFFFFF086  }
0x25: {  	[simem:s6], [sflag:s4] =	dma.local [hbm:s3], $0xF7A  }
0x26: {  	[smem:$0x3F9C] =	sst s1;
	(tag) =	ssettag s2;
	_ =	strace s9  }
0x27: {  	s1 =	sld [smem:$0x3FAC]  }
0x28: {  	s2 =	sld [smem:$0x3FAD]  }
0x29: {  	s4 =	sld [smem:$0x3FAF]  }
0x2a: {  	p0 =	seq.s32 s5, $0x0;
	s5 =	sld [smem:$0x3FB0]  }
0x2b: {  	s6 =	sld [smem:$0x3FB1]  }
0x2c: {  	s7 =	sld [smem:$0x3FB2]  }
0x2d: {  	s3 =	simm.s32 $0x108;
	s8 =	sld [smem:$0x3FB3]  }
0x2e: {  	s3 =	simm.s32 @!p0 $0x1082;
	s9 =	sld [smem:$0x3FB4]  }
0x2f: {  	lr =	sadd.s32 s0, s3;
	s0 =	sld [smem:$0x3FAB]  }
0x30: {  	s3 =	sld [smem:$0x3FAE]  }
0x31: {  	[smem:$0x3FB7] =	sst s10  }
0x32: {  	s10 =	sld [smem:$0x3FB5];
	_ =	sdelay $0x3  }
0x33: {  	p0 =	seq.s32 s10, $0x1;
	s10 =	sld [smem:$0x3FB7];
	_ =	sdelay $0x3  }
0x34: {  	[smem:$0x3FB7] =	sst s10  }
0x35: {  	s10 =	sld [smem:$0x3FB6];
	_ =	sdelay $0x3  }
0x36: {  	p1 =	seq.s32 s10, $0x1;
	s10 =	sld [smem:$0x3FB7];
	_ =	sdelay $0x3  }
0x37: {  	[smem:$0x3FB7] =	sst s10  }
0x38: {  	s10 =	sld [smem:$0x3FB8]  }
0x39: {  	_ = 	snop;
	(pc) =	sbr.ind lr, $3  }
0x3a: {  	_ = 	snop  }
0x3b: {  	_ = 	snop  }
0x3c: {  	p2 =	seq.s32 s10, $0x1;
	s10 =	sld [smem:$0x3FB7]  }
0x3d: {  	_ =	shalt  }
0x3e: {  	_ =	shalt  }
0x3f: {  	_ =	shalt  }
0x40: {  	_ =	shalt  }
0x41: {  	_ =	shalt  }
0x42: {  	_ =	shalt  }
0x43: {  	_ =	shalt  }
0x44: {  	_ =	shalt  }
0x45: {  	_ =	shalt  }
0x46: {  	_ =	shalt  }
0x47: {  	_ =	shalt  }
0x48: {  	_ =	shalt  }
0x49: {  	_ =	shalt  }
0x4a: {  	_ =	shalt  }
0x4b: {  	_ =	shalt  }
0x4c: {  	_ =	shalt  }
0x4d: {  	_ =	shalt  }
0x4e: {  	_ =	shalt  }
0x4f: {  	_ =	shalt  }
0x50: {  	_ =	shalt  }
0x51: {  	_ =	shalt  }
0x52: {  	_ =	shalt  }
0x53: {  	_ =	shalt  }
0x54: {  	_ =	shalt  }
0x55: {  	_ =	shalt  }
0x56: {  	_ =	shalt  }
0x57: {  	_ =	shalt  }
0x58: {  	_ =	shalt  }
0x59: {  	_ =	shalt  }
0x5a: {  	_ =	shalt  }
0x5b: {  	_ =	shalt  }
0x5c: {  	_ =	shalt  }
0x5d: {  	_ =	shalt  }
0x5e: {  	_ =	shalt  }
0x5f: {  	_ =	shalt  }
0x60: {  	_ =	shalt  }
0x61: {  	_ =	shalt  }
0x62: {  	_ =	shalt  }
0x63: {  	_ =	shalt  }
0x64: {  	_ =	shalt  }
0x65: {  	_ =	shalt  }
0x66: {  	_ =	shalt  }
0x67: {  	_ =	shalt  }
0x68: {  	_ =	shalt  }
0x69: {  	_ =	shalt  }
0x6a: {  	_ =	shalt  }
0x6b: {  	_ =	shalt  }
0x6c: {  	_ =	shalt  }
0x6d: {  	_ =	shalt  }
0x6e: {  	_ =	shalt  }
0x6f: {  	_ =	shalt  }
0x70: {  	_ =	shalt  }
0x71: {  	_ =	shalt  }
0x72: {  	_ =	shalt  }
0x73: {  	_ =	shalt  }
0x74: {  	_ =	shalt  }
0x75: {  	_ =	shalt  }
0x76: {  	_ =	shalt  }
0x77: {  	_ =	shalt  }
0x78: {  	_ =	shalt  }
0x79: {  	_ =	shalt  }
0x7a: {  	_ =	shalt  }
0x7b: {  	_ =	shalt  }
0x7c: {  	_ =	shalt  }
0x7d: {  	_ =	shalt  }
0x7e: {  	_ =	shalt  }
0x7f: {  	_ =	shalt  }
0x80: {  	_ =	shalt  }
0x81: {  	_ =	shalt  }
0x82: {  	_ =	shalt  }
0x83: {  	_ =	shalt  }
0x84: {  	_ =	shalt  }
0x85: {  	_ =	shalt  }
0x86: {  	_ =	shalt  }
0x87: {  	_ =	shalt  }
.Lfunc_end0:
.L_simem_size_0:
called_computation_lowered:
.L_overlay_start_0:
0x88: {  	s2 =	sld [smem:$0x3FD9]  }
0x89: {  	s3 =	sld [smem:$0x3FFE];
	_ =	sdelay $0x1  }
0x8a: {  	s1 =	srdreg.scid  }
0x8b: {  	s0 =	sand.u32 $0x1, s1  }
0x8c: {  	s14 =	sshll.u32 s0, $0xA;
	s2 =	sadd.s32 s3, s2  }
0x8d: {  	s2 =	sadd.s32 s2, s14  }
0x8e: {  	[smem:$0x3FC3] =	sst s2  }
0x8f: {  	_ = 	snop  }
0x90: {  	s2 =	sld [smem:$0x3FD0];
	_ =	sdelay $0x2  }
0x91: {  	s15 =	simm.s32 $0xA;
	s4 =	simm.s32 $0x10  }
0x92: {  	[smem:s4], [sflag:s15] =	dma.local [hbm:s2], $0x1  }
0x93: {  	_ =	swait.eq [sflag:s15], $0x1  }
0x94: {  	[sflag:s15] =	ssyncset.done $0x0  }
0x95: {  	[sflag:s15] =	ssyncadd.s32 $0xFFFFFFFF  }
0x96: {  	s16 =	sld [smem:$0x11];
	(tm) =	ssettm $0x1  }
0x97: {  	s17 =	sld [smem:$0x3FFB];
	_ =	sdelay $0x3  }
0x98: {  	_ =	strace s17  }
0x99: {  	s3 =	sld [smem:$0x3FFC];
	_ =	sdelay $0x3  }
0x9a: {  	_ =	strace s3  }
0x9b: {  	s3 =	sld [smem:$0x3FFD];
	_ =	sdelay $0x3  }
0x9c: {  	_ =	strace s3  }
0x9d: {  	_ =	strace $0x8FFFFFFF  }
0x9e: {  	s18 =	sld [smem:$0x3FDB];
	_ =	sdelay $0x1  }
0x9f: {  	s19 =	simm.s32 $_scs_section_size  }
0xa0: {  	s5 =	simm.s32 $_size__tile_overlayer_lowered;
	s6 =	simm.s32 $_tile_overlayer_lowered  }
0xa1: {  	s22 =	simm.s32 $0x1BFF;
	s21 =	sshll.u32 s6, $0x1;
	s3 =	sadd.s32 s19, s18  }
0xa2: {  	s7 =	simm.s32 $0x0;
	s20 =	sshll.u32 s5, $0x1;
	s5 =	sadd.s32 s21, s3  }
0xa3: {  	[timem:s7], [sflag:s22] =	dma.local [hbm:s5], s20  }
0xa4: {  	_ =	swait.ge [sflag:s22], s20  }
0xa5: {  	s4 =	ssub.s32 $0x0, s20;
	[sflag:s22] =	ssyncset.done $0x0  }
0xa6: {  	[sflag:s22] =	ssyncadd.s32 s4;
	_ =	sdelay $0x1  }
0xa7: {  	s23 =	simm.s32 $0x1B8B  }
0xa8: {  	_ =	swait.ge [sflag:s23], $0x1  }
0xa9: {  	[sflag:s23] =	ssyncset.done $0x0  }
0xaa: {  	s25 =	simm.s32 $0x1B8E;
	s24 =	sld [smem:$0x3FFE];
	[sflag:s23] =	ssyncadd.s32 $0xFFFFFFFF  }
0xab: {  	s26 =	simm.s32 $execute0_lowered;
	[smem:$0x3FD2] =	sst s25  }
0xac: {  	s5 =	sshll.u32 s26, $0x1;
	_ =	strace $0x80000046;
	[dreg:$0x1] =	wrdreg $0xFFFFFFFF  }
0xad: {  	s28 =	simm.s32 $_size_execute0_lowered;
	s3 =	sadd.s32 s3, s5;
	[dreg:$0x0] =	wrdreg $0x0  }
0xae: {  	s5 =	sshll.u32 s28, $0x1;
	[dreg:$0x2] =	wrdreg s3  }
0xaf: {  	[dreg:$0x3] =	wrdreg s5  }
0xb0: {  	[dreg:$0x4] =	wrdreg $0xC0  }
0xb1: {  	_ =	task [dreg:s7], $0x5FFFF  }
0xb2: {  	[dreg:$0x1] =	wrdreg $0xFFFFFFFF  }
0xb3: {  	[dreg:$0x0] =	wrdreg $0x60  }
0xb4: {  	[dreg:$0x2] =	wrdreg s16  }
0xb5: {  	[dreg:$0x3] =	wrdreg s24  }
0xb6: {  	[dreg:$0x4] =	wrdreg $0x52800  }
0xb7: {  	[dreg:$0x5] =	wrdreg $0x9  }
0xb8: {  	_ =	task.clear_ibuf [dreg:s7], $0x6FFFF;
	_ =	strace $0x90000046  }
0xb9: {  	s29 =	simm.s32 $0x9;
	_ =	strace $0x80000048  }
0xba: {  	_ =	swait.ge [sflag:s29], $0x1  }
0xbb: {  	[sflag:s29] =	ssyncadd.s32 $0xFFFFFFFF  }
0xbc: {  	_ =	strace $0x90000048  }
0xbd: {  	_ =	sfence  }
0xbe: {  	s30 =	sld [smem:$0x0];
	_ =	sdelay $0x2  }
0xbf: {  	s31 =	sshll.u32 s1, $0xD;
	s1 =	sshrl.u32 s1, $0x2  }
0xc0: {  	s3 =	sand.u32 $0x4000, s31;
	s1 =	sadd.s32 s1, s30  }
0xc1: {  	s0 =	sor.u32 s3, s0;
	s1 =	sshll.u32 s1, $0x11  }
0xc2: {  	s0 =	sor.u32 s1, s0  }
0xc3: {  	s0 =	sadd.s32 $0x8F2B, s0  }
0xc4: {  	[sflag:s0] =	ssyncadd.remote.s32 $0x1  }
0xc5: {  	_ =	sfence.sel $0xFFFF  }
0xc6: {  	[dreg:$0x0] =	wrdreg $0xFFFFFFFF;
	(pc) =	sbr.abs _section_cstart, $3  }
0xc7: {  	[dreg:$0x1] =	wrdreg $0xFFFFFFFF  }
0xc8: {  	_ =	task.clear_ibuf [dreg:s7], $0x2FFFF;
	_ =	strace $0x9FFFFFFF  }
0xc9: {  	(tm) =	ssettm $0x7FFFFFFF  }
tec
execute0_lowered:
.L_overlay_start_1:
0x0: {  	(tag) =	ssettag $0x1  }
0x1: {  	s5 =	rddreg [dreg:$0x0]  }
0x2: {  	s6 =	rddreg [dreg:$0x1]  }
0x3: {  	s0 =	srdreg.scid;
	s2 =	rddreg [dreg:$0x2]  }
0x4: {  	s3 =	simm.s32 $0x0;
	s12 =	simm.s32 $0x80;
	s13 =	simm.s32 $0x1  }
0x5: {  	s16 =	simm.s32 $0x20;
	s17 =	simm.s32 $0x10;
	s18 =	simm.s32 $0x0  }
0x6: {  	s4 =	sand.u32 $0x1, s0;
	s0 =	stileid.u32;
	[smem:$0x7FF] =	sst s3  }
0x7: {  	s1 =	sshll.u32 s4, $0x4;
	s8 =	smul.u32 $0x500, s0;
	s9 =	sshll.u32 s4, $0x7  }
0x8: {  	s10 =	smul.u32 $0xA00, s0;
	s4 =	ssub.s32 $0x2, s4;
	s14 =	sshll.u32 s0, $0x6  }
0x9: {  	s7 =	sor.u32 s0, s1;
	s1 =	rddreg [dreg:$0x3];
	_ =	strace $0x80000047  }
0xa: {  	s31 =	sshrl.u32 s4, $0x1;
	s14 =	sor.u32 $0x1C02, s14;
	s7 =	smul.u32 $0x500, s7  }
0xb: {  	s8 =	sor.u32 s9, s8;
	s10 =	sshrl.u32 s10, $0x2;
	s9 =	ssub.s32 s4, s31  }
0xc: {  	s8 =	sshrl.u32 s8, $0x3;
	s4 =	sadd.s32 s10, s2;
	s10 =	simm.s32 $0x2  }
0xd: {  	s11 =	sadd.s32 s7, s6;
	s8 =	sadd.s32 s8, s6;
	s5 =	sadd.s32 s5, s7  }
0xe: {  	s15 =	sshrl.u32 s4, $0x3;
	s6 =	sadd.s32 $0x1600, s11;
	s7 =	sadd.s32 $0xB600, s8  }
0xf: {  	v0 =	vimm.f32 $0.0e+00;
	s8 =	smax.u32 s9, $0x1;
	s9 =	simm.s32 $0x5000;
	s11 =	simm.s32 $0x2800  }
.LBB2_1:
0x10: {  	[tilespmem:$0x5000] =	vst v0  }
0x11: {  	[tilespmem:$0x5010] =	vst v0  }
0x12: {  	[tilespmem:$0x5020] =	vst v0  }
0x13: {  	[tilespmem:$0x5030] =	vst v0  }
0x14: {  	[tilespmem:$0x5040] =	vst v0  }
0x15: {  	[tilespmem:$0x5050] =	vst v0  }
0x16: {  	[tilespmem:$0x5060] =	vst v0  }
0x17: {  	[tilespmem:$0x5070] =	vst v0  }
0x18: {  	[tilespmem:$0x5080] =	vst v0  }
0x19: {  	[tilespmem:$0x5090] =	vst v0  }
0x1a: {  	[tilespmem:$0x50A0] =	vst v0  }
0x1b: {  	[tilespmem:$0x50B0] =	vst v0  }
0x1c: {  	[tilespmem:$0x50C0] =	vst v0  }
0x1d: {  	[tilespmem:$0x50D0] =	vst v0  }
0x1e: {  	[tilespmem:$0x50E0] =	vst v0  }
0x1f: {  	[tilespmem:$0x50F0] =	vst v0  }
0x20: {  	[tilespmem:$0x5100] =	vst v0  }
0x21: {  	[tilespmem:$0x5110] =	vst v0  }
0x22: {  	[tilespmem:$0x5120] =	vst v0  }
0x23: {  	[tilespmem:$0x5130] =	vst v0  }
0x24: {  	[tilespmem:$0x5140] =	vst v0  }
0x25: {  	[tilespmem:$0x5150] =	vst v0  }
0x26: {  	[tilespmem:$0x5160] =	vst v0  }
0x27: {  	[tilespmem:$0x5170] =	vst v0  }
0x28: {  	[tilespmem:$0x5180] =	vst v0  }
0x29: {  	[tilespmem:$0x5190] =	vst v0  }
0x2a: {  	[tilespmem:$0x51A0] =	vst v0  }
0x2b: {  	[tilespmem:$0x51B0] =	vst v0  }
0x2c: {  	[tilespmem:$0x51C0] =	vst v0  }
0x2d: {  	[tilespmem:$0x51D0] =	vst v0  }
0x2e: {  	[tilespmem:$0x51E0] =	vst v0  }
0x2f: {  	[tilespmem:$0x51F0] =	vst v0  }
0x30: {  	[tilespmem:$0x5200] =	vst v0  }
0x31: {  	[tilespmem:$0x5210] =	vst v0  }
0x32: {  	[tilespmem:$0x5220] =	vst v0  }
0x33: {  	[tilespmem:$0x5230] =	vst v0  }
0x34: {  	[tilespmem:$0x5240] =	vst v0  }
0x35: {  	[tilespmem:$0x5250] =	vst v0  }
0x36: {  	[tilespmem:$0x5260] =	vst v0  }
0x37: {  	[tilespmem:$0x5270] =	vst v0  }
0x38: {  	[spmem:s4] =	stream.linear.scatter [tilespmem:s9], [sflag:$0x2], $0x280, $0x38;
	[tilespmem:$0x5500] =	vst v63  }
0x39: {  	_ =	swait.ge [sflag:s10], $0x280  }
0x3a: {  	[sflag:s10] =	ssyncset.done $0x0  }
0x3b: {  	[sflag:s10] =	ssyncadd.s32 $0xFFFFFD80  }
0x3c: {  	[bflag:$0x0] =	sbarrier.arrive $0xFFFF  }
0x3d: {  	[tilespmem:s3], [sflag:$0x2] =	stream.linear.gather [hbm4b:s5+s3], $0x2800, $0x38;
	[tilespmem:$0x5500] =	vst v63  }
0x3e: {  	_ =	swait.ge [sflag:s10], $0x2800  }
0x3f: {  	[sflag:s10] =	ssyncset.done $0x0  }
0x40: {  	[sflag:s10] =	ssyncadd.s32 $0xFFFFD800  }
0x41: {  	[tilespmem:s11], [sflag:$0x2] =	stream.linear.gather [hbm4b:s6+s3], $0x2800, $0x38;
	[tilespmem:$0x5500] =	vst v63  }
0x42: {  	_ =	swait.ge [sflag:s10], $0x2800  }
0x43: {  	[sflag:s10] =	ssyncset.done $0x0  }
0x44: {  	s19 =	simm.s32 $0x0;
	[sflag:s10] =	ssyncadd.s32 $0xFFFFD800  }
.LBB2_2:
0x45: {  	p0 =	sne.s32 s19, $0x9E00  }
.Ltmp0:
0x46: {  	_ = 	snop;
	(pc) =	sbr.rel @p0 .LBB2_2-.Ltmp0, $4  }
0x47: {  	_ = 	snop  }
0x48: {  	s20 =	sshra.s32 s19, $0x2  }
0x49: {  	s19 =	sadd.s32 $0x200, s19;
	s21 =	sadd.s32 $0x2800, s20  }
0x4a: {  	[spmem:s2] =	stream.indirect.scatter.add.f32 [tilespmem:s21], [sflag:$0x1], $0x1, s20, s12, $0xb8;
	[tilespmem:$0x5500] =	vst v63  }
0x4b: {  	_ =	swait.ge [sflag:s13], $0x80  }
0x4c: {  	s19 =	simm.s32 $0x4F;
	[sflag:s13] =	ssyncset.done $0x0  }
.LBB2_4:
0x4d: {  	p0 =	sne.s32 s19, $0x1;
	s19 =	sadd.s32 $0xFFFFFFFF, s19;
	[sflag:s13] =	ssyncadd.s32 $0xFFFFFF80  }
.Ltmp1:
0x4e: {  	(pc) =	sbr.rel @p0 .LBB2_4-.Ltmp1, $3  }
0x4f: {  	_ =	sdelay $0x1  }
0x50: {  	_ =	swait.ge [sflag:s13], $0x80  }
0x51: {  	[sflag:s13] =	ssyncset.done $0x0  }
0x52: {  	s18 =	sadd.s32 $0x1, s18  }
0x53: {  	[sflag:s13] =	ssyncadd.s32 $0xFFFFFF80;
	p0 =	sne.s32 s18, s8  }
.Ltmp2:
0x54: {  	[bflag:$0x0] =	sbarrier.arrive $0xFFFF;
	(pc) =	sbr.rel @p0 .LBB2_1-.Ltmp2, $4  }
0x55: {  	[hbm:s7@s16], [sflag:s14] =	dma.strided [spmem:s15@s17], $0x50, s13, $0x10   }
0x56: {  	_ =	swait.ge [sflag:s10], $0x50  }
0x57: {  	[sflag:s10] =	ssyncset.done $0x0  }
0x58: {  	[sflag:s10] =	ssyncadd.s32 $0xFFFFFFB0  }
0x59: {  	_ =	sfence.sel $0x180000  }
0x5a: {  	[bflag:$0x0] =	sbarrier.arrive $0xFFFF  }
0x5b: {  	p0 =	sne.s32 s0, $0x0;
	_ =	strace $0x90000047  }
0x5c: {  	s0 =	sadd.s32 @!p0 $0x100000, s1;
	[bflag:$0x2] =	sbarrier.arrive $0xFFFF  }
0x5d: {  	[sflag:s0] =	ssyncadd.tile.s32 @!p0 $0x1;
	_ =	shalt  }
.Lfunc_end2:
_tile_overlayer_lowered:
.L_overlay_start_2:
0x5e: {  	(tag) =	ssettag $0x2  }
0x5f: {  	s0 =	rddreg [dreg:$0x0];
	s2 =	stileid.u32  }
0x60: {  	s1 =	rddreg [dreg:$0x1];
	p0 =	sne.s32 s2, $0x0  }
0x61: {  	s3 =	rddreg [dreg:$0x2];
	[bflag:$0x3] =	sbarrier.arrive $0xFFFF;
	s2 =	simm.s32 @!p0 $0x1C02  }
0x62: {  	[timem:s3], [sflag:s2] =	dma.local @!p0 [hbm:s0], s1  }
0x63: {  	s0 =	simm.s32 @!p0 $0x2  }
0x64: {  	_ =	swait.ge @!p0 [sflag:s0], s1  }
0x65: {  	s1 =	ssub.s32 @!p0 $0x0, s1;
	[sflag:s0] =	ssyncset.done @!p0 $0x0  }
0x66: {  	[sflag:s0] =	ssyncadd.s32 @!p0 s1  }
0x67: {  	[bflag:$0x3] =	sbarrier.arrive $0xFFFF  }
0x68: {  	_ =	shalt  }

// kernel: kernel.8.cloned.1.call-start
scs
__scs_entry_jumppad:
0x0: {  	(pc) =	sbr.rel $0x88, $3  }
0x1: {  	(tag) =	ssettag $0x0;
	lr =	simm.s32 $0x1  }
0x2: {  	[smem:$0x3F9C] =	sst lr;
	_ =	strace $0xD0000000  }
0x3: {  	_ = 	snop  }
0x4: {  	_ = 	snop  }
0x5: {  	_ = 	snop  }
0x6: {  	_ = 	snop  }
0x7: {  	_ = 	snop  }
__scs_overlays_trampoline_lowered:
0x8: {  	[smem:$0x3FAB] =	sst s0  }
0x9: {  	[smem:$0x3FAC] =	sst s1  }
0xa: {  	[smem:$0x3FAD] =	sst s2  }
0xb: {  	[smem:$0x3FAE] =	sst s3  }
0xc: {  	[smem:$0x3FAF] =	sst s4  }
0xd: {  	[smem:$0x3FB0] =	sst s5  }
0xe: {  	[smem:$0x3FB1] =	sst s6  }
0xf: {  	[smem:$0x3FB2] =	sst s7  }
0x10: {  	[smem:$0x3FB3] =	sst s8  }
0x11: {  	[smem:$0x3FB4] =	sst s9;
	s0 =	simm.s32 @!p0 $0x0  }
0x12: {  	s1 =	sld [smem:$0x3F9A];
	s0 =	simm.s32 @p0 $0x1  }
0x13: {  	[smem:$0x3FB5] =	sst s0;
	s0 =	simm.s32 @!p1 $0x0  }
0x14: {  	s2 =	sld [smem:$0x3F99];
	s0 =	simm.s32 @p1 $0x1  }
0x15: {  	[smem:$0x3FB6] =	sst s0;
	s0 =	simm.s32 @!p2 $0x0  }
0x16: {  	s3 =	sld [smem:$0x3FDB];
	s0 =	simm.s32 @p2 $0x1  }
0x17: {  	s4 =	simm.s32 $0x1BF5;
	[smem:$0x3FB8] =	sst s0  }
0x18: {  	s0 =	sld [smem:$0x3F9B];
	_ =	swait.ge [sflag:s4], $0x0  }
0x19: {  	s7 =	sld [smem:$0x3F9C]  }
0x1a: {  	s8 =	sadd.s32 $0xFFFFE003, lr  }
0x1b: {  	s9 =	sadd.s32 $0xFFFFFEF7, lr;
	s5 =	simm.s32 $0xFFFFFFFF;
	p2 =	slt.u32 s8, $0xFFFFF086  }
0x1c: {  	p1 =	slt.u32 s9, $0xF7A;
	s5 =	simm.s32 @!p2 $0x0  }
0x1d: {  	s5 =	simm.s32 @p1 $0x1;
	p0 =	seq.s32 s7, s2  }
0x1e: {  	s7 =	smul.u32 @!p0 $0xF7A, s2;
	p2 =	seq.s32 @!p0 s5, $0x0  }
0x1f: {  	s9 =	smul.u32 $0xF7A, s1;
	s8 =	simm.s32 @!p0 $0x1BF5;
	p2 =	por !p2, p0  }
0x20: {  	[sflag:s8] =	ssyncset.s32 @!p0 $0xFFFFF086;
	s6 =	sadd.s32 @!p0 s3, s7;
	s7 =	simm.s32 @!p0 $0x108  }
0x21: {  	s3 =	sadd.s32 s3, s9;
	s6 =	sadd.s32 @!p0 $0x88, s6;
	s7 =	simm.s32 @p2 $0x1082  }
0x22: {  	[simem:s7], [sflag:s8] =	dma.local @!p0 [hbm:s6], $0xF7A  }
0x23: {  	s9 =	sor.u32 $0xD0000000, s2;
	s6 =	simm.s32 $0x108;
	_ =	swait.ge @!p0 [sflag:s8], $0x0  }
0x24: {  	s3 =	sadd.s32 $0x88, s3;
	s6 =	simm.s32 @!p1 $0x1082;
	[sflag:s4] =	ssyncset.s32 $0xFFFFF086  }
0x25: {  	[simem:s6], [sflag:s4] =	dma.local [hbm:s3], $0xF7A  }
0x26: {  	[smem:$0x3F9C] =	sst s1;
	(tag) =	ssettag s2;
	_ =	strace s9  }
0x27: {  	s1 =	sld [smem:$0x3FAC]  }
0x28: {  	s2 =	sld [smem:$0x3FAD]  }
0x29: {  	s4 =	sld [smem:$0x3FAF]  }
0x2a: {  	p0 =	seq.s32 s5, $0x0;
	s5 =	sld [smem:$0x3FB0]  }
0x2b: {  	s6 =	sld [smem:$0x3FB1]  }
0x2c: {  	s7 =	sld [smem:$0x3FB2]  }
0x2d: {  	s3 =	simm.s32 $0x108;
	s8 =	sld [smem:$0x3FB3]  }
0x2e: {  	s3 =	simm.s32 @!p0 $0x1082;
	s9 =	sld [smem:$0x3FB4]  }
0x2f: {  	lr =	sadd.s32 s0, s3;
	s0 =	sld [smem:$0x3FAB]  }
0x30: {  	s3 =	sld [smem:$0x3FAE]  }
0x31: {  	[smem:$0x3FB7] =	sst s10  }
0x32: {  	s10 =	sld [smem:$0x3FB5];
	_ =	sdelay $0x3  }
0x33: {  	p0 =	seq.s32 s10, $0x1;
	s10 =	sld [smem:$0x3FB7];
	_ =	sdelay $0x3  }
0x34: {  	[smem:$0x3FB7] =	sst s10  }
0x35: {  	s10 =	sld [smem:$0x3FB6];
	_ =	sdelay $0x3  }
0x36: {  	p1 =	seq.s32 s10, $0x1;
	s10 =	sld [smem:$0x3FB7];
	_ =	sdelay $0x3  }
0x37: {  	[smem:$0x3FB7] =	sst s10  }
0x38: {  	s10 =	sld [smem:$0x3FB8]  }
0x39: {  	_ = 	snop;
	(pc) =	sbr.ind lr, $3  }
0x3a: {  	_ = 	snop  }
0x3b: {  	_ = 	snop  }
0x3c: {  	p2 =	seq.s32 s10, $0x1;
	s10 =	sld [smem:$0x3FB7]  }
0x3d: {  	_ =	shalt  }
0x3e: {  	_ =	shalt  }
0x3f: {  	_ =	shalt  }
0x40: {  	_ =	shalt  }
0x41: {  	_ =	shalt  }
0x42: {  	_ =	shalt  }
0x43: {  	_ =	shalt  }
0x44: {  	_ =	shalt  }
0x45: {  	_ =	shalt  }
0x46: {  	_ =	shalt  }
0x47: {  	_ =	shalt  }
0x48: {  	_ =	shalt  }
0x49: {  	_ =	shalt  }
0x4a: {  	_ =	shalt  }
0x4b: {  	_ =	shalt  }
0x4c: {  	_ =	shalt  }
0x4d: {  	_ =	shalt  }
0x4e: {  	_ =	shalt  }
0x4f: {  	_ =	shalt  }
0x50: {  	_ =	shalt  }
0x51: {  	_ =	shalt  }
0x52: {  	_ =	shalt  }
0x53: {  	_ =	shalt  }
0x54: {  	_ =	shalt  }
0x55: {  	_ =	shalt  }
0x56: {  	_ =	shalt  }
0x57: {  	_ =	shalt  }
0x58: {  	_ =	shalt  }
0x59: {  	_ =	shalt  }
0x5a: {  	_ =	shalt  }
0x5b: {  	_ =	shalt  }
0x5c: {  	_ =	shalt  }
0x5d: {  	_ =	shalt  }
0x5e: {  	_ =	shalt  }
0x5f: {  	_ =	shalt  }
0x60: {  	_ =	shalt  }
0x61: {  	_ =	shalt  }
0x62: {  	_ =	shalt  }
0x63: {  	_ =	shalt  }
0x64: {  	_ =	shalt  }
0x65: {  	_ =	shalt  }
0x66: {  	_ =	shalt  }
0x67: {  	_ =	shalt  }
0x68: {  	_ =	shalt  }
0x69: {  	_ =	shalt  }
0x6a: {  	_ =	shalt  }
0x6b: {  	_ =	shalt  }
0x6c: {  	_ =	shalt  }
0x6d: {  	_ =	shalt  }
0x6e: {  	_ =	shalt  }
0x6f: {  	_ =	shalt  }
0x70: {  	_ =	shalt  }
0x71: {  	_ =	shalt  }
0x72: {  	_ =	shalt  }
0x73: {  	_ =	shalt  }
0x74: {  	_ =	shalt  }
0x75: {  	_ =	shalt  }
0x76: {  	_ =	shalt  }
0x77: {  	_ =	shalt  }
0x78: {  	_ =	shalt  }
0x79: {  	_ =	shalt  }
0x7a: {  	_ =	shalt  }
0x7b: {  	_ =	shalt  }
0x7c: {  	_ =	shalt  }
0x7d: {  	_ =	shalt  }
0x7e: {  	_ =	shalt  }
0x7f: {  	_ =	shalt  }
0x80: {  	_ =	shalt  }
0x81: {  	_ =	shalt  }
0x82: {  	_ =	shalt  }
0x83: {  	_ =	shalt  }
0x84: {  	_ =	shalt  }
0x85: {  	_ =	shalt  }
0x86: {  	_ =	shalt  }
0x87: {  	_ =	shalt  }
.Lfunc_end0:
.L_simem_size_0:
called_computation.1_lowered:
.L_overlay_start_0:
0x88: {  	s2 =	sld [smem:$0x3FD9]  }
0x89: {  	s3 =	sld [smem:$0x3FFE];
	_ =	sdelay $0x1  }
0x8a: {  	s1 =	srdreg.scid  }
0x8b: {  	s0 =	sand.u32 $0x1, s1  }
0x8c: {  	s14 =	sshll.u32 s0, $0xA;
	s2 =	sadd.s32 s3, s2  }
0x8d: {  	s2 =	sadd.s32 s2, s14  }
0x8e: {  	[smem:$0x3FC3] =	sst s2  }
0x8f: {  	_ = 	snop  }
0x90: {  	s2 =	sld [smem:$0x3FD0];
	_ =	sdelay $0x2  }
0x91: {  	s4 =	simm.s32 $0xA;
	s5 =	simm.s32 $0x10;
	s15 =	sld [smem:$0x3FC9]  }
0x92: {  	[smem:s5], [sflag:s4] =	dma.local [hbm:s2], $0x1  }
0x93: {  	_ =	swait.eq [sflag:s4], $0x1  }
0x94: {  	[sflag:s4] =	ssyncset.done $0x0  }
0x95: {  	s16 =	sld [smem:$0x10];
	[sflag:s4] =	ssyncadd.s32 $0xFFFFFFFF  }
0x96: {  	s17 =	sld [smem:$0x11];
	(tm) =	ssettm $0x1  }
0x97: {  	s18 =	sld [smem:$0x3FFB];
	_ =	sdelay $0x3  }
0x98: {  	_ =	strace s18  }
0x99: {  	s5 =	sld [smem:$0x3FFC];
	_ =	sdelay $0x3  }
0x9a: {  	_ =	strace s5  }
0x9b: {  	s5 =	sld [smem:$0x3FFD];
	_ =	sdelay $0x3  }
0x9c: {  	_ =	strace s5  }
0x9d: {  	_ =	strace $0x8FFFFFFF  }
0x9e: {  	s19 =	sld [smem:$0x3FDB];
	_ =	sdelay $0x1  }
0x9f: {  	s6 =	simm.s32 $_scs_section_size  }
0xa0: {  	s7 =	simm.s32 $_size__tile_overlayer_lowered;
	s8 =	simm.s32 $_tile_overlayer_lowered  }
0xa1: {  	s22 =	simm.s32 $0x1BFF;
	s21 =	sshll.u32 s8, $0x1;
	s5 =	sadd.s32 s6, s19  }
0xa2: {  	s9 =	simm.s32 $0x0;
	s20 =	sshll.u32 s7, $0x1;
	s7 =	sadd.s32 s21, s5  }
0xa3: {  	[timem:s9], [sflag:s22] =	dma.local [hbm:s7], s20  }
0xa4: {  	_ =	swait.ge [sflag:s22], s20  }
0xa5: {  	s6 =	ssub.s32 $0x0, s20;
	[sflag:s22] =	ssyncset.done $0x0  }
0xa6: {  	[sflag:s22] =	ssyncadd.s32 s6;
	_ =	sdelay $0x1  }
0xa7: {  	s23 =	simm.s32 $0x1B8B  }
0xa8: {  	_ =	swait.ge [sflag:s23], $0x1  }
0xa9: {  	[sflag:s23] =	ssyncset.done $0x0  }
0xaa: {  	s25 =	simm.s32 $0x1B8E;
	s24 =	sld [smem:$0x3FFE];
	[sflag:s23] =	ssyncadd.s32 $0xFFFFFFFF  }
0xab: {  	s26 =	simm.s32 $execute0_lowered;
	[smem:$0x3FD2] =	sst s25  }
0xac: {  	s7 =	sshll.u32 s26, $0x1;
	_ =	strace $0x80000049;
	[dreg:$0x1] =	wrdreg $0xFFFFFFFF  }
0xad: {  	s28 =	simm.s32 $_size_execute0_lowered;
	s5 =	sadd.s32 s5, s7;
	[dreg:$0x0] =	wrdreg $0x0  }
0xae: {  	s7 =	sshll.u32 s28, $0x1;
	[dreg:$0x2] =	wrdreg s5  }
0xaf: {  	[dreg:$0x3] =	wrdreg s7  }
0xb0: {  	[dreg:$0x4] =	wrdreg $0xC0  }
0xb1: {  	_ =	task [dreg:s9], $0x5FFFF  }
0xb2: {  	[dreg:$0x1] =	wrdreg $0xFFFFFFFF  }
0xb3: {  	[dreg:$0x0] =	wrdreg $0x60  }
0xb4: {  	[dreg:$0x2] =	wrdreg s16  }
0xb5: {  	[dreg:$0x3] =	wrdreg s17  }
0xb6: {  	[dreg:$0x4] =	wrdreg s24  }
0xb7: {  	[dreg:$0x5] =	wrdreg s15  }
0xb8: {  	[dreg:$0x6] =	wrdreg $0xB9800  }
0xb9: {  	[dreg:$0x7] =	wrdreg $0x1F9800  }
0xba: {  	[dreg:$0x8] =	wrdreg $0x9  }
0xbb: {  	_ =	task.clear_ibuf [dreg:s9], $0x9FFFF;
	_ =	strace $0x90000049  }
0xbc: {  	s29 =	simm.s32 $0x9;
	_ =	strace $0x8000004B  }
0xbd: {  	_ =	swait.ge [sflag:s29], $0x1  }
0xbe: {  	[sflag:s29] =	ssyncadd.s32 $0xFFFFFFFF  }
0xbf: {  	_ =	strace $0x9000004B  }
0xc0: {  	_ =	sfence  }
0xc1: {  	s30 =	sld [smem:$0x0];
	_ =	sdelay $0x2  }
0xc2: {  	s31 =	sshll.u32 s1, $0xD;
	s1 =	sshrl.u32 s1, $0x2  }
0xc3: {  	s3 =	sand.u32 $0x4000, s31;
	s1 =	sadd.s32 s1, s30  }
0xc4: {  	s0 =	sor.u32 s3, s0;
	s1 =	sshll.u32 s1, $0x11  }
0xc5: {  	s0 =	sor.u32 s1, s0  }
0xc6: {  	s0 =	sadd.s32 $0x8F2B, s0  }
0xc7: {  	[sflag:s0] =	ssyncadd.remote.s32 $0x1  }
0xc8: {  	_ =	sfence.sel $0xFFFF  }
0xc9: {  	[dreg:$0x0] =	wrdreg $0xFFFFFFFF;
	(pc) =	sbr.abs _section_cstart, $3  }
0xca: {  	[dreg:$0x1] =	wrdreg $0xFFFFFFFF  }
0xcb: {  	_ =	task.clear_ibuf [dreg:s9], $0x2FFFF;
	_ =	strace $0x9FFFFFFF  }
0xcc: {  	(tm) =	ssettm $0x7FFFFFFF  }
0xcd: {  	_ =	shalt  }
tec
execute0_lowered:
.L_overlay_start_1:
0x0: {  	(tag) =	ssettag $0x1  }
0x1: {  	s0 =	rddreg [dreg:$0x0]  }
0x2: {  	s1 =	rddreg [dreg:$0x1]  }
0x3: {  	s3 =	rddreg [dreg:$0x2]  }
0x4: {  	s2 =	rddreg [dreg:$0x3]  }
0x5: {  	s5 =	rddreg [dreg:$0x4]  }
0x6: {  	s4 =	srdreg.scid;
	s13 =	stileid.u32  }
0x7: {  	s14 =	rddreg [dreg:$0x5];
	s7 =	simm.s32 $0x0;
	s8 =	smul.u32 $0x14000, s13  }
0x8: {  	s29 =	simm.s32 $0x5;
	s31 =	simm.s32 $0x1100;
	s9 =	smul.u32 $0xA0, s13  }
0x9: {  	s28 =	simm.s32 $0x800;
	s4 =	sand.u32 $0x1, s4;
	s10 =	smul.u32 $0x50000, s13  }
0xa: {  	s30 =	simm.s32 $0x7980;
	[smem:$0x7FF] =	sst s7;
	s6 =	smul.u32 $0x140000, s4  }
0xb: {  	_ =	strace $0x8000004A;
	s11 =	ssub.s32 $0x2, s4;
	s23 =	sshll.u32 s4, $0x4  }
0xc: {  	s4 =	sor.u32 s13, s4;
	s9 =	sadd.s32 s9, s3;
	s17 =	sshrl.u32 s11, $0x1  }
0xd: {  	s12 =	sshrl.u32 s10, $0x2;
	s10 =	smul.u32 $0x280, s13;
	s22 =	sadd.s32 $0xB600, s9  }
0xe: {  	s25 =	sor.u32 s13, s23;
	s9 =	sadd.s32 $0xB610, s9;
	[dreg:$0xd] =	wrdreg s22  }
0xf: {  	s23 =	simm.s32 $0x3980;
	s15 =	sadd.s32 s12, s5;
	[dreg:$0xe] =	wrdreg s9  }
0x10: {  	p0 =	sne.s32 s4, $0x0;
	s18 =	sadd.s32 $0x4000, s15;
	[dreg:$0x8] =	wrdreg s15  }
0x11: {  	s6 =	sadd.s32 s8, s6;
	s19 =	sadd.s32 $0x8000, s15;
	[dreg:$0x9] =	wrdreg s18  }
0x12: {  	s8 =	sadd.s32 $0x1600, s3;
	s20 =	sadd.s32 $0xC000, s15;
	[dreg:$0xa] =	wrdreg s19  }
0x13: {  	s6 =	sshrl.u32 s6, $0x3;
	s21 =	sadd.s32 $0x10000, s15;
	[dreg:$0xb] =	wrdreg s20  }
0x14: {  	s24 =	sadd.s32 s10, s14;
	s26 =	sadd.s32 $0x1100, s10;
	[dreg:$0xc] =	wrdreg s21  }
0x15: {  	s9 =	simm.s32 $0x3;
	s6 =	sadd.s32 s6, s3;
	[dreg:$0xf] =	wrdreg s24  }
.Ltmp0:
0x16: {  	s3 =	sadd.s32 $0xC000, s3;
	[dreg:$0x10] =	wrdreg s26;
	(pc) =	sbr.rel .LBB2_1-.Ltmp0, $4  }
0x17: {  	s20 =	smul.u32 $0xA, s25;
	s24 =	simm.s32 $0x1;
	s25 =	simm.s32 $0x80  }
0x18: {  	[dreg:$0x7] =	wrdreg s3;
	s3 =	ssub.s32 s11, s17;
	s6 =	sadd.s32 $0xC600, s6  }
0x19: {  	s26 =	simm.s32 $0x2;
	[dreg:$0x11] =	wrdreg s6;
	s3 =	smax.u32 s3, $0x1  }
0x1a: {  	v0 =	vimm.f32 $0.0e+00;
	v1 =	vimm.f32 $1.381070000e-03;
	s6 =	simm.s32 $0x3900;
	[dreg:$0x12] =	wrdreg s3;
	s3 =	simm.s32 $0x400  }
.LBB2_14:
0x1b: {  	_ =	swait.ge [sflag:s9], $0x4000  }
0x1c: {  	[sflag:s9] =	ssyncset.done $0x0  }
0x1d: {  	s4 =	simm.s32 $0x4;
	[sflag:s9] =	ssyncadd.s32 $0xFFFFC000  }
0x1e: {  	_ =	swait.ge [sflag:s4], $0x4000  }
0x1f: {  	[sflag:s4] =	ssyncset.done $0x0  }
0x20: {  	[sflag:s4] =	ssyncadd.s32 $0xFFFFC000  }
0x21: {  	[bflag:$0x0] =	sbarrier.arrive $0xFFFF  }
0x22: {  	s19 =	sshll.u32 s21, $0x6;
	s15 =	rddreg [dreg:$0x8]  }
0x23: {  	s4 =	sor.u32 $0x1C05, s19;
	s12 =	rddreg [dreg:$0x11];
	s11 =	sshrl.u32 s15, $0x3  }
0x24: {  	[hbm:s12], [sflag:s4] =	dma.local [spmem:s11], $0x2800  }
0x25: {  	_ =	swait.ge [sflag:s29], $0x2800  }
0x26: {  	s7 =	sadd.s32 $0x1, s7;
	s22 =	rddreg [dreg:$0x12]  }
0x27: {  	p1 =	sne.s32 s7, s22  }
.Ltmp1:
0x28: {  	_ = 	snop;
	(pc) =	sbr.rel @!p1 .LBB2_15-.Ltmp1, $3  }
0x29: {  	_ =	sdelay $0x1  }
0x2a: {  	[sflag:s29] =	ssyncset.done $0x0  }
0x2b: {  	[sflag:s29] =	ssyncadd.s32 $0xFFFFD800  }
.LBB2_1:
0x2c: {  	s4 =	simm.s32 $0x0;
	s13 =	simm.s32 $0x200  }
.LBB2_2:
0x2d: {  	p1 =	sne.s32 s13, $0xFE00;
	[tilespmem:s4+$0x39F0] =	vst v0  }
0x2e: {  	[tilespmem:s4+$0x3980] =	vst v0  }
0x2f: {  	[tilespmem:s4+$0x3990] =	vst v0  }
.Ltmp2:
0x30: {  	[tilespmem:s4+$0x39A0] =	vst v0;
	(pc) =	sbr.rel @p1 .LBB2_2-.Ltmp2, $4  }
0x31: {  	[tilespmem:s4+$0x39B0] =	vst v0  }
0x32: {  	[tilespmem:s4+$0x39C0] =	vst v0  }
0x33: {  	[tilespmem:s4+$0x39D0] =	vst v0  }
0x34: {  	[tilespmem:s4+$0x39E0] =	vst v0;
	s4 =	sshra.s32 s13, $0x2;
	s13 =	sadd.s32 $0x200, s13  }
0x35: {  	[tilespmem:s4+$0x39F0] =	vst v0  }
0x36: {  	[tilespmem:s4+$0x3980] =	vst v0  }
0x37: {  	[tilespmem:s4+$0x3990] =	vst v0  }
0x38: {  	[tilespmem:s4+$0x39A0] =	vst v0  }
0x39: {  	[tilespmem:s4+$0x39B0] =	vst v0  }
0x3a: {  	[tilespmem:s4+$0x39C0] =	vst v0  }
0x3b: {  	[tilespmem:s4+$0x39D0] =	vst v0  }
0x3c: {  	[tilespmem:s4+$0x39E0] =	vst v0  }
0x3d: {  	[spmem:s15] =	stream.linear.scatter [tilespmem:s23], [sflag:$0x1], $0x4000, $0x38;
	[tilespmem:$0x1FC00] =	vst v63  }
0x3e: {  	s12 =	rddreg [dreg:$0x9]  }
0x3f: {  	[spmem:s12] =	stream.linear.scatter [tilespmem:s23], [sflag:$0x1], $0x4000, $0x38;
	[tilespmem:$0x1FC00] =	vst v63  }
0x40: {  	s13 =	rddreg [dreg:$0xa]  }
0x41: {  	[spmem:s13] =	stream.linear.scatter [tilespmem:s23], [sflag:$0x1], $0x4000, $0x38;
	[tilespmem:$0x1FC00] =	vst v63  }
0x42: {  	s14 =	rddreg [dreg:$0xb]  }
0x43: {  	[spmem:s14] =	stream.linear.scatter [tilespmem:s23], [sflag:$0x1], $0x4000, $0x38;
	[tilespmem:$0x1FC00] =	vst v63  }
0x44: {  	s15 =	rddreg [dreg:$0xc]  }
0x45: {  	[spmem:s15] =	stream.linear.scatter [tilespmem:s23], [sflag:$0x1], $0x4000, $0x38;
	[tilespmem:$0x1FC00] =	vst v63  }
0x46: {  	_ =	swait.ge [sflag:s24], $0x4000  }
0x47: {  	[sflag:s24] =	ssyncset.done $0x0  }
0x48: {  	[sflag:s24] =	ssyncadd.s32 $0xFFFFC000  }
0x49: {  	_ =	swait.ge [sflag:s24], $0x4000  }
0x4a: {  	[sflag:s24] =	ssyncset.done $0x0  }
0x4b: {  	[sflag:s24] =	ssyncadd.s32 $0xFFFFC000  }
0x4c: {  	_ =	swait.ge [sflag:s24], $0x4000  }
0x4d: {  	[sflag:s24] =	ssyncset.done $0x0  }
0x4e: {  	[sflag:s24] =	ssyncadd.s32 $0xFFFFC000  }
0x4f: {  	_ =	swait.ge [sflag:s24], $0x4000  }
0x50: {  	[sflag:s24] =	ssyncset.done $0x0  }
0x51: {  	[sflag:s24] =	ssyncadd.s32 $0xFFFFC000  }
0x52: {  	_ =	swait.ge [sflag:s24], $0x4000  }
0x53: {  	s11 =	simm.s32 $0x100;
	[sflag:s24] =	ssyncset.done $0x0  }
0x54: {  	s12 =	simm.s32 $0xC00;
	s16 =	rddreg [dreg:$0xd];
	[sflag:s24] =	ssyncadd.s32 $0xFFFFC000  }
0x55: {  	[tilespmem:s12], [sflag:$0x5] =	stream.strided.gather [hbm4b:s16+s25], $0x280, s11, s25, $0x38;
	[tilespmem:$0x1FC00] =	vst v63  }
0x56: {  	_ =	swait.ge [sflag:s29], $0x280  }
0x57: {  	[sflag:s29] =	ssyncset.done $0x0  }
0x58: {  	s18 =	simm.s32 $0xE80;
	s17 =	rddreg [dreg:$0xe];
	[sflag:s29] =	ssyncadd.s32 $0xFFFFFD80  }
0x59: {  	[tilespmem:s18], [sflag:$0x5] =	stream.strided.gather [hbm4b:s17+s25], $0x280, s11, s25, $0x38;
	[tilespmem:$0x1FC00] =	vst v63  }
0x5a: {  	_ =	swait.ge [sflag:s29], $0x280  }
0x5b: {  	[sflag:s29] =	ssyncset.done $0x0  }
0x5c: {  	s19 =	simm.s32 $0xE90;
	[sflag:s29] =	ssyncadd.s32 $0xFFFFFD80  }
0x5d: {  	s13 =	simm.s32 $0xC10;
	v2 =	vld [tilespmem:s19+$0x0]  }
0x5e: {  	v3 =	vld [tilespmem:s13+$0x0];
	_ =	sdelay $0x4  }
0x5f: {  	v2 =	vadd.f32 v2, v3;
	_ =	sdelay $0x1  }
0x60: {  	v3 =	vadd.f32 $2.000000000e+00, v2;
	_ =	sdelay $0x1  }
0x61: {  	vm0 =	vlt.f32 v3, $3.276800000e+04  }
0x62: {  	vm1 =	vlt.f32 v3, $2.048000000e+03;
	v2 =	vsel vm0, $0x3BB504EF, v1  }
0x63: {  	vm0 =	vlt.f32 v3, $1.280000000e+02;
	v2 =	vsel vm1, $0x3CB504F5, v2  }
0x64: {  	v12 =	vmul.f32 $5.000000000e-01, v3;
	vm1 =	vlt.f32 v3, $8.000000000e+00;
	v2 =	vsel vm0, $0x3DB504F4, v2  }
0x65: {  	v2 =	vsel vm1, $0x3EB504F3, v2  }
0x66: {  	v4 =	vmul.f32 v2, v12;
	_ =	sdelay $0x1  }
0x67: {  	v5 =	vld [tilespmem:s19+$0xFFFFFFF0];
	v4 =	vmul.f32 v4, v2  }
0x68: {  	v6 =	vld [tilespmem:s13+$0xFFFFFFF0]  }
0x69: {  	v4 =	vsub.f32 $1.500000000e+00, v4;
	_ =	sdelay $0x1  }
0x6a: {  	s22 =	simm.s32 $0xC30;
	v2 =	vmul.f32 v4, v2  }
0x6b: {  	s21 =	simm.s32 $0xEB0;
	v7 =	vld [tilespmem:s22+$0x0]  }
0x6c: {  	v5 =	vadd.f32 v5, v6;
	v4 =	vld [tilespmem:s21+$0x0];
	v6 =	vmul.f32 v2, v12;
	_ =	sdelay $0x1  }
0x6d: {  	v11 =	vadd.f32 $2.000000000e+00, v5;
	v5 =	vmul.f32 v6, v2;
	_ =	sdelay $0x1  }
0x6e: {  	v5 =	vsub.f32 $1.500000000e+00, v5  }
0x6f: {  	v13 =	vmul.f32 $5.000000000e-01, v11;
	vm0 =	vlt.f32 v11, $3.276800000e+04;
	v4 =	vadd.f32 v4, v7  }
0x70: {  	vm1 =	vlt.f32 v11, $2.048000000e+03;
	v6 =	vsel vm0, $0x3BB504EF, v1;
	v2 =	vmul.f32 v5, v2  }
0x71: {  	vm0 =	vlt.f32 v11, $1.280000000e+02;
	v6 =	vsel vm1, $0x3CB504F5, v6;
	v8 =	vadd.f32 $2.000000000e+00, v4  }
0x72: {  	v9 =	vld [tilespmem:s22+$0xFFFFFFF0];
	vm1 =	vlt.f32 v11, $8.000000000e+00;
	v4 =	vsel vm0, $0x3DB504F4, v6;
	v6 =	vmul.f32 v2, v12  }
0x73: {  	v5 =	vld [tilespmem:s21+$0xFFFFFFF0];
	v7 =	vsel vm1, $0x3EB504F3, v4;
	vm0 =	vlt.f32 v8, $3.276800000e+04;
	vm1 =	vlt.f32 v8, $2.048000000e+03  }
0x74: {  	v14 =	vmul.f32 v7, v13;
	v4 =	vsel vm0, $0x3BB504EF, v1;
	v6 =	vmul.f32 v6, v2  }
0x75: {  	vm0 =	vlt.f32 v8, $1.280000000e+02;
	v10 =	vsel vm1, $0x3CB504F5, v4;
	v4 =	vmul.f32 $5.000000000e-01, v8  }
0x76: {  	vm1 =	vlt.f32 v8, $8.000000000e+00;
	v10 =	vsel vm0, $0x3DB504F4, v10;
	v6 =	vsub.f32 $1.500000000e+00, v6  }
0x77: {  	v14 =	vmul.f32 v14, v7;
	v10 =	vsel vm1, $0x3EB504F3, v10  }
0x78: {  	v15 =	vmul.f32 v10, v4;
	v6 =	vmul.f32 v6, v2;
	v2 =	vadd.f32 v5, v9;
	_ =	sdelay $0x1  }
0x79: {  	v5 =	vmul.f32 v15, v10;
	v9 =	vsub.f32 $1.500000000e+00, v14;
	v2 =	vadd.f32 $2.000000000e+00, v2  }
0x7a: {  	v14 =	vmul.f32 v6, v12  }
0x7b: {  	s11 =	simm.s32 $0xED0;
	v5 =	vsub.f32 $1.500000000e+00, v5;
	v7 =	vmul.f32 v9, v7;
	vm0 =	vlt.f32 v2, $3.276800000e+04  }
0x7c: {  	s12 =	simm.s32 $0xC50;
	v17 =	vld [tilespmem:s11+$0x0];
	v9 =	vmul.f32 v14, v6;
	v14 =	vsel vm0, $0x3BB504EF, v1;
	vm0 =	vlt.f32 v2, $2.048000000e+03  }
0x7d: {  	v19 =	vld [tilespmem:s12+$0x0];
	v10 =	vmul.f32 v5, v10;
	vm1 =	vlt.f32 v2, $1.280000000e+02;
	v5 =	vsel vm0, $0x3CB504F5, v14  }
0x7e: {  	vm0 =	vlt.f32 v2, $8.000000000e+00;
	v14 =	vsel vm1, $0x3DB504F4, v5;
	v5 =	vmul.f32 $5.000000000e-01, v2  }
0x7f: {  	v16 =	vmul.f32 v7, v13;
	v15 =	vmul.f32 v10, v4;
	v14 =	vsel vm0, $0x3EB504F3, v14  }
0x80: {  	v9 =	vsub.f32 $1.500000000e+00, v9;
	v18 =	vmul.f32 v14, v5  }
0x81: {  	v16 =	vmul.f32 v16, v7;
	v15 =	vmul.f32 v15, v10  }
0x82: {  	v17 =	vadd.f32 v17, v19;
	v6 =	vmul.f32 v9, v6;
	v9 =	vmul.f32 v18, v14  }
0x83: {  	v16 =	vsub.f32 $1.500000000e+00, v16;
	v15 =	vsub.f32 $1.500000000e+00, v15  }
0x84: {  	v18 =	vmul.f32 v6, v12;
	v9 =	vsub.f32 $1.500000000e+00, v9  }
0x85: {  	v17 =	vadd.f32 $2.000000000e+00, v17;
	v7 =	vmul.f32 v16, v7;
	v10 =	vmul.f32 v15, v10;
	v15 =	vld [tilespmem:s11+$0xFFFFFFF0]  }
0x86: {  	v16 =	vmul.f32 v18, v6;
	v18 =	vld [tilespmem:s12+$0xFFFFFFF0];
	v9 =	vmul.f32 v9, v14  }
0x87: {  	vm2 =	vlt.f32 v17, $2.048000000e+03;
	v19 =	vmul.f32 v7, v13;
	v14 =	vmul.f32 v10, v4  }
0x88: {  	vm1 =	vlt.f32 v17, $3.276800000e+04;
	v16 =	vsub.f32 $1.500000000e+00, v16;
	v20 =	vmul.f32 v9, v5  }
0x89: {  	vm0 =	vgt.f32 v3, $0.0e+00;
	v3 =	vmul.f32 v14, v10;
	v14 =	vmul.f32 v19, v7  }
0x8a: {  	v16 =	vmul.f32 v16, v6;
	v6 =	vsel vm1, $0x3BB504EF, v1;
	vm1 =	vlt.f32 v17, $1.280000000e+02  }
0x8b: {  	v15 =	vadd.f32 v15, v18;
	v18 =	vsel vm2, $0x3CB504F5, v6;
	v6 =	vmul.f32 $5.000000000e-01, v17  }
0x8c: {  	vm2 =	vlt.f32 v17, $8.000000000e+00;
	v3 =	vsub.f32 $1.500000000e+00, v3;
	v18 =	vsel vm1, $0x3DB504F4, v18  }
0x8d: {  	v14 =	vsub.f32 $1.500000000e+00, v14;
	v19 =	vmul.f32 v16, v12;
	v18 =	vsel vm2, $0x3EB504F3, v18  }
0x8e: {  	v10 =	vmul.f32 v3, v10;
	v3 =	vadd.f32 $2.000000000e+00, v15;
	v15 =	vmul.f32 v18, v6  }
0x8f: {  	vm0 =	vmmov vm0;
	v14 =	vmul.f32 v14, v7;
	v19 =	vmul.f32 v19, v16  }
0x90: {  	v21 =	vmul.f32 v10, v4;
	vm1 =	vlt.f32 v3, $3.276800000e+04;
	v7 =	vmul.f32 v15, v18  }
0x91: {  	v15 =	vmul.f32 v14, v13;
	vm2 =	vlt.f32 v3, $1.280000000e+02;
	v19 =	vsub.f32 $1.500000000e+00, v19  }
0x92: {  	v22 =	vsel vm1, $0x3BB504EF, v1;
	vm1 =	vlt.f32 v3, $2.048000000e+03;
	v23 =	vsub.f32 $1.500000000e+00, v7  }
0x93: {  	v22 =	vsel vm1, $0x3CB504F5, v22;
	vm1 =	vlt.f32 v3, $8.000000000e+00;
	v7 =	vmul.f32 $5.000000000e-01, v3  }
0x94: {  	v15 =	vmul.f32 v15, v14;
	v22 =	vsel vm2, $0x3DB504F4, v22;
	v18 =	vmul.f32 v23, v18  }
0x95: {  	v22 =	vsel vm1, $0x3EB504F3, v22;
	vm1 =	vgt.f32 v8, $0.0e+00;
	v8 =	vmul.f32 v21, v10  }
0x96: {  	v20 =	vmul.f32 v20, v9;
	v15 =	vsub.f32 $1.500000000e+00, v15;
	v23 =	vmul.f32 v18, v6  }
0x97: {  	v16 =	vmul.f32 v19, v16;
	v21 =	vmul.f32 v22, v7;
	v8 =	vsub.f32 $1.500000000e+00, v8  }
0x98: {  	vm0 =	vmmov vm0;
	v14 =	vmul.f32 v15, v14;
	v15 =	vmul.f32 v23, v18  }
0x99: {  	vm0 =	vmmov vm0;
	v21 =	vmul.f32 v21, v22;
	v8 =	vmul.f32 v8, v10  }
0x9a: {  	v25 =	vmul.f32 v16, v12;
	v10 =	vsub.f32 $1.500000000e+00, v20;
	v15 =	vsub.f32 $1.500000000e+00, v15  }
0x9b: {  	s14 =	simm.s32 $0xC70;
	v20 =	vmul.f32 v14, v13;
	v19 =	vsub.f32 $1.500000000e+00, v21;
	v21 =	vmul.f32 v8, v4  }
0x9c: {  	v24 =	vld [tilespmem:s14+$0x0];
	vm0 =	vmmov vm0;
	v9 =	vmul.f32 v10, v9;
	v10 =	vmul.f32 v15, v18  }
0x9d: {  	s13 =	simm.s32 $0xEF0;
	v26 =	vld [tilespmem:s14+$0xFFFFFFF0];
	vm2 =	vgt.f32 v17, $0.0e+00;
	v19 =	vmul.f32 v19, v22;
	v18 =	vmul.f32 v21, v8  }
0x9e: {  	vm2 =	vmmov vm2;
	v22 =	vld [tilespmem:s13+$0x0];
	v21 =	vmul.f32 v9, v5;
	v23 =	vmul.f32 v10, v6  }
0x9f: {  	v17 =	vld [tilespmem:s13+$0xFFFFFFF0];
	vm1 =	vmmov vm1;
	v20 =	vmul.f32 v20, v14;
	v18 =	vsub.f32 $1.500000000e+00, v18  }
0xa0: {  	vm2 =	vmmov vm2;
	v21 =	vmul.f32 v21, v9;
	v23 =	vmul.f32 v23, v10  }
0xa1: {  	v15 =	vmul.f32 v19, v7;
	v18 =	vmul.f32 v18, v8;
	v8 =	vsub.f32 $1.500000000e+00, v20  }
0xa2: {  	v21 =	vsub.f32 $1.500000000e+00, v21;
	v20 =	vsub.f32 $1.500000000e+00, v23;
	v23 =	vmul.f32 v25, v16  }
0xa3: {  	v56 =	vmul.f32 v18, v4;
	v14 =	vmul.f32 v8, v14;
	v8 =	vadd.f32 v22, v24  }
0xa4: {  	v17 =	vadd.f32 v17, v26;
	v21 =	vmul.f32 v21, v9;
	v20 =	vmul.f32 v20, v10  }
0xa5: {  	v10 =	vsub.f32 $1.500000000e+00, v23;
	v22 =	vmul.f32 v56, v18;
	v23 =	vadd.f32 $2.000000000e+00, v8  }
0xa6: {  	v9 =	vmul.f32 v14, v13;
	v8 =	vadd.f32 $2.000000000e+00, v17;
	v17 =	vmul.f32 v15, v19  }
0xa7: {  	vm1 =	vmmov vm1;
	v59 =	vmul.f32 v21, v5;
	v57 =	vmul.f32 v20, v6  }
0xa8: {  	v58 =	vmul.f32 v10, v16;
	vm3 =	vlt.f32 v23, $2.048000000e+03;
	vm4 =	vlt.f32 v23, $3.276800000e+04  }
0xa9: {  	v10 =	vmul.f32 v9, v14;
	v9 =	vmul.f32 $5.000000000e-01, v23;
	v15 =	vsel vm4, $0x3BB504EF, v1  }
0xaa: {  	v24 =	vmul.f32 v59, v21;
	vm4 =	vlt.f32 v23, $1.280000000e+02;
	v15 =	vsel vm3, $0x3CB504F5, v15  }
0xab: {  	v10 =	vsub.f32 $1.500000000e+00, v10;
	vm3 =	vlt.f32 v23, $8.000000000e+00;
	v15 =	vsel vm4, $0x3DB504F4, v15  }
0xac: {  	v22 =	vsub.f32 $1.500000000e+00, v22;
	v16 =	vmul.f32 v57, v20;
	v15 =	vsel vm3, $0x3EB504F3, v15  }
0xad: {  	vm4 =	vlt.f32 v8, $3.276800000e+04;
	v60 =	vmul.f32 v10, v14;
	v14 =	vmul.f32 v15, v9  }
0xae: {  	v10 =	vsel vm4, $0x3BB504EF, v1;
	vm3 =	vlt.f32 v8, $1.280000000e+02;
	vm4 =	vlt.f32 v8, $2.048000000e+03  }
0xaf: {  	v10 =	vsel vm4, $0x3CB504F5, v10;
	vm4 =	vlt.f32 v8, $8.000000000e+00;
	v14 =	vmul.f32 v14, v15  }
0xb0: {  	v27 =	vmul.f32 v60, v13;
	v28 =	vsel vm3, $0x3DB504F4, v10;
	v10 =	vmul.f32 $5.000000000e-01, v8  }
0xb1: {  	v12 =	vmul.f32 v58, v12;
	v28 =	vsel vm4, $0x3EB504F3, v28;
	v29 =	vsub.f32 $1.500000000e+00, v14  }
0xb2: {  	v16 =	vsub.f32 $1.500000000e+00, v16;
	v27 =	vmul.f32 v27, v60;
	v30 =	vmul.f32 v28, v10  }
0xb3: {  	v24 =	vsub.f32 $1.500000000e+00, v24;
	v14 =	vmul.f32 v22, v18;
	v18 =	vmul.f32 v29, v15  }
0xb4: {  	v16 =	vmul.f32 v16, v20;
	v22 =	vsub.f32 $1.500000000e+00, v27;
	v61 =	vmul.f32 v30, v28  }
0xb5: {  	v62 =	vsub.f32 $1.500000000e+00, v17;
	v15 =	vmul.f32 v24, v21;
	v21 =	vmul.f32 v18, v9  }
0xb6: {  	s15 =	sadd.s32 $0x0, s10;
	v12 =	vmul.f32 v12, v58;
	v27 =	vsub.f32 $1.500000000e+00, v61;
	v17 =	vmul.f32 v22, v60  }
0xb7: {  	s4 =	sand.u32 $0x7F80, s15;
	s16 =	simm.s32 $0x0;
	s17 =	simm.s32 $0x10;
	vm5 =	vgt.f32 v23, $0.0e+00;
	v22 =	vmul.f32 v16, v6;
	v21 =	vmul.f32 v21, v18  }
0xb8: {  	s18 =	sadd.s32 $0x20, s10;
	s14 =	sadd.s32 $0x1100, s4;
	s19 =	sand.u32 $0x70, s17;
	v63 =	vsub.f32 $1.500000000e+00, v12;
	v12 =	vmul.f32 v27, v28;
	v23 =	vmul.f32 v17, v13  }
0xb9: {  	s4 =	sand.u32 $0x7F80, s18;
	s22 =	simm.s32 $0x30;
	s18 =	simm.s32 $0x20;
	v20 =	vmul.f32 v15, v5;
	v13 =	vmul.f32 v62, v19;
	v21 =	vsub.f32 $1.500000000e+00, v21  }
0xba: {  	s17 =	simm.s32 $0x20;
	s15 =	sand.u32 $0x70, s22;
	s22 =	simm.s32 $0xC90;
	vm1 =	vmmov vm1;
	v19 =	vmul.f32 v12, v10;
	v23 =	vmul.f32 v23, v17  }
0xbb: {  	s21 =	simm.s32 $0x6;
	s13 =	sadd.s32 $0x1100, s4;
	s4 =	simm.s32 $0xF10;
	vm4 =	vgt.f32 v11, $0.0e+00;
	v21 =	vmul.f32 v21, v18;
	v18 =	vmul.f32 v63, v58  }
.LBB2_4:
0xbc: {  	v25 =	vmul.f32 v13, v7  }
0xbd: {  	v24 =	vld [tilespmem:s4+$0xFFFFFFF0];
	s21 =	sadd.s32 $0x2, s21;
	v22 =	vmul.f32 v22, v16;
	s18 =	sadd.s32 $0x20, s18;
	v23 =	vsub.f32 $1.500000000e+00, v23;
	v11 =	vmovc v8;
	vm3 =	vmmov vm5  }
0xbe: {  	v20 =	vmul.f32 v20, v15;
	s19 =	sor.u32 s19, s14;
	v8 =	vld [tilespmem:s4+$0x0];
	p1 =	slt.u32 s21, $0x26;
	v26 =	vmul.f32 v21, v9;
	s12 =	sadd.s32 s18, s10;
	v18 =	vnsel vm0, $0x0, v18  }
0xbf: {  	v28 =	vmul.f32 v14, v4;
	s16 =	sand.u32 $0x60, s16;
	s11 =	sadd.s32 $0x10, s18;
	v27 =	vld [tilespmem:s22+$0x0];
	s12 =	sand.u32 $0x7F80, s12;
	v22 =	vsub.f32 $1.500000000e+00, v22;
	v17 =	vmul.f32 v23, v17;
	[tilespmem:s19+$0x0] =	vst v18  }
0xc0: {  	vm0 =	vmmov vm1;
	v25 =	vmul.f32 v25, v13;
	s11 =	sand.u32 $0x70, s11;
	s19 =	sor.u32 s16, s14;
	v18 =	vld [tilespmem:s22+$0xFFFFFFF0];
	v23 =	vmul.f32 v26, v21;
	s12 =	sadd.s32 $0x1100, s12  }
0xc1: {  	v20 =	vsub.f32 $1.500000000e+00, v20;
	s16 =	smov.u32 s17;
	s17 =	smov.u32 s18;
	s14 =	smov.u32 s13;
	v16 =	vmul.f32 v22, v16;
	v17 =	vnsel vm4, $0x0, v17  }
0xc2: {  	s13 =	smov.u32 s12;
	v22 =	vsub.f32 $1.500000000e+00, v23;
	v23 =	vsub.f32 $1.500000000e+00, v25;
	v25 =	vmul.f32 v28, v14;
	[tilespmem:s19+$0x0] =	vst v17;
	s19 =	smov.u32 s15;
	s15 =	smov.u32 s11  }
0xc3: {  	vm1 =	vmmov vm2;
	v15 =	vmul.f32 v20, v15;
	v17 =	vmul.f32 v16, v6  }
0xc4: {  	v8 =	vadd.f32 v8, v27;
	v20 =	vmul.f32 v22, v21;
	v21 =	vsub.f32 $1.500000000e+00, v25  }
0xc5: {  	v13 =	vmul.f32 v23, v13;
	v18 =	vadd.f32 v24, v18;
	v17 =	vmul.f32 v17, v16  }
0xc6: {  	v24 =	vmul.f32 v15, v5;
	v22 =	vadd.f32 $2.000000000e+00, v8;
	v23 =	vmul.f32 v20, v9  }
0xc7: {  	v25 =	vmul.f32 v21, v14;
	v8 =	vadd.f32 $2.000000000e+00, v18;
	v18 =	vmul.f32 v19, v12  }
0xc8: {  	v14 =	vmul.f32 v24, v15;
	vm2 =	vlt.f32 v22, $2.048000000e+03;
	vm4 =	vlt.f32 v22, $3.276800000e+04  }
0xc9: {  	v21 =	vmul.f32 $5.000000000e-01, v22;
	v23 =	vmul.f32 v23, v20;
	v19 =	vsel vm4, $0x3BB504EF, v1  }
0xca: {  	vm4 =	vlt.f32 v22, $1.280000000e+02;
	v14 =	vsub.f32 $1.500000000e+00, v14;
	v19 =	vsel vm2, $0x3CB504F5, v19  }
0xcb: {  	v24 =	vmul.f32 v13, v7;
	vm2 =	vlt.f32 v22, $8.000000000e+00;
	v19 =	vsel vm4, $0x3DB504F4, v19  }
0xcc: {  	vm4 =	vlt.f32 v8, $3.276800000e+04;
	v26 =	vmul.f32 v14, v15;
	v19 =	vsel vm2, $0x3EB504F3, v19  }
0xcd: {  	v24 =	vmul.f32 v24, v13;
	v14 =	vsel vm4, $0x3BB504EF, v1;
	v15 =	vmul.f32 v19, v21  }
0xce: {  	vm2 =	vlt.f32 v8, $1.280000000e+02;
	vm4 =	vlt.f32 v8, $2.048000000e+03;
	v27 =	vmul.f32 v26, v5  }
0xcf: {  	v17 =	vsub.f32 $1.500000000e+00, v17;
	v14 =	vsel vm4, $0x3CB504F5, v14;
	v15 =	vmul.f32 v15, v19  }
0xd0: {  	v28 =	vmul.f32 $5.000000000e-01, v8;
	vm4 =	vlt.f32 v8, $8.000000000e+00;
	v14 =	vsel vm2, $0x3DB504F4, v14  }
0xd1: {  	v29 =	vsel vm4, $0x3EB504F3, v14;
	v27 =	vmul.f32 v27, v26;
	v15 =	vsub.f32 $1.500000000e+00, v15  }
0xd2: {  	v24 =	vsub.f32 $1.500000000e+00, v24;
	v14 =	vmul.f32 v17, v16;
	v30 =	vmul.f32 v29, v28  }
0xd3: {  	v16 =	vmul.f32 v25, v4;
	v4 =	vmovc v6;
	v6 =	vmovc v9;
	v17 =	vsub.f32 $1.500000000e+00, v27;
	v31 =	vmul.f32 v15, v19  }
0xd4: {  	v23 =	vsub.f32 $1.500000000e+00, v23;
	v9 =	vmovc v21;
	v19 =	vmul.f32 v30, v29;
	v15 =	vmul.f32 v24, v13  }
0xd5: {  	v18 =	vsub.f32 $1.500000000e+00, v18;
	v21 =	vmul.f32 v16, v25;
	v13 =	vmul.f32 v31, v9  }
0xd6: {  	v16 =	vmul.f32 v23, v20;
	v17 =	vmul.f32 v17, v26;
	v19 =	vsub.f32 $1.500000000e+00, v19  }
.Ltmp3:
0xd7: {  	v24 =	vsub.f32 $1.500000000e+00, v21;
	v20 =	vmul.f32 v15, v7;
	v13 =	vmul.f32 v13, v31;
	(pc) =	sbr.rel @p1 .LBB2_4-.Ltmp3, $4  }
0xd8: {  	vm5 =	vgt.f32 v22, $0.0e+00;
	v23 =	vmul.f32 v17, v5;
	v5 =	vmovc v7;
	v7 =	vmovc v10;
	v21 =	vmul.f32 v19, v29  }
0xd9: {  	v22 =	vmul.f32 v16, v6;
	v10 =	vmovc v28;
	v26 =	vsub.f32 $1.500000000e+00, v13;
	v13 =	vmul.f32 v18, v12  }
0xda: {  	vm2 =	vmmov vm3;
	v23 =	vmul.f32 v23, v17;
	v19 =	vmul.f32 v21, v10;
	v12 =	vmovc v21  }
0xdb: {  	s4 =	sadd.s32 $0x20, s4;
	s22 =	sadd.s32 $0x20, s22;
	vm4 =	vgt.f32 v2, $0.0e+00;
	v2 =	vmovc v3;
	v3 =	vmovc v11;
	v18 =	vmul.f32 v24, v25;
	v21 =	vmul.f32 v26, v31  }
0xdc: {  	v11 =	vmul.f32 v19, v12;
	_ =	sdelay $0x1  }
0xdd: {  	v11 =	vsub.f32 $1.500000000e+00, v11;
	_ =	sdelay $0x1  }
0xde: {  	v53 =	vmul.f32 v13, v7;
	v11 =	vmul.f32 v11, v12  }
0xdf: {  	v54 =	vmul.f32 v21, v9  }
0xe0: {  	v19 =	vmul.f32 v53, v13;
	v24 =	vmul.f32 v11, v10  }
0xe1: {  	v12 =	vmul.f32 v54, v21  }
0xe2: {  	v19 =	vsub.f32 $1.500000000e+00, v19;
	v24 =	vmul.f32 v24, v11  }
0xe3: {  	v12 =	vsub.f32 $1.500000000e+00, v12  }
0xe4: {  	v55 =	vmul.f32 v19, v13;
	v56 =	vsub.f32 $1.500000000e+00, v24  }
0xe5: {  	v22 =	vmul.f32 v22, v16;
	v12 =	vmul.f32 v12, v21  }
0xe6: {  	v57 =	vmul.f32 v55, v7;
	v11 =	vmul.f32 v56, v11  }
0xe7: {  	v20 =	vmul.f32 v20, v15;
	v59 =	vmul.f32 v12, v9  }
0xe8: {  	v21 =	vmul.f32 v57, v55;
	v60 =	vmul.f32 v11, v10  }
0xe9: {  	v61 =	vsub.f32 $1.500000000e+00, v20;
	v62 =	vmul.f32 v59, v12  }
0xea: {  	v22 =	vsub.f32 $1.500000000e+00, v22;
	v21 =	vsub.f32 $1.500000000e+00, v21;
	v24 =	vmul.f32 v60, v11  }
0xeb: {  	v29 =	vmul.f32 v61, v15;
	v30 =	vsub.f32 $1.500000000e+00, v62  }
0xec: {  	v28 =	vmul.f32 v22, v16;
	v13 =	vmul.f32 v21, v55;
	v32 =	vsub.f32 $1.500000000e+00, v24  }
0xed: {  	v33 =	vmul.f32 v29, v5;
	v12 =	vmul.f32 v30, v12  }
0xee: {  	v34 =	vmul.f32 v13, v7;
	v11 =	vmul.f32 v32, v11  }
0xef: {  	v35 =	vmul.f32 v33, v29;
	v36 =	vmul.f32 v12, v9  }
0xf0: {  	v58 =	vsub.f32 $1.500000000e+00, v23;
	v19 =	vmul.f32 v34, v13;
	v37 =	vmul.f32 v11, v10  }
0xf1: {  	v63 =	vmul.f32 v14, v4;
	v21 =	vsub.f32 $1.500000000e+00, v35;
	v22 =	vmul.f32 v36, v12  }
0xf2: {  	v38 =	vmul.f32 v28, v6;
	v19 =	vsub.f32 $1.500000000e+00, v19;
	v23 =	vmul.f32 v37, v11  }
0xf3: {  	v31 =	vmul.f32 v63, v14;
	v15 =	vmul.f32 v21, v29;
	v39 =	vsub.f32 $1.500000000e+00, v22  }
0xf4: {  	v24 =	vmul.f32 v38, v28;
	v13 =	vmul.f32 v19, v13;
	v41 =	vsub.f32 $1.500000000e+00, v23  }
0xf5: {  	vm3 =	vmmov vm5;
	v42 =	vmul.f32 v15, v5;
	v12 =	vmul.f32 v39, v12  }
0xf6: {  	vm9 =	vmmov vm1;
	v43 =	vmul.f32 v13, v7;
	v11 =	vmul.f32 v41, v11  }
0xf7: {  	v20 =	vsub.f32 $1.500000000e+00, v31;
	v44 =	vmul.f32 v42, v15;
	v45 =	vmul.f32 v12, v9  }
0xf8: {  	vm10 =	vmmov vm2;
	v21 =	vmul.f32 v43, v13;
	v46 =	vmul.f32 v11, v10  }
0xf9: {  	v40 =	vmul.f32 v20, v14;
	v47 =	vsub.f32 $1.500000000e+00, v24;
	v20 =	vmul.f32 v45, v12  }
0xfa: {  	v19 =	vsub.f32 $1.500000000e+00, v44;
	v21 =	vsub.f32 $1.500000000e+00, v21;
	v22 =	vmul.f32 v46, v11  }
0xfb: {  	v17 =	vmul.f32 v58, v17;
	v16 =	vmul.f32 v47, v28;
	v20 =	vsub.f32 $1.500000000e+00, v20  }
0xfc: {  	v15 =	vmul.f32 v19, v15;
	v13 =	vmul.f32 v21, v13;
	v49 =	vsub.f32 $1.500000000e+00, v22  }
0xfd: {  	vm12 =	vgt.f32 v2, $0.0e+00;
	v50 =	vmul.f32 v16, v6;
	v12 =	vmul.f32 v20, v12  }
0xfe: {  	vm13 =	vgt.f32 v3, $0.0e+00;
	v51 =	vmul.f32 v13, v7;
	v11 =	vmul.f32 v49, v11  }
0xff: {  	v18 =	vnsel vm0, $0x0, v18;
	v52 =	vmul.f32 v50, v16;
	v53 =	vmul.f32 v12, v9  }
0x100: {  	vm11 =	vmmov vm3;
	v20 =	vmul.f32 v51, v13;
	v54 =	vmul.f32 v11, v10  }
0x101: {  	v48 =	vmul.f32 v40, v4;
	v19 =	vsub.f32 $1.500000000e+00, v52;
	v21 =	vmul.f32 v53, v12  }
0x102: {  	v55 =	vmul.f32 v15, v5;
	v20 =	vsub.f32 $1.500000000e+00, v20;
	v22 =	vmul.f32 v54, v11  }
0x103: {  	v4 =	vmul.f32 v48, v40;
	v16 =	vmul.f32 v19, v16;
	v56 =	vsub.f32 $1.500000000e+00, v21  }
0x104: {  	v5 =	vmul.f32 v55, v15;
	v13 =	vmul.f32 v20, v13;
	v57 =	vsub.f32 $1.500000000e+00, v22  }
0x105: {  	vm0 =	vmmov vm10;
	v58 =	vmul.f32 v16, v6;
	v12 =	vmul.f32 v56, v12  }
0x106: {  	v17 =	vnsel vm4, $0x0, v17;
	v2 =	vmul.f32 v13, v7;
	v59 =	vmul.f32 v57, v11  }
0x107: {  	v4 =	vsub.f32 $1.500000000e+00, v4;
	v6 =	vmul.f32 v58, v16;
	v60 =	vmul.f32 v12, v9  }
0x108: {  	s4 =	sadd.s32 $0x20, s18;
	s12 =	sor.u32 s19, s14;
	s16 =	sand.u32 $0x60, s16;
	v5 =	vsub.f32 $1.500000000e+00, v5;
	v2 =	vmul.f32 v2, v13;
	v61 =	vmul.f32 v59, v10  }
0x109: {  	s15 =	sor.u32 s15, s13;
	s21 =	sand.u32 $0x60, s17;
	s11 =	sadd.s32 s4, s10;
	v4 =	vmul.f32 v4, v40;
	v6 =	vsub.f32 $1.500000000e+00, v6;
	v9 =	vmul.f32 v60, v12  }
0x10a: {  	s18 =	sadd.s32 $0x10, s4;
	s16 =	sor.u32 s16, s14;
	s14 =	sadd.s32 $0x20, s4;
	[tilespmem:s12+$0x0] =	vst v18;
	v5 =	vmul.f32 v5, v15;
	v2 =	vsub.f32 $1.500000000e+00, v2;
	v10 =	vmul.f32 v61, v59  }
0x10b: {  	s4 =	sand.u32 $0x60, s4;
	s11 =	sand.u32 $0x7F80, s11;
	s19 =	sadd.s32 s14, s10;
	[tilespmem:s16+$0x0] =	vst v17;
	v4 =	vnsel vm9, $0x0, v4;
	v6 =	vmul.f32 v6, v16;
	v9 =	vsub.f32 $1.500000000e+00, v9  }
0x10c: {  	s22 =	sand.u32 $0x70, s18;
	s11 =	sadd.s32 $0x1100, s11;
	[tilespmem:s15+$0x0] =	vst v4;
	s15 =	sor.u32 s21, s13;
	v5 =	vnsel vm12, $0x0, v5;
	v2 =	vmul.f32 v2, v13;
	v62 =	vsub.f32 $1.500000000e+00, v10  }
0x10d: {  	vm1 =	vmmov vm11;
	s12 =	sand.u32 $0x7F80, s19;
	s17 =	sor.u32 s22, s11;
	s16 =	sadd.s32 $0x10, s14;
	[tilespmem:s15+$0x0] =	vst v5;
	v3 =	vnsel vm0, $0x0, v6;
	v63 =	vmul.f32 v9, v12  }
0x10e: {  	vm14 =	vmmov vm1;
	s12 =	sadd.s32 $0x1100, s12;
	s4 =	sor.u32 s4, s11;
	s15 =	sand.u32 $0x70, s16;
	[tilespmem:s17+$0x0] =	vst v3;
	v2 =	vnsel vm13, $0x0, v2;
	v3 =	vmul.f32 v62, v59  }
0x10f: {  	vm15 =	vgt.f32 v8, $0.0e+00;
	s19 =	sand.u32 $0x60, s14;
	s18 =	sor.u32 s15, s12;
	[tilespmem:s4+$0x0] =	vst v2;
	v2 =	vnsel vm14, $0x0, v63  }
0x110: {  	s21 =	sor.u32 s19, s12;
	[tilespmem:s18+$0x0] =	vst v2;
	v2 =	vnsel vm15, $0x0, v3  }
0x111: {  	[tilespmem:s21+$0x0] =	vst v2  }
0x112: {  	s4 =	rddreg [dreg:$0xf]  }
0x113: {  	s22 =	rddreg [dreg:$0x10]  }
0x114: {  	[spmem:s4] =	stream.linear.scatter [tilespmem:s22], [sflag:$0x5], $0x280, $0x38;
	[tilespmem:$0x1FC00] =	vst v63  }
0x115: {  	_ =	swait.ge [sflag:s29], $0x280  }
0x116: {  	[sflag:s29] =	ssyncset.done $0x0  }
0x117: {  	[sflag:s29] =	ssyncadd.s32 $0xFFFFFD80  }
0x118: {  	[bflag:$0x0] =	sbarrier.arrive $0xFFFF  }
0x119: {  	s21 =	stileid.u32;
	s11 =	rddreg [dreg:$0x5]  }
0x11a: {  	[tilespmem:s31], [sflag:$0x5] =	stream.linear.gather [spmem:s11], $0x2800, $0x38;
	[tilespmem:$0x1FC00] =	vst v63  }
0x11b: {  	s4 =	sshll.u32 @!p0 s21, $0x6;
	_ =	swait.ge [sflag:s29], $0x2800  }
0x11c: {  	s4 =	sor.u32 @!p0 $0x1C05, s4;
	[sflag:s29] =	ssyncset.done $0x0  }
0x11d: {  	s11 =	sshrl.u32 @!p0 s11, $0x3;
	s12 =	rddreg [dreg:$0x7];
	[sflag:s29] =	ssyncadd.s32 $0xFFFFD800  }
0x11e: {  	[hbm:s12], [sflag:s4] =	dma.local @!p0 [spmem:s11], $0x500  }
.Ltmp4:
0x11f: {  	_ = 	snop;
	(pc) =	sbr.rel .LBB2_6-.Ltmp4, $4  }
0x120: {  	s4 =	simm.s32 @!p0 $0x5  }
0x121: {  	_ =	swait.ge @!p0 [sflag:s4], $0x500  }
0x122: {  	[sflag:s4] =	ssyncset.done @!p0 $0x0  }
0x123: {  	s14 =	simm.s32 $0x0;
	s13 =	simm.s32 $0x0;
	[sflag:s4] =	ssyncadd.s32 @!p0 $0xFFFFFB00  }
.LBB2_13:
0x124: {  	s14 =	sadd.s32 $0x1, s14  }
0x125: {  	p1 =	sne.s32 s14, $0xA  }
.Ltmp5:
0x126: {  	_ = 	snop;
	(pc) =	sbr.rel @!p1 .LBB2_14-.Ltmp5, $2  }
0x127: {  	_ =	sdelay $0x2  }
0x128: {  	[spmem:s5] =	stream.indirect.scatter.add.f32 [tilespmem:s30], [sflag:$0x4], $0x80, s4, s25, $0xb8;
	[tilespmem:$0x1FC00] =	vst v63  }
.LBB2_6:
0x129: {  	p1 =	seq.s32 s14, $0x0  }
0x12a: {  	s4 =	simm.s32 @!p1 $0x3  }
0x12b: {  	_ =	swait.ge @!p1 [sflag:s4], $0x4000  }
0x12c: {  	[sflag:s4] =	ssyncset.done @!p1 $0x0  }
0x12d: {  	[sflag:s4] =	ssyncadd.s32 @!p1 $0xFFFFC000;
	s4 =	simm.s32 @!p1 $0x4  }
0x12e: {  	s11 =	sadd.s32 s20, s14;
	_ =	swait.ge @!p1 [sflag:s4], $0x4000  }
0x12f: {  	s11 =	sshll.u32 s11, $0x7;
	[sflag:s4] =	ssyncset.done @!p1 $0x0  }
0x130: {  	s18 =	sadd.s32 s0, s11;
	[sflag:s4] =	ssyncadd.s32 @!p1 $0xFFFFC000  }
0x131: {  	[tilespmem:s13], [sflag:$0x5] =	stream.linear.gather [hbm4b:s18+s13], $0x400, $0x38;
	[tilespmem:$0x1FC00] =	vst v63  }
0x132: {  	_ =	swait.ge [sflag:s29], $0x400  }
0x133: {  	[sflag:s29] =	ssyncset.done $0x0  }
0x134: {  	s19 =	sadd.s32 s1, s11;
	[sflag:s29] =	ssyncadd.s32 $0xFFFFFC00  }
0x135: {  	[tilespmem:s3], [sflag:$0x5] =	stream.linear.gather [hbm4b:s19+s13], $0x400, $0x38;
	[tilespmem:$0x1FC00] =	vst v63  }
0x136: {  	_ =	swait.ge [sflag:s29], $0x400  }
0x137: {  	[sflag:s29] =	ssyncset.done $0x0  }
0x138: {  	s22 =	sadd.s32 s8, s11;
	[sflag:s29] =	ssyncadd.s32 $0xFFFFFC00  }
0x139: {  	[tilespmem:s28], [sflag:$0x5] =	stream.linear.gather [hbm4b:s22+s13], $0x400, $0x38;
	[tilespmem:$0x1FC00] =	vst v63  }
0x13a: {  	_ =	swait.ge [sflag:s29], $0x400  }
0x13b: {  	[sflag:s29] =	ssyncset.done $0x0  }
0x13c: {  	s15 =	simm.s32 $0x0;
	[sflag:s29] =	ssyncadd.s32 $0xFFFFFC00  }
0x13d: {  	[tilespmem:s23], [sflag:$0x1] =	stream.indirect.gather [hbm4b:s2+s25], $0x80, s13, s25, $0xb8;
	[tilespmem:$0x1FC00] =	vst v63  }
.LBB2_7:
0x13e: {  	p1 =	seq.s32 s15, $0x0  }
0x13f: {  	s4 =	simm.s32 @!p1 $0x4  }
0x140: {  	_ =	swait.ge @!p1 [sflag:s4], $0x4000  }
0x141: {  	s16 =	sshll.u32 s15, $0x8;
	[sflag:s4] =	ssyncset.done @!p1 $0x0  }
0x142: {  	s17 =	sor.u32 $0x80, s16;
	[sflag:s4] =	ssyncadd.s32 @!p1 $0xFFFFC000  }
0x143: {  	[tilespmem:s30], [sflag:$0x2] =	stream.indirect.gather [hbm4b:s2+s25], $0x80, s17, s25, $0xb8;
	[tilespmem:$0x1FC00] =	vst v63  }
0x144: {  	v2 =	vld [tilespmem:s16+$0x0]  }
0x145: {  	v3 =	vld [tilespmem:s16+$0x10]  }
0x146: {  	v4 =	vld [tilespmem:s16+$0x20]  }
0x147: {  	v5 =	vld [tilespmem:s16+$0x30]  }
0x148: {  	v6 =	vld [tilespmem:s16+$0x40]  }
0x149: {  	v7 =	vld [tilespmem:s16+$0x50]  }
0x14a: {  	v8 =	vld [tilespmem:s16+$0x60]  }
0x14b: {  	v9 =	vld [tilespmem:s16+$0x70]  }
0x14c: {  	v10 =	vld [tilespmem:s16+$0x800]  }
0x14d: {  	v2 =	vld.idx.msk [tilespmem:v2+s31+$0x0], $0xffff  }
0x14e: {  	v3 =	vld.idx.msk [tilespmem:v3+s31+$0x0], $0xffff  }
0x14f: {  	v4 =	vld.idx.msk [tilespmem:v4+s31+$0x0], $0xffff  }
0x150: {  	v5 =	vld.idx.msk [tilespmem:v5+s31+$0x0], $0xffff  }
0x151: {  	v6 =	vld.idx.msk [tilespmem:v6+s31+$0x0], $0xffff  }
0x152: {  	v7 =	vld.idx.msk [tilespmem:v7+s31+$0x0], $0xffff;
	v2 =	vmul.f32 v10, v2  }
0x153: {  	v8 =	vld.idx.msk [tilespmem:v8+s31+$0x0], $0xffff  }
0x154: {  	v9 =	vld.idx.msk [tilespmem:v9+s31+$0x0], $0xffff;
	[tilespmem:$0x3900] =	vst v2  }
0x155: {  	v2 =	vld [tilespmem:s16+$0x810];
	_ =	sdelay $0x4  }
0x156: {  	v2 =	vmul.f32 v2, v3;
	_ =	sdelay $0x1  }
0x157: {  	[tilespmem:$0x3910] =	vst v2  }
0x158: {  	v2 =	vld [tilespmem:s16+$0x820];
	_ =	sdelay $0x4  }
0x159: {  	v2 =	vmul.f32 v2, v4;
	_ =	sdelay $0x1  }
0x15a: {  	[tilespmem:$0x3920] =	vst v2  }
0x15b: {  	v2 =	vld [tilespmem:s16+$0x830];
	_ =	sdelay $0x4  }
0x15c: {  	v2 =	vmul.f32 v2, v5;
	_ =	sdelay $0x1  }
0x15d: {  	[tilespmem:$0x3930] =	vst v2  }
0x15e: {  	v2 =	vld [tilespmem:s16+$0x840];
	_ =	sdelay $0x4  }
0x15f: {  	v2 =	vmul.f32 v2, v6;
	_ =	sdelay $0x1  }
0x160: {  	[tilespmem:$0x3940] =	vst v2  }
0x161: {  	v2 =	vld [tilespmem:s16+$0x850];
	_ =	sdelay $0x4  }
0x162: {  	v2 =	vmul.f32 v2, v7;
	_ =	sdelay $0x1  }
0x163: {  	[tilespmem:$0x3950] =	vst v2  }
0x164: {  	v2 =	vld [tilespmem:s16+$0x860];
	_ =	sdelay $0x4  }
0x165: {  	v2 =	vmul.f32 v2, v8;
	_ =	sdelay $0x1  }
0x166: {  	[tilespmem:$0x3960] =	vst v2  }
0x167: {  	v2 =	vld [tilespmem:s16+$0x870];
	_ =	sdelay $0x1  }
0x168: {  	s19 =	simm.s32 $0x0  }
0x169: {  	s22 =	simm.s32 $0x6;
	v3 =	vmov s19  }
0x16a: {  	v3 =	vand.u32 $0xFFFFFFF8, v3;
	v4 =	vmov s22  }
0x16b: {  	v3 =	vbroadcast v3, $0x0;
	v4 =	vand.u32 $0xFFFFFFFE, v4;
	v2 =	vmul.f32 v2, v9  }
0x16c: {  	v4 =	vbroadcast v4, $0x0  }
0x16d: {  	[tilespmem:$0x3970] =	vst v2  }
0x16e: {  	_ =	swait.ge [sflag:s24], $0x4000  }
0x16f: {  	[sflag:s24] =	ssyncset.done $0x0  }
0x170: {  	[sflag:s24] =	ssyncadd.s32 $0xFFFFC000  }
0x171: {  	v2 =	vld.idx.msk [tilespmem:v3+s6+$0x0], $0xffff  }
0x172: {  	s18 =	simm.s32 $0x3B80;
	v3 =	vld.idx.msk [tilespmem:v4+s6+$0x0], $0xffff  }
0x173: {  	v5 =	vld [tilespmem:s18+$0x170]  }
0x174: {  	v6 =	vld [tilespmem:s18+$0xFFFFFE00]  }
0x175: {  	v7 =	vld [tilespmem:s18+$0xFFFFFE10]  }
0x176: {  	v8 =	vld [tilespmem:s18+$0xFFFFFE20]  }
0x177: {  	v9 =	vld [tilespmem:s18+$0xFFFFFE30]  }
0x178: {  	s11 =	simm.s32 $0x1;
	v10 =	vld [tilespmem:s18+$0xFFFFFE40]  }
0x179: {  	v4 =	vmov s11;
	v11 =	vld [tilespmem:s18+$0xFFFFFE50]  }
0x17a: {  	v12 =	vld [tilespmem:s18+$0xFFFFFE60];
	v4 =	vand.u32 $0xFFFFFFF9, v4  }
0x17b: {  	v13 =	vld [tilespmem:s18+$0xFFFFFE70];
	v4 =	vbroadcast v4, $0x0  }
0x17c: {  	v14 =	vld [tilespmem:s18+$0xFFFFFE80]  }
0x17d: {  	v15 =	vld [tilespmem:s18+$0xFFFFFE90];
	v6 =	vmul.f32 v6, v2  }
0x17e: {  	v16 =	vld [tilespmem:s18+$0xFFFFFEA0];
	v5 =	vmul.f32 v5, v3  }
0x17f: {  	v17 =	vld [tilespmem:s18+$0xFFFFFEB0];
	v7 =	vmul.f32 v7, v2;
	[tilespmem:s18+$0xFFFFFE00] =	vst v6  }
0x180: {  	s12 =	simm.s32 $0x2;
	v9 =	vmul.f32 v9, v2;
	[tilespmem:s18+$0x170] =	vst v5;
	v5 =	vmul.f32 v8, v2;
	v8 =	vld [tilespmem:s18+$0xFFFFFEC0]  }
0x181: {  	v10 =	vmul.f32 v10, v2;
	v6 =	vmov s12;
	[tilespmem:s18+$0xFFFFFE10] =	vst v7;
	v4 =	vld.idx.msk [tilespmem:v4+s6+$0x0], $0xffff  }
0x182: {  	[tilespmem:s18+$0xFFFFFE30] =	vst v9;
	v9 =	vmul.f32 v11, v2;
	v11 =	vld [tilespmem:s18+$0xFFFFFEF0];
	v6 =	vand.u32 $0xFFFFFFFA, v6  }
0x183: {  	[tilespmem:s18+$0xFFFFFE40] =	vst v10;
	v10 =	vmul.f32 v12, v2;
	v12 =	vld [tilespmem:s18+$0xFFFFFF00];
	v6 =	vbroadcast v6, $0x0  }
0x184: {  	v2 =	vmul.f32 v13, v2;
	v13 =	vld [tilespmem:s18+$0xFFFFFF20];
	[tilespmem:s18+$0xFFFFFE20] =	vst v5  }
0x185: {  	v5 =	vld [tilespmem:s18+$0xFFFFFEE0];
	[tilespmem:s18+$0xFFFFFE50] =	vst v9  }
0x186: {  	v9 =	vld [tilespmem:s18+$0xFFFFFF10];
	[tilespmem:s18+$0xFFFFFE60] =	vst v10;
	v7 =	vmul.f32 v14, v4  }
0x187: {  	[tilespmem:s18+$0xFFFFFE70] =	vst v2;
	v14 =	vld [tilespmem:s18+$0xFFFFFED0];
	v10 =	vmul.f32 v15, v4  }
0x188: {  	s19 =	simm.s32 $0x3;
	v2 =	vmul.f32 v16, v4;
	v15 =	vld [tilespmem:s18+$0xFFFFFF30];
	[tilespmem:s18+$0xFFFFFE80] =	vst v7  }
0x189: {  	v8 =	vmul.f32 v8, v4;
	v6 =	vld.idx.msk [tilespmem:v6+s6+$0x0], $0xffff;
	v7 =	vmov s19;
	[tilespmem:s18+$0xFFFFFE90] =	vst v10  }
0x18a: {  	v16 =	vld [tilespmem:s18+$0xFFFFFF40];
	v10 =	vmul.f32 v17, v4;
	[tilespmem:s18+$0xFFFFFEA0] =	vst v2;
	v7 =	vand.u32 $0xFFFFFFFB, v7  }
0x18b: {  	v5 =	vmul.f32 v5, v4;
	[tilespmem:s18+$0xFFFFFEC0] =	vst v8;
	v8 =	vld [tilespmem:s18+$0xFFFFFF70];
	v7 =	vbroadcast v7, $0x0  }
0x18c: {  	[tilespmem:s18+$0xFFFFFEB0] =	vst v10;
	v10 =	vld [tilespmem:s18+$0xFFFFFF60];
	v14 =	vmul.f32 v14, v4  }
0x18d: {  	[tilespmem:s18+$0xFFFFFEE0] =	vst v5;
	v4 =	vmul.f32 v11, v4;
	v11 =	vld [tilespmem:s18+$0xFFFFFF80]  }
0x18e: {  	v2 =	vmul.f32 v12, v6;
	v12 =	vld [tilespmem:s18+$0xFFFFFF50];
	[tilespmem:s18+$0xFFFFFED0] =	vst v14  }
0x18f: {  	v5 =	vmul.f32 v9, v6;
	v9 =	vld [tilespmem:s18+$0xFFFFFF90];
	[tilespmem:s18+$0xFFFFFEF0] =	vst v4  }
0x190: {  	s22 =	simm.s32 $0x4;
	v4 =	vmul.f32 v13, v6;
	v13 =	vld [tilespmem:s18+$0xFFFFFFA0];
	[tilespmem:s18+$0xFFFFFF00] =	vst v2  }
0x191: {  	v2 =	vmov s22;
	[tilespmem:s18+$0xFFFFFF10] =	vst v5;
	v5 =	vmul.f32 v15, v6;
	v7 =	vld.idx.msk [tilespmem:v7+s6+$0x0], $0xffff  }
0x192: {  	v14 =	vld [tilespmem:s18+$0xFFFFFFB0];
	[tilespmem:s18+$0xFFFFFF20] =	vst v4;
	v4 =	vmul.f32 v16, v6;
	v2 =	vand.u32 $0xFFFFFFFC, v2  }
0x193: {  	v15 =	vld [tilespmem:s18+$0xFFFFFFC0];
	v10 =	vmul.f32 v10, v6;
	v2 =	vbroadcast v2, $0x0;
	[tilespmem:s18+$0xFFFFFF30] =	vst v5  }
0x194: {  	[tilespmem:s18+$0xFFFFFF40] =	vst v4;
	v4 =	vld [tilespmem:s18+$0xFFFFFFE0];
	v12 =	vmul.f32 v12, v6  }
0x195: {  	[tilespmem:s18+$0xFFFFFF60] =	vst v10;
	v10 =	vld [tilespmem:s18+$0x0];
	v6 =	vmul.f32 v8, v6  }
0x196: {  	v8 =	vld [tilespmem:s18+$0xFFFFFFF0];
	[tilespmem:s18+$0xFFFFFF50] =	vst v12;
	v5 =	vmul.f32 v11, v7  }
0x197: {  	[tilespmem:s18+$0xFFFFFF70] =	vst v6;
	v11 =	vld [tilespmem:s18+$0xFFFFFFD0];
	v9 =	vmul.f32 v9, v7  }
0x198: {  	v12 =	vld [tilespmem:s18+$0x10];
	v6 =	vmul.f32 v13, v7;
	[tilespmem:s18+$0xFFFFFF80] =	vst v5  }
0x199: {  	s11 =	simm.s32 $0x5;
	v4 =	vmul.f32 v4, v7;
	v2 =	vld.idx.msk [tilespmem:v2+s6+$0x0], $0xffff;
	[tilespmem:s18+$0xFFFFFF90] =	vst v9  }
0x19a: {  	v13 =	vld [tilespmem:s18+$0x20];
	v5 =	vmov s11;
	v9 =	vmul.f32 v14, v7;
	[tilespmem:s18+$0xFFFFFFA0] =	vst v6  }
0x19b: {  	v6 =	vmul.f32 v15, v7;
	v14 =	vld [tilespmem:s18+$0x30];
	v5 =	vand.u32 $0xFFFFFFFD, v5;
	[tilespmem:s18+$0xFFFFFFE0] =	vst v4  }
0x19c: {  	v5 =	vbroadcast v5, $0x0;
	[tilespmem:s18+$0xFFFFFFB0] =	vst v9;
	v9 =	vmul.f32 v11, v7;
	v11 =	vld [tilespmem:s18+$0x40]  }
0x19d: {  	[tilespmem:s18+$0xFFFFFFC0] =	vst v6;
	v7 =	vmul.f32 v8, v7;
	v8 =	vld [tilespmem:s18+$0x80]  }
0x19e: {  	v6 =	vmul.f32 v10, v2;
	v10 =	vld [tilespmem:s18+$0x50];
	[tilespmem:s18+$0xFFFFFFD0] =	vst v9  }
0x19f: {  	v9 =	vld [tilespmem:s18+$0x60];
	v4 =	vmul.f32 v12, v2;
	[tilespmem:s18+$0xFFFFFFF0] =	vst v7  }
0x1a0: {  	v7 =	vmul.f32 v13, v2;
	v12 =	vld [tilespmem:s18+$0x90];
	[tilespmem:s18+$0x0] =	vst v6  }
0x1a1: {  	v6 =	vld [tilespmem:s18+$0x70];
	[tilespmem:s18+$0x10] =	vst v4;
	v4 =	vmul.f32 v14, v2  }
0x1a2: {  	[tilespmem:s18+$0x20] =	vst v7;
	v5 =	vld.idx.msk [tilespmem:v5+s6+$0x0], $0xffff;
	v7 =	vmul.f32 v11, v2  }
0x1a3: {  	v11 =	vld [tilespmem:s18+$0xA0];
	[tilespmem:s18+$0x30] =	vst v4  }
0x1a4: {  	v4 =	vmul.f32 v10, v2;
	v10 =	vld [tilespmem:s18+$0xB0];
	[tilespmem:s18+$0x40] =	vst v7;
	v7 =	vmul.f32 v9, v2  }
0x1a5: {  	v9 =	vld [tilespmem:s18+$0xC0]  }
0x1a6: {  	v6 =	vmul.f32 v6, v2;
	[tilespmem:s18+$0x60] =	vst v7;
	v7 =	vld [tilespmem:s18+$0xE0]  }
0x1a7: {  	[tilespmem:s18+$0x50] =	vst v4;
	v4 =	vmul.f32 v8, v5;
	v8 =	vld [tilespmem:s18+$0xD0]  }
0x1a8: {  	v12 =	vmul.f32 v12, v5;
	[tilespmem:s18+$0x70] =	vst v6;
	v6 =	vld [tilespmem:s18+$0xF0]  }
0x1a9: {  	[tilespmem:s18+$0x80] =	vst v4;
	v4 =	vmul.f32 v11, v5;
	v11 =	vld [tilespmem:s18+$0x100]  }
0x1aa: {  	[tilespmem:s18+$0x90] =	vst v12;
	v10 =	vmul.f32 v10, v5;
	v12 =	vld [tilespmem:s18+$0x150]  }
0x1ab: {  	s12 =	simm.s32 $0x7;
	[tilespmem:s18+$0xA0] =	vst v4;
	v4 =	vmul.f32 v9, v5;
	v9 =	vld [tilespmem:s18+$0x110]  }
0x1ac: {  	v15 =	vld [tilespmem:s18+$0x180];
	v13 =	vmov s12;
	[tilespmem:s18+$0xB0] =	vst v10;
	v8 =	vmul.f32 v8, v5  }
0x1ad: {  	v10 =	vld [tilespmem:s18+$0x120];
	[tilespmem:s18+$0xC0] =	vst v4;
	v4 =	vmul.f32 v7, v5  }
0x1ae: {  	s12 =	simm.s32 $0xA;
	v7 =	vld [tilespmem:s18+$0x130];
	v5 =	vmul.f32 v6, v5;
	[tilespmem:s18+$0xD0] =	vst v8  }
0x1af: {  	s19 =	simm.s32 $0x8;
	v14 =	vmov s12;
	v6 =	vld [tilespmem:s18+$0x140];
	v11 =	vmul.f32 v11, v3;
	[tilespmem:s18+$0xE0] =	vst v4  }
0x1b0: {  	s22 =	simm.s32 $0xF;
	s11 =	simm.s32 $0x9;
	v8 =	vmov s19;
	v12 =	vmul.f32 v12, v3;
	[tilespmem:s18+$0xF0] =	vst v5;
	v5 =	vmul.f32 v9, v3;
	v9 =	vld [tilespmem:s18+$0x160]  }
0x1b1: {  	s12 =	simm.s32 $0xB;
	v2 =	vld.idx.msk [tilespmem:v13+s6+$0x0], $0xffff;
	v13 =	vmov s11;
	s19 =	simm.s32 $0xC;
	v8 =	vand.u32 $0xFFFFFFF8, v8;
	v4 =	vmov s22;
	[tilespmem:s18+$0x100] =	vst v11  }
0x1b2: {  	v18 =	vld [tilespmem:s18+$0x190];
	v16 =	vmov s19;
	s22 =	simm.s32 $0xD;
	v10 =	vmul.f32 v10, v3;
	v11 =	vmov s12;
	[tilespmem:s18+$0x150] =	vst v12  }
0x1b3: {  	v19 =	vmov s22;
	[tilespmem:s18+$0x110] =	vst v5;
	v17 =	vmul.f32 v7, v3;
	v5 =	vbroadcast v8, $0x0;
	v7 =	vld [tilespmem:s18+$0x1A0]  }
0x1b4: {  	[tilespmem:s18+$0x120] =	vst v10;
	v10 =	vmul.f32 v6, v3;
	v6 =	vand.u32 $0xFFFFFFF9, v13;
	v13 =	vand.u32 $0xFFFFFFFA, v14;
	v8 =	vld [tilespmem:s18+$0x1B0]  }
0x1b5: {  	v14 =	vand.u32 $0xFFFFFFFB, v11;
	v6 =	vbroadcast v6, $0x0;
	[tilespmem:s18+$0x130] =	vst v17;
	v17 =	vmul.f32 v9, v3;
	v9 =	vld [tilespmem:s18+$0x1C0]  }
0x1b6: {  	v11 =	vbroadcast v13, $0x0;
	[tilespmem:s18+$0x140] =	vst v10;
	v10 =	vld [tilespmem:s18+$0x1D0];
	v3 =	vand.u32 $0xFFFFFFFC, v16;
	v16 =	vmul.f32 v15, v2  }
0x1b7: {  	s4 =	simm.s32 $0xE;
	s19 =	simm.s32 $0x10;
	v12 =	vld [tilespmem:s18+$0x1E0];
	v13 =	vbroadcast v14, $0x0;
	v14 =	vmul.f32 v18, v2;
	v15 =	vand.u32 $0xFFFFFFFD, v19;
	[tilespmem:s18+$0x160] =	vst v17  }
.LBB2_8:
0x1b8: {  	p1 =	slt.u32 s19, $0x78;
	v3 =	vbroadcast v3, $0x0;
	v17 =	vmov s4;
	[tilespmem:s18+$0x180] =	vst v16;
	v7 =	vmul.f32 v7, v2;
	v16 =	vld [tilespmem:s18+$0x1F0]  }
0x1b9: {  	v15 =	vbroadcast v15, $0x0;
	v17 =	vand.u32 $0xFFFFFFFE, v17;
	v18 =	vld.idx.msk [tilespmem:v4+s6+$0x0], $0xffff;
	[tilespmem:s18+$0x190] =	vst v14;
	v4 =	vmul.f32 v8, v2  }
0x1ba: {  	v8 =	vld.idx.msk [tilespmem:v5+s6+$0x0], $0xffff;
	v14 =	vbroadcast v17, $0x0;
	[tilespmem:s18+$0x1A0] =	vst v7;
	v5 =	vmul.f32 v9, v2  }
0x1bb: {  	v7 =	vld.idx.msk [tilespmem:v6+s6+$0x0], $0xffff;
	[tilespmem:s18+$0x1B0] =	vst v4;
	v4 =	vmul.f32 v10, v2  }
0x1bc: {  	v9 =	vld.idx.msk [tilespmem:v11+s6+$0x0], $0xffff;
	[tilespmem:s18+$0x1C0] =	vst v5;
	v10 =	vmul.f32 v12, v2  }
0x1bd: {  	v6 =	vld.idx.msk [tilespmem:v13+s6+$0x0], $0xffff;
	[tilespmem:s18+$0x1D0] =	vst v4;
	v11 =	vmul.f32 v16, v2  }
0x1be: {  	v5 =	vld.idx.msk [tilespmem:v3+s6+$0x0], $0xffff;
	[tilespmem:s18+$0x1E0] =	vst v10  }
0x1bf: {  	v2 =	vmov v18;
	v4 =	vld.idx.msk [tilespmem:v15+s6+$0x0], $0xffff;
	[tilespmem:s18+$0x1F0] =	vst v11  }
0x1c0: {  	s18 =	sadd.s32 $0x400, s18;
	v3 =	vld.idx.msk [tilespmem:v14+s6+$0x0], $0xffff  }
0x1c1: {  	v10 =	vld [tilespmem:s18+$0x170]  }
0x1c2: {  	v11 =	vld [tilespmem:s18+$0xFFFFFE00]  }
0x1c3: {  	v12 =	vld [tilespmem:s18+$0xFFFFFE10]  }
0x1c4: {  	v13 =	vld [tilespmem:s18+$0xFFFFFE20]  }
0x1c5: {  	v14 =	vld [tilespmem:s18+$0xFFFFFE30]  }
0x1c6: {  	v15 =	vld [tilespmem:s18+$0xFFFFFE40];
	v10 =	vmul.f32 v10, v3  }
0x1c7: {  	v11 =	vmul.f32 v11, v8;
	v16 =	vld [tilespmem:s18+$0xFFFFFE50]  }
0x1c8: {  	v12 =	vmul.f32 v12, v8;
	v17 =	vld [tilespmem:s18+$0xFFFFFE60];
	[tilespmem:s18+$0x170] =	vst v10  }
0x1c9: {  	[tilespmem:s18+$0xFFFFFE00] =	vst v11;
	v10 =	vmul.f32 v13, v8;
	v11 =	vld [tilespmem:s18+$0xFFFFFE70]  }
0x1ca: {  	[tilespmem:s18+$0xFFFFFE10] =	vst v12;
	v12 =	vmul.f32 v14, v8;
	v13 =	vld [tilespmem:s18+$0xFFFFFE80]  }
0x1cb: {  	[tilespmem:s18+$0xFFFFFE20] =	vst v10;
	v10 =	vmul.f32 v15, v8;
	v14 =	vld [tilespmem:s18+$0xFFFFFE90]  }
0x1cc: {  	[tilespmem:s18+$0xFFFFFE30] =	vst v12;
	v12 =	vmul.f32 v16, v8;
	v15 =	vld [tilespmem:s18+$0xFFFFFEA0]  }
0x1cd: {  	[tilespmem:s18+$0xFFFFFE40] =	vst v10;
	v10 =	vmul.f32 v17, v8;
	v16 =	vld [tilespmem:s18+$0xFFFFFEB0]  }
0x1ce: {  	[tilespmem:s18+$0xFFFFFE50] =	vst v12;
	v8 =	vmul.f32 v11, v8;
	v11 =	vld [tilespmem:s18+$0xFFFFFEC0]  }
0x1cf: {  	[tilespmem:s18+$0xFFFFFE60] =	vst v10;
	v10 =	vmul.f32 v13, v7;
	v12 =	vld [tilespmem:s18+$0xFFFFFED0]  }
0x1d0: {  	[tilespmem:s18+$0xFFFFFE70] =	vst v8;
	v8 =	vmul.f32 v14, v7;
	v13 =	vld [tilespmem:s18+$0xFFFFFEE0]  }
0x1d1: {  	[tilespmem:s18+$0xFFFFFE80] =	vst v10;
	v10 =	vmul.f32 v15, v7;
	v14 =	vld [tilespmem:s18+$0xFFFFFEF0]  }
0x1d2: {  	[tilespmem:s18+$0xFFFFFE90] =	vst v8;
	v8 =	vmul.f32 v16, v7;
	v15 =	vld [tilespmem:s18+$0xFFFFFF00]  }
0x1d3: {  	[tilespmem:s18+$0xFFFFFEA0] =	vst v10;
	v10 =	vmul.f32 v11, v7;
	v11 =	vld [tilespmem:s18+$0xFFFFFF10]  }
0x1d4: {  	[tilespmem:s18+$0xFFFFFEB0] =	vst v8;
	v8 =	vmul.f32 v12, v7;
	v12 =	vld [tilespmem:s18+$0xFFFFFF20]  }
0x1d5: {  	[tilespmem:s18+$0xFFFFFEC0] =	vst v10;
	v10 =	vmul.f32 v13, v7;
	v13 =	vld [tilespmem:s18+$0xFFFFFF30]  }
0x1d6: {  	[tilespmem:s18+$0xFFFFFED0] =	vst v8;
	v7 =	vmul.f32 v14, v7;
	v8 =	vld [tilespmem:s18+$0xFFFFFF40]  }
0x1d7: {  	[tilespmem:s18+$0xFFFFFEE0] =	vst v10;
	v10 =	vmul.f32 v15, v9;
	v14 =	vld [tilespmem:s18+$0xFFFFFF50]  }
0x1d8: {  	[tilespmem:s18+$0xFFFFFEF0] =	vst v7;
	v7 =	vmul.f32 v11, v9;
	v11 =	vld [tilespmem:s18+$0xFFFFFF60]  }
0x1d9: {  	[tilespmem:s18+$0xFFFFFF00] =	vst v10;
	v10 =	vmul.f32 v12, v9;
	v12 =	vld [tilespmem:s18+$0xFFFFFF70]  }
0x1da: {  	[tilespmem:s18+$0xFFFFFF10] =	vst v7;
	v7 =	vmul.f32 v13, v9;
	v13 =	vld [tilespmem:s18+$0xFFFFFF80]  }
0x1db: {  	[tilespmem:s18+$0xFFFFFF20] =	vst v10;
	v8 =	vmul.f32 v8, v9;
	v10 =	vld [tilespmem:s18+$0xFFFFFF90]  }
0x1dc: {  	[tilespmem:s18+$0xFFFFFF30] =	vst v7;
	v7 =	vmul.f32 v14, v9;
	v14 =	vld [tilespmem:s18+$0xFFFFFFA0]  }
0x1dd: {  	[tilespmem:s18+$0xFFFFFF40] =	vst v8;
	v8 =	vmul.f32 v11, v9;
	v11 =	vld [tilespmem:s18+$0xFFFFFFB0]  }
0x1de: {  	[tilespmem:s18+$0xFFFFFF50] =	vst v7;
	v7 =	vmul.f32 v12, v9;
	v9 =	vld [tilespmem:s18+$0xFFFFFFC0]  }
0x1df: {  	[tilespmem:s18+$0xFFFFFF60] =	vst v8;
	v8 =	vmul.f32 v13, v6;
	v12 =	vld [tilespmem:s18+$0xFFFFFFD0]  }
0x1e0: {  	[tilespmem:s18+$0xFFFFFF70] =	vst v7;
	v7 =	vmul.f32 v10, v6;
	v10 =	vld [tilespmem:s18+$0xFFFFFFE0]  }
0x1e1: {  	[tilespmem:s18+$0xFFFFFF80] =	vst v8;
	v8 =	vmul.f32 v14, v6;
	v13 =	vld [tilespmem:s18+$0xFFFFFFF0]  }
0x1e2: {  	[tilespmem:s18+$0xFFFFFF90] =	vst v7;
	v7 =	vmul.f32 v11, v6;
	v11 =	vld [tilespmem:s18+$0x0]  }
0x1e3: {  	[tilespmem:s18+$0xFFFFFFA0] =	vst v8;
	v8 =	vmul.f32 v9, v6;
	v9 =	vld [tilespmem:s18+$0x10]  }
0x1e4: {  	[tilespmem:s18+$0xFFFFFFB0] =	vst v7;
	v7 =	vmul.f32 v12, v6;
	v12 =	vld [tilespmem:s18+$0x20]  }
0x1e5: {  	[tilespmem:s18+$0xFFFFFFC0] =	vst v8;
	v8 =	vmul.f32 v10, v6;
	v10 =	vld [tilespmem:s18+$0x30]  }
0x1e6: {  	[tilespmem:s18+$0xFFFFFFD0] =	vst v7;
	v6 =	vmul.f32 v13, v6;
	v7 =	vld [tilespmem:s18+$0x40]  }
0x1e7: {  	[tilespmem:s18+$0xFFFFFFE0] =	vst v8;
	v8 =	vmul.f32 v11, v5;
	v11 =	vld [tilespmem:s18+$0x50]  }
0x1e8: {  	[tilespmem:s18+$0xFFFFFFF0] =	vst v6;
	v6 =	vmul.f32 v9, v5;
	v9 =	vld [tilespmem:s18+$0x60]  }
0x1e9: {  	[tilespmem:s18+$0x0] =	vst v8;
	v8 =	vmul.f32 v12, v5;
	v12 =	vld [tilespmem:s18+$0x70]  }
0x1ea: {  	[tilespmem:s18+$0x10] =	vst v6;
	v6 =	vmul.f32 v10, v5;
	v10 =	vld [tilespmem:s18+$0x80]  }
0x1eb: {  	[tilespmem:s18+$0x20] =	vst v8;
	v7 =	vmul.f32 v7, v5;
	v8 =	vld [tilespmem:s18+$0x90]  }
0x1ec: {  	[tilespmem:s18+$0x30] =	vst v6;
	v6 =	vmul.f32 v11, v5;
	v11 =	vld [tilespmem:s18+$0xA0]  }
0x1ed: {  	[tilespmem:s18+$0x40] =	vst v7;
	v7 =	vmul.f32 v9, v5;
	v9 =	vld [tilespmem:s18+$0xB0]  }
0x1ee: {  	[tilespmem:s18+$0x50] =	vst v6;
	v5 =	vmul.f32 v12, v5;
	v6 =	vld [tilespmem:s18+$0xC0]  }
0x1ef: {  	[tilespmem:s18+$0x60] =	vst v7;
	v7 =	vmul.f32 v10, v4;
	v10 =	vld [tilespmem:s18+$0xD0]  }
0x1f0: {  	[tilespmem:s18+$0x70] =	vst v5;
	v5 =	vmul.f32 v8, v4;
	v8 =	vld [tilespmem:s18+$0xE0]  }
0x1f1: {  	[tilespmem:s18+$0x80] =	vst v7;
	v7 =	vmul.f32 v11, v4;
	v11 =	vld [tilespmem:s18+$0xF0]  }
0x1f2: {  	[tilespmem:s18+$0x90] =	vst v5;
	v5 =	vmul.f32 v9, v4;
	v9 =	vld [tilespmem:s18+$0x100]  }
0x1f3: {  	[tilespmem:s18+$0xA0] =	vst v7;
	v6 =	vmul.f32 v6, v4;
	v7 =	vld [tilespmem:s18+$0x110]  }
0x1f4: {  	[tilespmem:s18+$0xB0] =	vst v5;
	v5 =	vmul.f32 v10, v4;
	v10 =	vld [tilespmem:s18+$0x120]  }
0x1f5: {  	[tilespmem:s18+$0xC0] =	vst v6;
	v6 =	vmul.f32 v8, v4;
	v8 =	vld [tilespmem:s18+$0x130]  }
0x1f6: {  	[tilespmem:s18+$0xD0] =	vst v5;
	v5 =	vmul.f32 v11, v4;
	v11 =	vld [tilespmem:s18+$0x140]  }
0x1f7: {  	s4 =	sadd.s32 $0x7, s19;
	v4 =	vmov s19;
	[tilespmem:s18+$0xE0] =	vst v6;
	v6 =	vmul.f32 v9, v3;
	v9 =	vld [tilespmem:s18+$0x150]  }
0x1f8: {  	s11 =	sadd.s32 $0x1, s19;
	s12 =	sadd.s32 $0x2, s19;
	v12 =	vand.u32 $0xFFFFFFF8, v4;
	v4 =	vmov s4;
	[tilespmem:s18+$0xF0] =	vst v5;
	v5 =	vmul.f32 v7, v3;
	v13 =	vld [tilespmem:s18+$0x160]  }
0x1f9: {  	v15 =	vmov s12;
	v14 =	vmov s11;
	s11 =	sadd.s32 $0x4, s19;
	s4 =	sadd.s32 $0x3, s19;
	[tilespmem:s18+$0x100] =	vst v6;
	v6 =	vmul.f32 v10, v3;
	v10 =	vld [tilespmem:s18+$0x180]  }
0x1fa: {  	v17 =	vmov s11;
	v16 =	vmov s4;
	s4 =	sadd.s32 $0x5, s19;
	[tilespmem:s18+$0x110] =	vst v5;
	v8 =	vmul.f32 v8, v3;
	v18 =	vld [tilespmem:s18+$0x190]  }
.Ltmp6:
0x1fb: {  	v5 =	vbroadcast v12, $0x0;
	v12 =	vmov s4;
	[tilespmem:s18+$0x120] =	vst v6;
	v11 =	vmul.f32 v11, v3;
	v7 =	vld [tilespmem:s18+$0x1A0];
	(pc) =	sbr.rel @p1 .LBB2_8-.Ltmp6, $4  }
0x1fc: {  	v6 =	vand.u32 $0xFFFFFFF9, v14;
	v14 =	vand.u32 $0xFFFFFFFA, v15;
	[tilespmem:s18+$0x130] =	vst v8;
	v15 =	vmul.f32 v9, v3;
	v8 =	vld [tilespmem:s18+$0x1B0]  }
0x1fd: {  	v19 =	vand.u32 $0xFFFFFFFB, v16;
	v6 =	vbroadcast v6, $0x0;
	[tilespmem:s18+$0x140] =	vst v11;
	v20 =	vmul.f32 v13, v3;
	v9 =	vld [tilespmem:s18+$0x1C0]  }
0x1fe: {  	v11 =	vbroadcast v14, $0x0;
	v3 =	vand.u32 $0xFFFFFFFC, v17;
	[tilespmem:s18+$0x150] =	vst v15;
	v16 =	vmul.f32 v10, v2;
	v10 =	vld [tilespmem:s18+$0x1D0]  }
0x1ff: {  	s4 =	sadd.s32 $0x6, s19;
	s19 =	sadd.s32 $0x8, s19;
	v13 =	vbroadcast v19, $0x0;
	v15 =	vand.u32 $0xFFFFFFFD, v12;
	[tilespmem:s18+$0x160] =	vst v20;
	v14 =	vmul.f32 v18, v2;
	v12 =	vld [tilespmem:s18+$0x1E0]  }
0x200: {  	_ =	sdelay $0x2  }
0x201: {  	v17 =	vld [tilespmem:s18+$0x1F0]  }
0x202: {  	v19 =	vld.idx.msk [tilespmem:v5+s6+$0x0], $0xffff  }
0x203: {  	[tilespmem:s18+$0x180] =	vst v16;
	v16 =	vbroadcast v3, $0x0;
	v3 =	vmov s4;
	v11 =	vld.idx.msk [tilespmem:v11+s6+$0x0], $0xffff  }
0x204: {  	v18 =	vand.u32 $0xFFFFFFFE, v3;
	v3 =	vld.idx.msk [tilespmem:v4+s6+$0x0], $0xffff  }
0x205: {  	s19 =	sadd.s32 $0x400, s18;
	v13 =	vld.idx.msk [tilespmem:v13+s6+$0x0], $0xffff  }
0x206: {  	v15 =	vbroadcast v15, $0x0;
	v7 =	vmul.f32 v7, v2;
	[tilespmem:s18+$0x190] =	vst v14;
	v14 =	vld [tilespmem:s19+$0x170]  }
0x207: {  	v8 =	vmul.f32 v8, v2;
	v4 =	vbroadcast v18, $0x0;
	v18 =	vld.idx.msk [tilespmem:v6+s6+$0x0], $0xffff  }
0x208: {  	[tilespmem:s18+$0x1A0] =	vst v7;
	v7 =	vmul.f32 v9, v2;
	v9 =	vld [tilespmem:s19+$0xFFFFFE00]  }
0x209: {  	[tilespmem:s18+$0x1B0] =	vst v8;
	v8 =	vmul.f32 v10, v2;
	v10 =	vld [tilespmem:s19+$0xFFFFFE10]  }
0x20a: {  	[tilespmem:s18+$0x1C0] =	vst v7;
	v7 =	vmul.f32 v12, v2;
	v12 =	vld [tilespmem:s19+$0xFFFFFE20]  }
0x20b: {  	[tilespmem:s18+$0x1D0] =	vst v8;
	v8 =	vld [tilespmem:s19+$0xFFFFFE30]  }
0x20c: {  	v6 =	vld.idx.msk [tilespmem:v16+s6+$0x0], $0xffff  }
0x20d: {  	v2 =	vmul.f32 v17, v2;
	v5 =	vld.idx.msk [tilespmem:v15+s6+$0x0], $0xffff  }
0x20e: {  	[tilespmem:s18+$0x1E0] =	vst v7;
	v7 =	vld [tilespmem:s19+$0xFFFFFE40]  }
0x20f: {  	[tilespmem:s18+$0x1F0] =	vst v2;
	v2 =	vmul.f32 v9, v19;
	v4 =	vld.idx.msk [tilespmem:v4+s6+$0x0], $0xffff  }
0x210: {  	v9 =	vld [tilespmem:s19+$0xFFFFFE50];
	v10 =	vmul.f32 v10, v19  }
0x211: {  	v15 =	vld [tilespmem:s19+$0xFFFFFE60];
	[tilespmem:s19+$0xFFFFFE00] =	vst v2;
	v2 =	vmul.f32 v12, v19  }
0x212: {  	v12 =	vld [tilespmem:s19+$0xFFFFFE70];
	[tilespmem:s19+$0xFFFFFE10] =	vst v10;
	v8 =	vmul.f32 v8, v19  }
0x213: {  	v10 =	vld [tilespmem:s19+$0xFFFFFE80];
	[tilespmem:s19+$0xFFFFFE20] =	vst v2;
	v2 =	vmul.f32 v7, v19  }
0x214: {  	v7 =	vld [tilespmem:s19+$0xFFFFFE90];
	[tilespmem:s19+$0xFFFFFE30] =	vst v8;
	v14 =	vmul.f32 v14, v4  }
0x215: {  	v8 =	vmul.f32 v9, v19;
	v9 =	vld [tilespmem:s19+$0xFFFFFEA0];
	[tilespmem:s19+$0xFFFFFE40] =	vst v2  }
0x216: {  	v2 =	vmul.f32 v15, v19;
	[tilespmem:s19+$0x170] =	vst v14;
	v14 =	vld [tilespmem:s19+$0xFFFFFEB0]  }
0x217: {  	[tilespmem:s19+$0xFFFFFE50] =	vst v8;
	v8 =	vmul.f32 v12, v19;
	v12 =	vld [tilespmem:s19+$0xFFFFFEC0]  }
0x218: {  	[tilespmem:s19+$0xFFFFFE60] =	vst v2;
	v2 =	vmul.f32 v10, v18;
	v10 =	vld [tilespmem:s19+$0xFFFFFED0]  }
0x219: {  	[tilespmem:s19+$0xFFFFFE70] =	vst v8;
	v7 =	vmul.f32 v7, v18;
	v8 =	vld [tilespmem:s19+$0xFFFFFEE0]  }
0x21a: {  	[tilespmem:s19+$0xFFFFFE80] =	vst v2;
	v2 =	vmul.f32 v9, v18;
	v9 =	vld [tilespmem:s19+$0xFFFFFEF0]  }
0x21b: {  	[tilespmem:s19+$0xFFFFFE90] =	vst v7;
	v7 =	vmul.f32 v14, v18;
	v14 =	vld [tilespmem:s19+$0xFFFFFF00]  }
0x21c: {  	[tilespmem:s19+$0xFFFFFEA0] =	vst v2;
	v2 =	vmul.f32 v12, v18;
	v12 =	vld [tilespmem:s19+$0xFFFFFF10]  }
0x21d: {  	[tilespmem:s19+$0xFFFFFEB0] =	vst v7;
	v7 =	vmul.f32 v10, v18;
	v10 =	vld [tilespmem:s19+$0xFFFFFF20]  }
0x21e: {  	[tilespmem:s19+$0xFFFFFEC0] =	vst v2;
	v2 =	vmul.f32 v8, v18;
	v8 =	vld [tilespmem:s19+$0xFFFFFF30]  }
0x21f: {  	[tilespmem:s19+$0xFFFFFED0] =	vst v7;
	v7 =	vmul.f32 v9, v18;
	v9 =	vld [tilespmem:s19+$0xFFFFFF40]  }
0x220: {  	[tilespmem:s19+$0xFFFFFEE0] =	vst v2;
	v2 =	vmul.f32 v14, v11;
	v14 =	vld [tilespmem:s19+$0xFFFFFF50]  }
0x221: {  	[tilespmem:s19+$0xFFFFFEF0] =	vst v7;
	v7 =	vmul.f32 v12, v11;
	v12 =	vld [tilespmem:s19+$0xFFFFFF60]  }
0x222: {  	[tilespmem:s19+$0xFFFFFF00] =	vst v2;
	v2 =	vmul.f32 v10, v11;
	v10 =	vld [tilespmem:s19+$0xFFFFFF70]  }
0x223: {  	[tilespmem:s19+$0xFFFFFF10] =	vst v7;
	v7 =	vmul.f32 v8, v11;
	v8 =	vld [tilespmem:s19+$0xFFFFFF80]  }
0x224: {  	[tilespmem:s19+$0xFFFFFF20] =	vst v2;
	v2 =	vmul.f32 v9, v11;
	v9 =	vld [tilespmem:s19+$0xFFFFFF90]  }
0x225: {  	[tilespmem:s19+$0xFFFFFF30] =	vst v7;
	v7 =	vmul.f32 v14, v11;
	v14 =	vld [tilespmem:s19+$0xFFFFFFA0]  }
0x226: {  	[tilespmem:s19+$0xFFFFFF40] =	vst v2;
	v2 =	vmul.f32 v12, v11;
	v12 =	vld [tilespmem:s19+$0xFFFFFFB0]  }
0x227: {  	[tilespmem:s19+$0xFFFFFF50] =	vst v7;
	v7 =	vmul.f32 v10, v11;
	v10 =	vld [tilespmem:s19+$0xFFFFFFC0]  }
0x228: {  	[tilespmem:s19+$0xFFFFFF60] =	vst v2;
	v2 =	vmul.f32 v8, v13;
	v8 =	vld [tilespmem:s19+$0xFFFFFFD0]  }
0x229: {  	[tilespmem:s19+$0xFFFFFF70] =	vst v7;
	v7 =	vmul.f32 v9, v13;
	v9 =	vld [tilespmem:s19+$0xFFFFFFE0]  }
0x22a: {  	v11 =	vld [tilespmem:s19+$0xFFFFFFF0];
	[tilespmem:s19+$0xFFFFFF80] =	vst v2;
	v2 =	vmul.f32 v14, v13  }
0x22b: {  	[tilespmem:s19+$0xFFFFFF90] =	vst v7;
	v7 =	vmul.f32 v12, v13;
	v12 =	vld [tilespmem:s19+$0x0]  }
0x22c: {  	[tilespmem:s19+$0xFFFFFFA0] =	vst v2;
	v2 =	vmul.f32 v10, v13;
	v10 =	vld [tilespmem:s19+$0x10]  }
0x22d: {  	[tilespmem:s19+$0xFFFFFFB0] =	vst v7;
	v7 =	vmul.f32 v8, v13;
	v8 =	vld [tilespmem:s19+$0x20]  }
0x22e: {  	[tilespmem:s19+$0xFFFFFFC0] =	vst v2;
	v2 =	vmul.f32 v9, v13;
	v9 =	vld [tilespmem:s19+$0x30]  }
0x22f: {  	[tilespmem:s19+$0xFFFFFFD0] =	vst v7;
	v7 =	vmul.f32 v11, v13;
	v11 =	vld [tilespmem:s19+$0x40]  }
0x230: {  	[tilespmem:s19+$0xFFFFFFE0] =	vst v2;
	v2 =	vmul.f32 v12, v6;
	v12 =	vld [tilespmem:s19+$0x50]  }
0x231: {  	[tilespmem:s19+$0xFFFFFFF0] =	vst v7;
	v7 =	vmul.f32 v10, v6;
	v10 =	vld [tilespmem:s19+$0x60]  }
0x232: {  	[tilespmem:s19+$0x0] =	vst v2;
	v2 =	vmul.f32 v8, v6;
	v8 =	vld [tilespmem:s19+$0x70]  }
0x233: {  	[tilespmem:s19+$0x10] =	vst v7;
	v7 =	vmul.f32 v9, v6;
	v9 =	vld [tilespmem:s19+$0x80]  }
0x234: {  	[tilespmem:s19+$0x20] =	vst v2;
	v2 =	vmul.f32 v11, v6;
	v11 =	vld [tilespmem:s19+$0x90]  }
0x235: {  	[tilespmem:s19+$0x30] =	vst v7;
	v7 =	vmul.f32 v12, v6;
	v12 =	vld [tilespmem:s19+$0xA0]  }
0x236: {  	[tilespmem:s19+$0x40] =	vst v2;
	v2 =	vmul.f32 v10, v6;
	v10 =	vld [tilespmem:s19+$0xB0]  }
0x237: {  	[tilespmem:s19+$0x50] =	vst v7;
	v6 =	vmul.f32 v8, v6;
	v7 =	vld [tilespmem:s19+$0xC0]  }
0x238: {  	v8 =	vld [tilespmem:s19+$0xD0];
	[tilespmem:s19+$0x60] =	vst v2;
	v2 =	vmul.f32 v9, v5  }
0x239: {  	v9 =	vld [tilespmem:s19+$0xE0];
	[tilespmem:s19+$0x70] =	vst v6;
	v6 =	vmul.f32 v11, v5  }
0x23a: {  	v11 =	vld [tilespmem:s19+$0xF0];
	[tilespmem:s19+$0x80] =	vst v2;
	v2 =	vmul.f32 v12, v5  }
0x23b: {  	[tilespmem:s19+$0x90] =	vst v6;
	v6 =	vmul.f32 v10, v5;
	v10 =	vld [tilespmem:s19+$0x100]  }
0x23c: {  	[tilespmem:s19+$0xA0] =	vst v2;
	v2 =	vmul.f32 v7, v5;
	v7 =	vld [tilespmem:s19+$0x110]  }
0x23d: {  	[tilespmem:s19+$0xB0] =	vst v6;
	v6 =	vmul.f32 v8, v5;
	v8 =	vld [tilespmem:s19+$0x120]  }
0x23e: {  	[tilespmem:s19+$0xC0] =	vst v2;
	v2 =	vmul.f32 v9, v5;
	v9 =	vld [tilespmem:s19+$0x130]  }
0x23f: {  	v5 =	vmul.f32 v11, v5;
	[tilespmem:s19+$0xD0] =	vst v6;
	v6 =	vld [tilespmem:s19+$0x140]  }
0x240: {  	[tilespmem:s19+$0xE0] =	vst v2;
	v2 =	vmul.f32 v10, v4;
	v10 =	vld [tilespmem:s19+$0x150]  }
0x241: {  	[tilespmem:s19+$0xF0] =	vst v5;
	v5 =	vmul.f32 v7, v4;
	v7 =	vld [tilespmem:s19+$0x160]  }
0x242: {  	[tilespmem:s19+$0x100] =	vst v2;
	v2 =	vmul.f32 v8, v4;
	v8 =	vld [tilespmem:s19+$0x180]  }
0x243: {  	[tilespmem:s19+$0x110] =	vst v5;
	v5 =	vmul.f32 v9, v4;
	v9 =	vld [tilespmem:s19+$0x190]  }
0x244: {  	[tilespmem:s19+$0x120] =	vst v2;
	v2 =	vmul.f32 v6, v4;
	v6 =	vld [tilespmem:s19+$0x1A0]  }
0x245: {  	[tilespmem:s19+$0x130] =	vst v5;
	v5 =	vmul.f32 v10, v4;
	v10 =	vld [tilespmem:s19+$0x1B0]  }
0x246: {  	[tilespmem:s19+$0x140] =	vst v2;
	v2 =	vmul.f32 v7, v4;
	v4 =	vld [tilespmem:s19+$0x1C0]  }
0x247: {  	v7 =	vld [tilespmem:s19+$0x1D0];
	[tilespmem:s19+$0x150] =	vst v5;
	v5 =	vmul.f32 v8, v3  }
0x248: {  	v8 =	vld [tilespmem:s19+$0x1E0];
	[tilespmem:s19+$0x160] =	vst v2;
	v2 =	vmul.f32 v9, v3  }
0x249: {  	[tilespmem:s19+$0x180] =	vst v5;
	v5 =	vmul.f32 v6, v3;
	v6 =	vld [tilespmem:s19+$0x1F0]  }
0x24a: {  	[tilespmem:s19+$0x190] =	vst v2;
	v2 =	vmul.f32 v10, v3  }
0x24b: {  	[tilespmem:s19+$0x1A0] =	vst v5;
	v4 =	vmul.f32 v4, v3  }
0x24c: {  	[tilespmem:s19+$0x1B0] =	vst v2;
	v2 =	vmul.f32 v7, v3  }
0x24d: {  	[tilespmem:s19+$0x1C0] =	vst v4;
	v4 =	vmul.f32 v8, v3  }
0x24e: {  	[tilespmem:s19+$0x1D0] =	vst v2;
	v2 =	vmul.f32 v6, v3  }
0x24f: {  	[tilespmem:s19+$0x1E0] =	vst v4  }
0x250: {  	s11 =	sadd.s32 $0x400, s16;
	[tilespmem:s19+$0x1F0] =	vst v2  }
0x251: {  	[spmem:s5] =	stream.indirect.scatter.add.f32 [tilespmem:s23], [sflag:$0x3], $0x80, s11, s25, $0xb8;
	[tilespmem:$0x1FC00] =	vst v63  }
0x252: {  	s12 =	sor.u32 $0x90, s16;
	v2 =	vld [tilespmem:s17+$0x0]  }
0x253: {  	s18 =	sor.u32 $0xA0, s16;
	v3 =	vld [tilespmem:s12+$0x0]  }
0x254: {  	s19 =	sor.u32 $0xB0, s16;
	v4 =	vld [tilespmem:s18+$0x0]  }
0x255: {  	s22 =	sor.u32 $0xC0, s16;
	v5 =	vld [tilespmem:s19+$0x0]  }
0x256: {  	s11 =	sor.u32 $0xD0, s16;
	v6 =	vld [tilespmem:s22+$0x0]  }
0x257: {  	v7 =	vld [tilespmem:s11+$0x0]  }
0x258: {  	s12 =	sor.u32 $0xE0, s16;
	v10 =	vld [tilespmem:s17+$0x800]  }
0x259: {  	s18 =	sor.u32 $0xF0, s16;
	v8 =	vld [tilespmem:s12+$0x0]  }
0x25a: {  	v9 =	vld [tilespmem:s18+$0x0]  }
0x25b: {  	v2 =	vld.idx.msk [tilespmem:v2+s31+$0x0], $0xffff  }
0x25c: {  	v3 =	vld.idx.msk [tilespmem:v3+s31+$0x0], $0xffff  }
0x25d: {  	v4 =	vld.idx.msk [tilespmem:v4+s31+$0x0], $0xffff  }
0x25e: {  	v5 =	vld.idx.msk [tilespmem:v5+s31+$0x0], $0xffff  }
0x25f: {  	v6 =	vld.idx.msk [tilespmem:v6+s31+$0x0], $0xffff  }
0x260: {  	v7 =	vld.idx.msk [tilespmem:v7+s31+$0x0], $0xffff;
	v2 =	vmul.f32 v10, v2  }
0x261: {  	v8 =	vld.idx.msk [tilespmem:v8+s31+$0x0], $0xffff  }
0x262: {  	v9 =	vld.idx.msk [tilespmem:v9+s31+$0x0], $0xffff;
	[tilespmem:$0x3900] =	vst v2  }
0x263: {  	v2 =	vld [tilespmem:s16+$0x890];
	_ =	sdelay $0x4  }
0x264: {  	v2 =	vmul.f32 v2, v3;
	_ =	sdelay $0x1  }
0x265: {  	[tilespmem:$0x3910] =	vst v2  }
0x266: {  	v2 =	vld [tilespmem:s16+$0x8A0];
	_ =	sdelay $0x4  }
0x267: {  	v2 =	vmul.f32 v2, v4;
	_ =	sdelay $0x1  }
0x268: {  	[tilespmem:$0x3920] =	vst v2  }
0x269: {  	v2 =	vld [tilespmem:s16+$0x8B0];
	_ =	sdelay $0x4  }
0x26a: {  	v2 =	vmul.f32 v2, v5;
	_ =	sdelay $0x1  }
0x26b: {  	[tilespmem:$0x3930] =	vst v2  }
0x26c: {  	v2 =	vld [tilespmem:s16+$0x8C0];
	_ =	sdelay $0x4  }
0x26d: {  	v2 =	vmul.f32 v2, v6;
	_ =	sdelay $0x1  }
0x26e: {  	[tilespmem:$0x3940] =	vst v2  }
0x26f: {  	v2 =	vld [tilespmem:s16+$0x8D0];
	_ =	sdelay $0x4  }
0x270: {  	v2 =	vmul.f32 v2, v7;
	_ =	sdelay $0x1  }
0x271: {  	[tilespmem:$0x3950] =	vst v2  }
0x272: {  	v2 =	vld [tilespmem:s16+$0x8E0];
	_ =	sdelay $0x4  }
0x273: {  	v2 =	vmul.f32 v2, v8;
	_ =	sdelay $0x1  }
0x274: {  	[tilespmem:$0x3960] =	vst v2  }
0x275: {  	v2 =	vld [tilespmem:s16+$0x8F0];
	_ =	sdelay $0x1  }
0x276: {  	s19 =	simm.s32 $0x0  }
0x277: {  	s22 =	simm.s32 $0x6;
	v3 =	vmov s19  }
0x278: {  	v3 =	vand.u32 $0xFFFFFFF8, v3;
	v4 =	vmov s22  }
0x279: {  	v3 =	vbroadcast v3, $0x0;
	v4 =	vand.u32 $0xFFFFFFFE, v4;
	v2 =	vmul.f32 v2, v9  }
0x27a: {  	v4 =	vbroadcast v4, $0x0  }
0x27b: {  	[tilespmem:$0x3970] =	vst v2  }
0x27c: {  	_ =	swait.ge [sflag:s26], $0x4000  }
0x27d: {  	[sflag:s26] =	ssyncset.done $0x0  }
0x27e: {  	[sflag:s26] =	ssyncadd.s32 $0xFFFFC000  }
0x27f: {  	v2 =	vld.idx.msk [tilespmem:v3+s6+$0x0], $0xffff  }
0x280: {  	s18 =	simm.s32 $0x7B80;
	v3 =	vld.idx.msk [tilespmem:v4+s6+$0x0], $0xffff  }
0x281: {  	v5 =	vld [tilespmem:s18+$0x170]  }
0x282: {  	v6 =	vld [tilespmem:s18+$0xFFFFFE00]  }
0x283: {  	v7 =	vld [tilespmem:s18+$0xFFFFFE10]  }
0x284: {  	v8 =	vld [tilespmem:s18+$0xFFFFFE20]  }
0x285: {  	v9 =	vld [tilespmem:s18+$0xFFFFFE30]  }
0x286: {  	s11 =	simm.s32 $0x1;
	v10 =	vld [tilespmem:s18+$0xFFFFFE40]  }
0x287: {  	v4 =	vmov s11;
	v11 =	vld [tilespmem:s18+$0xFFFFFE50]  }
0x288: {  	v12 =	vld [tilespmem:s18+$0xFFFFFE60];
	v4 =	vand.u32 $0xFFFFFFF9, v4  }
0x289: {  	v13 =	vld [tilespmem:s18+$0xFFFFFE70];
	v4 =	vbroadcast v4, $0x0  }
0x28a: {  	v14 =	vld [tilespmem:s18+$0xFFFFFE80]  }
0x28b: {  	v15 =	vld [tilespmem:s18+$0xFFFFFE90];
	v6 =	vmul.f32 v6, v2  }
0x28c: {  	v16 =	vld [tilespmem:s18+$0xFFFFFEA0];
	v5 =	vmul.f32 v5, v3  }
0x28d: {  	v17 =	vld [tilespmem:s18+$0xFFFFFEB0];
	v7 =	vmul.f32 v7, v2;
	[tilespmem:s18+$0xFFFFFE00] =	vst v6  }
0x28e: {  	s12 =	simm.s32 $0x2;
	v9 =	vmul.f32 v9, v2;
	[tilespmem:s18+$0x170] =	vst v5;
	v5 =	vmul.f32 v8, v2;
	v8 =	vld [tilespmem:s18+$0xFFFFFEC0]  }
0x28f: {  	v10 =	vmul.f32 v10, v2;
	v6 =	vmov s12;
	[tilespmem:s18+$0xFFFFFE10] =	vst v7;
	v4 =	vld.idx.msk [tilespmem:v4+s6+$0x0], $0xffff  }
0x290: {  	[tilespmem:s18+$0xFFFFFE30] =	vst v9;
	v9 =	vmul.f32 v11, v2;
	v11 =	vld [tilespmem:s18+$0xFFFFFEF0];
	v6 =	vand.u32 $0xFFFFFFFA, v6  }
0x291: {  	[tilespmem:s18+$0xFFFFFE40] =	vst v10;
	v10 =	vmul.f32 v12, v2;
	v12 =	vld [tilespmem:s18+$0xFFFFFF00];
	v6 =	vbroadcast v6, $0x0  }
0x292: {  	v2 =	vmul.f32 v13, v2;
	v13 =	vld [tilespmem:s18+$0xFFFFFF20];
	[tilespmem:s18+$0xFFFFFE20] =	vst v5  }
0x293: {  	v5 =	vld [tilespmem:s18+$0xFFFFFEE0];
	[tilespmem:s18+$0xFFFFFE50] =	vst v9  }
0x294: {  	v9 =	vld [tilespmem:s18+$0xFFFFFF10];
	[tilespmem:s18+$0xFFFFFE60] =	vst v10;
	v7 =	vmul.f32 v14, v4  }
0x295: {  	[tilespmem:s18+$0xFFFFFE70] =	vst v2;
	v14 =	vld [tilespmem:s18+$0xFFFFFED0];
	v10 =	vmul.f32 v15, v4  }
0x296: {  	s19 =	simm.s32 $0x3;
	v2 =	vmul.f32 v16, v4;
	v15 =	vld [tilespmem:s18+$0xFFFFFF30];
	[tilespmem:s18+$0xFFFFFE80] =	vst v7  }
0x297: {  	v8 =	vmul.f32 v8, v4;
	v6 =	vld.idx.msk [tilespmem:v6+s6+$0x0], $0xffff;
	v7 =	vmov s19;
	[tilespmem:s18+$0xFFFFFE90] =	vst v10  }
0x298: {  	v16 =	vld [tilespmem:s18+$0xFFFFFF40];
	v10 =	vmul.f32 v17, v4;
	[tilespmem:s18+$0xFFFFFEA0] =	vst v2;
	v7 =	vand.u32 $0xFFFFFFFB, v7  }
0x299: {  	v5 =	vmul.f32 v5, v4;
	[tilespmem:s18+$0xFFFFFEC0] =	vst v8;
	v8 =	vld [tilespmem:s18+$0xFFFFFF70];
	v7 =	vbroadcast v7, $0x0  }
0x29a: {  	[tilespmem:s18+$0xFFFFFEB0] =	vst v10;
	v10 =	vld [tilespmem:s18+$0xFFFFFF60];
	v14 =	vmul.f32 v14, v4  }
0x29b: {  	[tilespmem:s18+$0xFFFFFEE0] =	vst v5;
	v4 =	vmul.f32 v11, v4;
	v11 =	vld [tilespmem:s18+$0xFFFFFF80]  }
0x29c: {  	v2 =	vmul.f32 v12, v6;
	v12 =	vld [tilespmem:s18+$0xFFFFFF50];
	[tilespmem:s18+$0xFFFFFED0] =	vst v14  }
0x29d: {  	v5 =	vmul.f32 v9, v6;
	v9 =	vld [tilespmem:s18+$0xFFFFFF90];
	[tilespmem:s18+$0xFFFFFEF0] =	vst v4  }
0x29e: {  	s22 =	simm.s32 $0x4;
	v4 =	vmul.f32 v13, v6;
	v13 =	vld [tilespmem:s18+$0xFFFFFFA0];
	[tilespmem:s18+$0xFFFFFF00] =	vst v2  }
0x29f: {  	v2 =	vmov s22;
	[tilespmem:s18+$0xFFFFFF10] =	vst v5;
	v5 =	vmul.f32 v15, v6;
	v7 =	vld.idx.msk [tilespmem:v7+s6+$0x0], $0xffff  }
0x2a0: {  	v14 =	vld [tilespmem:s18+$0xFFFFFFB0];
	[tilespmem:s18+$0xFFFFFF20] =	vst v4;
	v4 =	vmul.f32 v16, v6;
	v2 =	vand.u32 $0xFFFFFFFC, v2  }
0x2a1: {  	v15 =	vld [tilespmem:s18+$0xFFFFFFC0];
	v10 =	vmul.f32 v10, v6;
	v2 =	vbroadcast v2, $0x0;
	[tilespmem:s18+$0xFFFFFF30] =	vst v5  }
0x2a2: {  	[tilespmem:s18+$0xFFFFFF40] =	vst v4;
	v4 =	vld [tilespmem:s18+$0xFFFFFFE0];
	v12 =	vmul.f32 v12, v6  }
0x2a3: {  	[tilespmem:s18+$0xFFFFFF60] =	vst v10;
	v10 =	vld [tilespmem:s18+$0x0];
	v6 =	vmul.f32 v8, v6  }
0x2a4: {  	v8 =	vld [tilespmem:s18+$0xFFFFFFF0];
	[tilespmem:s18+$0xFFFFFF50] =	vst v12;
	v5 =	vmul.f32 v11, v7  }
0x2a5: {  	[tilespmem:s18+$0xFFFFFF70] =	vst v6;
	v11 =	vld [tilespmem:s18+$0xFFFFFFD0];
	v9 =	vmul.f32 v9, v7  }
0x2a6: {  	v12 =	vld [tilespmem:s18+$0x10];
	v6 =	vmul.f32 v13, v7;
	[tilespmem:s18+$0xFFFFFF80] =	vst v5  }
0x2a7: {  	s11 =	simm.s32 $0x5;
	v4 =	vmul.f32 v4, v7;
	v2 =	vld.idx.msk [tilespmem:v2+s6+$0x0], $0xffff;
	[tilespmem:s18+$0xFFFFFF90] =	vst v9  }
0x2a8: {  	v13 =	vld [tilespmem:s18+$0x20];
	v5 =	vmov s11;
	v9 =	vmul.f32 v14, v7;
	[tilespmem:s18+$0xFFFFFFA0] =	vst v6  }
0x2a9: {  	v6 =	vmul.f32 v15, v7;
	v14 =	vld [tilespmem:s18+$0x30];
	v5 =	vand.u32 $0xFFFFFFFD, v5;
	[tilespmem:s18+$0xFFFFFFE0] =	vst v4  }
0x2aa: {  	v5 =	vbroadcast v5, $0x0;
	[tilespmem:s18+$0xFFFFFFB0] =	vst v9;
	v9 =	vmul.f32 v11, v7;
	v11 =	vld [tilespmem:s18+$0x40]  }
0x2ab: {  	[tilespmem:s18+$0xFFFFFFC0] =	vst v6;
	v7 =	vmul.f32 v8, v7;
	v8 =	vld [tilespmem:s18+$0x80]  }
0x2ac: {  	v6 =	vmul.f32 v10, v2;
	v10 =	vld [tilespmem:s18+$0x50];
	[tilespmem:s18+$0xFFFFFFD0] =	vst v9  }
0x2ad: {  	v9 =	vld [tilespmem:s18+$0x60];
	v4 =	vmul.f32 v12, v2;
	[tilespmem:s18+$0xFFFFFFF0] =	vst v7  }
0x2ae: {  	v7 =	vmul.f32 v13, v2;
	v12 =	vld [tilespmem:s18+$0x90];
	[tilespmem:s18+$0x0] =	vst v6  }
0x2af: {  	v6 =	vld [tilespmem:s18+$0x70];
	[tilespmem:s18+$0x10] =	vst v4;
	v4 =	vmul.f32 v14, v2  }
0x2b0: {  	[tilespmem:s18+$0x20] =	vst v7;
	v5 =	vld.idx.msk [tilespmem:v5+s6+$0x0], $0xffff;
	v7 =	vmul.f32 v11, v2  }
0x2b1: {  	v11 =	vld [tilespmem:s18+$0xA0];
	[tilespmem:s18+$0x30] =	vst v4  }
0x2b2: {  	v4 =	vmul.f32 v10, v2;
	v10 =	vld [tilespmem:s18+$0xB0];
	[tilespmem:s18+$0x40] =	vst v7;
	v7 =	vmul.f32 v9, v2  }
0x2b3: {  	v9 =	vld [tilespmem:s18+$0xC0]  }
0x2b4: {  	v6 =	vmul.f32 v6, v2;
	[tilespmem:s18+$0x60] =	vst v7;
	v7 =	vld [tilespmem:s18+$0xE0]  }
0x2b5: {  	[tilespmem:s18+$0x50] =	vst v4;
	v4 =	vmul.f32 v8, v5;
	v8 =	vld [tilespmem:s18+$0xD0]  }
0x2b6: {  	v12 =	vmul.f32 v12, v5;
	[tilespmem:s18+$0x70] =	vst v6;
	v6 =	vld [tilespmem:s18+$0xF0]  }
0x2b7: {  	[tilespmem:s18+$0x80] =	vst v4;
	v4 =	vmul.f32 v11, v5;
	v11 =	vld [tilespmem:s18+$0x100]  }
0x2b8: {  	[tilespmem:s18+$0x90] =	vst v12;
	v10 =	vmul.f32 v10, v5;
	v12 =	vld [tilespmem:s18+$0x150]  }
0x2b9: {  	s12 =	simm.s32 $0x7;
	[tilespmem:s18+$0xA0] =	vst v4;
	v4 =	vmul.f32 v9, v5;
	v9 =	vld [tilespmem:s18+$0x110]  }
0x2ba: {  	v15 =	vld [tilespmem:s18+$0x180];
	v13 =	vmov s12;
	[tilespmem:s18+$0xB0] =	vst v10;
	v8 =	vmul.f32 v8, v5  }
0x2bb: {  	v10 =	vld [tilespmem:s18+$0x120];
	[tilespmem:s18+$0xC0] =	vst v4;
	v4 =	vmul.f32 v7, v5  }
0x2bc: {  	s12 =	simm.s32 $0xA;
	v7 =	vld [tilespmem:s18+$0x130];
	v5 =	vmul.f32 v6, v5;
	[tilespmem:s18+$0xD0] =	vst v8  }
0x2bd: {  	s19 =	simm.s32 $0x8;
	v14 =	vmov s12;
	v6 =	vld [tilespmem:s18+$0x140];
	v11 =	vmul.f32 v11, v3;
	[tilespmem:s18+$0xE0] =	vst v4  }
0x2be: {  	s22 =	simm.s32 $0xF;
	s11 =	simm.s32 $0x9;
	v8 =	vmov s19;
	v12 =	vmul.f32 v12, v3;
	[tilespmem:s18+$0xF0] =	vst v5;
	v5 =	vmul.f32 v9, v3;
	v9 =	vld [tilespmem:s18+$0x160]  }
0x2bf: {  	s12 =	simm.s32 $0xB;
	v2 =	vld.idx.msk [tilespmem:v13+s6+$0x0], $0xffff;
	v13 =	vmov s11;
	s19 =	simm.s32 $0xC;
	v8 =	vand.u32 $0xFFFFFFF8, v8;
	v4 =	vmov s22;
	[tilespmem:s18+$0x100] =	vst v11  }
0x2c0: {  	v18 =	vld [tilespmem:s18+$0x190];
	v16 =	vmov s19;
	s22 =	simm.s32 $0xD;
	v10 =	vmul.f32 v10, v3;
	v11 =	vmov s12;
	[tilespmem:s18+$0x150] =	vst v12  }
0x2c1: {  	v19 =	vmov s22;
	[tilespmem:s18+$0x110] =	vst v5;
	v17 =	vmul.f32 v7, v3;
	v5 =	vbroadcast v8, $0x0;
	v7 =	vld [tilespmem:s18+$0x1A0]  }
0x2c2: {  	[tilespmem:s18+$0x120] =	vst v10;
	v10 =	vmul.f32 v6, v3;
	v6 =	vand.u32 $0xFFFFFFF9, v13;
	v13 =	vand.u32 $0xFFFFFFFA, v14;
	v8 =	vld [tilespmem:s18+$0x1B0]  }
0x2c3: {  	v14 =	vand.u32 $0xFFFFFFFB, v11;
	v6 =	vbroadcast v6, $0x0;
	[tilespmem:s18+$0x130] =	vst v17;
	v17 =	vmul.f32 v9, v3;
	v9 =	vld [tilespmem:s18+$0x1C0]  }
0x2c4: {  	v11 =	vbroadcast v13, $0x0;
	[tilespmem:s18+$0x140] =	vst v10;
	v10 =	vld [tilespmem:s18+$0x1D0];
	v3 =	vand.u32 $0xFFFFFFFC, v16;
	v16 =	vmul.f32 v15, v2  }
0x2c5: {  	s4 =	simm.s32 $0xE;
	s19 =	simm.s32 $0x10;
	v12 =	vld [tilespmem:s18+$0x1E0];
	v13 =	vbroadcast v14, $0x0;
	v14 =	vmul.f32 v18, v2;
	v15 =	vand.u32 $0xFFFFFFFD, v19;
	[tilespmem:s18+$0x160] =	vst v17  }
.LBB2_10:
0x2c6: {  	p1 =	slt.u32 s19, $0x78;
	v3 =	vbroadcast v3, $0x0;
	v17 =	vmov s4;
	[tilespmem:s18+$0x180] =	vst v16;
	v7 =	vmul.f32 v7, v2;
	v16 =	vld [tilespmem:s18+$0x1F0]  }
0x2c7: {  	v15 =	vbroadcast v15, $0x0;
	v17 =	vand.u32 $0xFFFFFFFE, v17;
	v18 =	vld.idx.msk [tilespmem:v4+s6+$0x0], $0xffff;
	[tilespmem:s18+$0x190] =	vst v14;
	v4 =	vmul.f32 v8, v2  }
0x2c8: {  	v8 =	vld.idx.msk [tilespmem:v5+s6+$0x0], $0xffff;
	v14 =	vbroadcast v17, $0x0;
	[tilespmem:s18+$0x1A0] =	vst v7;
	v5 =	vmul.f32 v9, v2  }
0x2c9: {  	v7 =	vld.idx.msk [tilespmem:v6+s6+$0x0], $0xffff;
	[tilespmem:s18+$0x1B0] =	vst v4;
	v4 =	vmul.f32 v10, v2  }
0x2ca: {  	v9 =	vld.idx.msk [tilespmem:v11+s6+$0x0], $0xffff;
	[tilespmem:s18+$0x1C0] =	vst v5;
	v10 =	vmul.f32 v12, v2  }
0x2cb: {  	v6 =	vld.idx.msk [tilespmem:v13+s6+$0x0], $0xffff;
	[tilespmem:s18+$0x1D0] =	vst v4;
	v11 =	vmul.f32 v16, v2  }
0x2cc: {  	v5 =	vld.idx.msk [tilespmem:v3+s6+$0x0], $0xffff;
	[tilespmem:s18+$0x1E0] =	vst v10  }
0x2cd: {  	v2 =	vmov v18;
	v4 =	vld.idx.msk [tilespmem:v15+s6+$0x0], $0xffff;
	[tilespmem:s18+$0x1F0] =	vst v11  }
0x2ce: {  	s18 =	sadd.s32 $0x400, s18;
	v3 =	vld.idx.msk [tilespmem:v14+s6+$0x0], $0xffff  }
0x2cf: {  	v10 =	vld [tilespmem:s18+$0x170]  }
0x2d0: {  	v11 =	vld [tilespmem:s18+$0xFFFFFE00]  }
0x2d1: {  	v12 =	vld [tilespmem:s18+$0xFFFFFE10]  }
0x2d2: {  	v13 =	vld [tilespmem:s18+$0xFFFFFE20]  }
0x2d3: {  	v14 =	vld [tilespmem:s18+$0xFFFFFE30]  }
0x2d4: {  	v15 =	vld [tilespmem:s18+$0xFFFFFE40];
	v10 =	vmul.f32 v10, v3  }
0x2d5: {  	v11 =	vmul.f32 v11, v8;
	v16 =	vld [tilespmem:s18+$0xFFFFFE50]  }
0x2d6: {  	v12 =	vmul.f32 v12, v8;
	v17 =	vld [tilespmem:s18+$0xFFFFFE60];
	[tilespmem:s18+$0x170] =	vst v10  }
0x2d7: {  	[tilespmem:s18+$0xFFFFFE00] =	vst v11;
	v10 =	vmul.f32 v13, v8;
	v11 =	vld [tilespmem:s18+$0xFFFFFE70]  }
0x2d8: {  	[tilespmem:s18+$0xFFFFFE10] =	vst v12;
	v12 =	vmul.f32 v14, v8;
	v13 =	vld [tilespmem:s18+$0xFFFFFE80]  }
0x2d9: {  	[tilespmem:s18+$0xFFFFFE20] =	vst v10;
	v10 =	vmul.f32 v15, v8;
	v14 =	vld [tilespmem:s18+$0xFFFFFE90]  }
0x2da: {  	[tilespmem:s18+$0xFFFFFE30] =	vst v12;
	v12 =	vmul.f32 v16, v8;
	v15 =	vld [tilespmem:s18+$0xFFFFFEA0]  }
0x2db: {  	[tilespmem:s18+$0xFFFFFE40] =	vst v10;
	v10 =	vmul.f32 v17, v8;
	v16 =	vld [tilespmem:s18+$0xFFFFFEB0]  }
0x2dc: {  	[tilespmem:s18+$0xFFFFFE50] =	vst v12;
	v8 =	vmul.f32 v11, v8;
	v11 =	vld [tilespmem:s18+$0xFFFFFEC0]  }
0x2dd: {  	[tilespmem:s18+$0xFFFFFE60] =	vst v10;
	v10 =	vmul.f32 v13, v7;
	v12 =	vld [tilespmem:s18+$0xFFFFFED0]  }
0x2de: {  	[tilespmem:s18+$0xFFFFFE70] =	vst v8;
	v8 =	vmul.f32 v14, v7;
	v13 =	vld [tilespmem:s18+$0xFFFFFEE0]  }
0x2df: {  	[tilespmem:s18+$0xFFFFFE80] =	vst v10;
	v10 =	vmul.f32 v15, v7;
	v14 =	vld [tilespmem:s18+$0xFFFFFEF0]  }
0x2e0: {  	[tilespmem:s18+$0xFFFFFE90] =	vst v8;
	v8 =	vmul.f32 v16, v7;
	v15 =	vld [tilespmem:s18+$0xFFFFFF00]  }
0x2e1: {  	[tilespmem:s18+$0xFFFFFEA0] =	vst v10;
	v10 =	vmul.f32 v11, v7;
	v11 =	vld [tilespmem:s18+$0xFFFFFF10]  }
0x2e2: {  	[tilespmem:s18+$0xFFFFFEB0] =	vst v8;
	v8 =	vmul.f32 v12, v7;
	v12 =	vld [tilespmem:s18+$0xFFFFFF20]  }
0x2e3: {  	[tilespmem:s18+$0xFFFFFEC0] =	vst v10;
	v10 =	vmul.f32 v13, v7;
	v13 =	vld [tilespmem:s18+$0xFFFFFF30]  }
0x2e4: {  	[tilespmem:s18+$0xFFFFFED0] =	vst v8;
	v7 =	vmul.f32 v14, v7;
	v8 =	vld [tilespmem:s18+$0xFFFFFF40]  }
0x2e5: {  	[tilespmem:s18+$0xFFFFFEE0] =	vst v10;
	v10 =	vmul.f32 v15, v9;
	v14 =	vld [tilespmem:s18+$0xFFFFFF50]  }
0x2e6: {  	[tilespmem:s18+$0xFFFFFEF0] =	vst v7;
	v7 =	vmul.f32 v11, v9;
	v11 =	vld [tilespmem:s18+$0xFFFFFF60]  }
0x2e7: {  	[tilespmem:s18+$0xFFFFFF00] =	vst v10;
	v10 =	vmul.f32 v12, v9;
	v12 =	vld [tilespmem:s18+$0xFFFFFF70]  }
0x2e8: {  	[tilespmem:s18+$0xFFFFFF10] =	vst v7;
	v7 =	vmul.f32 v13, v9;
	v13 =	vld [tilespmem:s18+$0xFFFFFF80]  }
0x2e9: {  	[tilespmem:s18+$0xFFFFFF20] =	vst v10;
	v8 =	vmul.f32 v8, v9;
	v10 =	vld [tilespmem:s18+$0xFFFFFF90]  }
0x2ea: {  	[tilespmem:s18+$0xFFFFFF30] =	vst v7;
	v7 =	vmul.f32 v14, v9;
	v14 =	vld [tilespmem:s18+$0xFFFFFFA0]  }
0x2eb: {  	[tilespmem:s18+$0xFFFFFF40] =	vst v8;
	v8 =	vmul.f32 v11, v9;
	v11 =	vld [tilespmem:s18+$0xFFFFFFB0]  }
0x2ec: {  	[tilespmem:s18+$0xFFFFFF50] =	vst v7;
	v7 =	vmul.f32 v12, v9;
	v9 =	vld [tilespmem:s18+$0xFFFFFFC0]  }
0x2ed: {  	[tilespmem:s18+$0xFFFFFF60] =	vst v8;
	v8 =	vmul.f32 v13, v6;
	v12 =	vld [tilespmem:s18+$0xFFFFFFD0]  }
0x2ee: {  	[tilespmem:s18+$0xFFFFFF70] =	vst v7;
	v7 =	vmul.f32 v10, v6;
	v10 =	vld [tilespmem:s18+$0xFFFFFFE0]  }
0x2ef: {  	[tilespmem:s18+$0xFFFFFF80] =	vst v8;
	v8 =	vmul.f32 v14, v6;
	v13 =	vld [tilespmem:s18+$0xFFFFFFF0]  }
0x2f0: {  	[tilespmem:s18+$0xFFFFFF90] =	vst v7;
	v7 =	vmul.f32 v11, v6;
	v11 =	vld [tilespmem:s18+$0x0]  }
0x2f1: {  	[tilespmem:s18+$0xFFFFFFA0] =	vst v8;
	v8 =	vmul.f32 v9, v6;
	v9 =	vld [tilespmem:s18+$0x10]  }
0x2f2: {  	[tilespmem:s18+$0xFFFFFFB0] =	vst v7;
	v7 =	vmul.f32 v12, v6;
	v12 =	vld [tilespmem:s18+$0x20]  }
0x2f3: {  	[tilespmem:s18+$0xFFFFFFC0] =	vst v8;
	v8 =	vmul.f32 v10, v6;
	v10 =	vld [tilespmem:s18+$0x30]  }
0x2f4: {  	[tilespmem:s18+$0xFFFFFFD0] =	vst v7;
	v6 =	vmul.f32 v13, v6;
	v7 =	vld [tilespmem:s18+$0x40]  }
0x2f5: {  	[tilespmem:s18+$0xFFFFFFE0] =	vst v8;
	v8 =	vmul.f32 v11, v5;
	v11 =	vld [tilespmem:s18+$0x50]  }
0x2f6: {  	[tilespmem:s18+$0xFFFFFFF0] =	vst v6;
	v6 =	vmul.f32 v9, v5;
	v9 =	vld [tilespmem:s18+$0x60]  }
0x2f7: {  	[tilespmem:s18+$0x0] =	vst v8;
	v8 =	vmul.f32 v12, v5;
	v12 =	vld [tilespmem:s18+$0x70]  }
0x2f8: {  	[tilespmem:s18+$0x10] =	vst v6;
	v6 =	vmul.f32 v10, v5;
	v10 =	vld [tilespmem:s18+$0x80]  }
0x2f9: {  	[tilespmem:s18+$0x20] =	vst v8;
	v7 =	vmul.f32 v7, v5;
	v8 =	vld [tilespmem:s18+$0x90]  }
0x2fa: {  	[tilespmem:s18+$0x30] =	vst v6;
	v6 =	vmul.f32 v11, v5;
	v11 =	vld [tilespmem:s18+$0xA0]  }
0x2fb: {  	[tilespmem:s18+$0x40] =	vst v7;
	v7 =	vmul.f32 v9, v5;
	v9 =	vld [tilespmem:s18+$0xB0]  }
0x2fc: {  	[tilespmem:s18+$0x50] =	vst v6;
	v5 =	vmul.f32 v12, v5;
	v6 =	vld [tilespmem:s18+$0xC0]  }
0x2fd: {  	[tilespmem:s18+$0x60] =	vst v7;
	v7 =	vmul.f32 v10, v4;
	v10 =	vld [tilespmem:s18+$0xD0]  }
0x2fe: {  	[tilespmem:s18+$0x70] =	vst v5;
	v5 =	vmul.f32 v8, v4;
	v8 =	vld [tilespmem:s18+$0xE0]  }
0x2ff: {  	[tilespmem:s18+$0x80] =	vst v7;
	v7 =	vmul.f32 v11, v4;
	v11 =	vld [tilespmem:s18+$0xF0]  }
0x300: {  	[tilespmem:s18+$0x90] =	vst v5;
	v5 =	vmul.f32 v9, v4;
	v9 =	vld [tilespmem:s18+$0x100]  }
0x301: {  	[tilespmem:s18+$0xA0] =	vst v7;
	v6 =	vmul.f32 v6, v4;
	v7 =	vld [tilespmem:s18+$0x110]  }
0x302: {  	[tilespmem:s18+$0xB0] =	vst v5;
	v5 =	vmul.f32 v10, v4;
	v10 =	vld [tilespmem:s18+$0x120]  }
0x303: {  	[tilespmem:s18+$0xC0] =	vst v6;
	v6 =	vmul.f32 v8, v4;
	v8 =	vld [tilespmem:s18+$0x130]  }
0x304: {  	[tilespmem:s18+$0xD0] =	vst v5;
	v5 =	vmul.f32 v11, v4;
	v11 =	vld [tilespmem:s18+$0x140]  }
0x305: {  	s4 =	sadd.s32 $0x7, s19;
	v4 =	vmov s19;
	[tilespmem:s18+$0xE0] =	vst v6;
	v6 =	vmul.f32 v9, v3;
	v9 =	vld [tilespmem:s18+$0x150]  }
0x306: {  	s11 =	sadd.s32 $0x1, s19;
	s12 =	sadd.s32 $0x2, s19;
	v12 =	vand.u32 $0xFFFFFFF8, v4;
	v4 =	vmov s4;
	[tilespmem:s18+$0xF0] =	vst v5;
	v5 =	vmul.f32 v7, v3;
	v13 =	vld [tilespmem:s18+$0x160]  }
0x307: {  	v15 =	vmov s12;
	v14 =	vmov s11;
	s11 =	sadd.s32 $0x4, s19;
	s4 =	sadd.s32 $0x3, s19;
	[tilespmem:s18+$0x100] =	vst v6;
	v6 =	vmul.f32 v10, v3;
	v10 =	vld [tilespmem:s18+$0x180]  }
0x308: {  	v17 =	vmov s11;
	v16 =	vmov s4;
	s4 =	sadd.s32 $0x5, s19;
	[tilespmem:s18+$0x110] =	vst v5;
	v8 =	vmul.f32 v8, v3;
	v18 =	vld [tilespmem:s18+$0x190]  }
.Ltmp7:
0x309: {  	v5 =	vbroadcast v12, $0x0;
	v12 =	vmov s4;
	[tilespmem:s18+$0x120] =	vst v6;
	v11 =	vmul.f32 v11, v3;
	v7 =	vld [tilespmem:s18+$0x1A0];
	(pc) =	sbr.rel @p1 .LBB2_10-.Ltmp7, $4  }
0x30a: {  	v6 =	vand.u32 $0xFFFFFFF9, v14;
	v14 =	vand.u32 $0xFFFFFFFA, v15;
	[tilespmem:s18+$0x130] =	vst v8;
	v15 =	vmul.f32 v9, v3;
	v8 =	vld [tilespmem:s18+$0x1B0]  }
0x30b: {  	v19 =	vand.u32 $0xFFFFFFFB, v16;
	v6 =	vbroadcast v6, $0x0;
	[tilespmem:s18+$0x140] =	vst v11;
	v20 =	vmul.f32 v13, v3;
	v9 =	vld [tilespmem:s18+$0x1C0]  }
0x30c: {  	v11 =	vbroadcast v14, $0x0;
	v3 =	vand.u32 $0xFFFFFFFC, v17;
	[tilespmem:s18+$0x150] =	vst v15;
	v16 =	vmul.f32 v10, v2;
	v10 =	vld [tilespmem:s18+$0x1D0]  }
0x30d: {  	s4 =	sadd.s32 $0x6, s19;
	s19 =	sadd.s32 $0x8, s19;
	v13 =	vbroadcast v19, $0x0;
	v15 =	vand.u32 $0xFFFFFFFD, v12;
	[tilespmem:s18+$0x160] =	vst v20;
	v14 =	vmul.f32 v18, v2;
	v12 =	vld [tilespmem:s18+$0x1E0]  }
0x30e: {  	_ =	sdelay $0x2  }
0x30f: {  	v17 =	vld [tilespmem:s18+$0x1F0]  }
0x310: {  	v19 =	vld.idx.msk [tilespmem:v5+s6+$0x0], $0xffff  }
0x311: {  	v63 =	vld.idx.msk [tilespmem:v6+s6+$0x0], $0xffff  }
0x312: {  	v61 =	vbroadcast v3, $0x0;
	v3 =	vmov s4;
	v11 =	vld.idx.msk [tilespmem:v11+s6+$0x0], $0xffff  }
0x313: {  	v18 =	vand.u32 $0xFFFFFFFE, v3;
	v3 =	vld.idx.msk [tilespmem:v4+s6+$0x0], $0xffff  }
0x314: {  	s19 =	sadd.s32 $0x400, s18;
	v13 =	vld.idx.msk [tilespmem:v13+s6+$0x0], $0xffff  }
0x315: {  	v23 =	vld [tilespmem:s19+$0xFFFFFE00]  }
0x316: {  	v25 =	vld [tilespmem:s19+$0xFFFFFE10]  }
0x317: {  	[tilespmem:s18+$0x180] =	vst v16;
	v7 =	vmul.f32 v7, v2;
	v27 =	vld [tilespmem:s19+$0xFFFFFE20]  }
0x318: {  	[tilespmem:s18+$0x190] =	vst v14;
	v8 =	vmul.f32 v8, v2;
	v28 =	vld [tilespmem:s19+$0xFFFFFE30]  }
0x319: {  	v29 =	vld [tilespmem:s19+$0xFFFFFE40];
	[tilespmem:s18+$0x1A0] =	vst v7;
	v22 =	vmul.f32 v9, v2  }
0x31a: {  	v30 =	vld [tilespmem:s19+$0xFFFFFE50];
	[tilespmem:s18+$0x1B0] =	vst v8;
	v24 =	vmul.f32 v10, v2  }
0x31b: {  	v31 =	vld [tilespmem:s19+$0xFFFFFE60];
	[tilespmem:s18+$0x1C0] =	vst v22;
	v26 =	vmul.f32 v12, v2  }
0x31c: {  	v32 =	vld [tilespmem:s19+$0xFFFFFE70];
	[tilespmem:s18+$0x1D0] =	vst v24;
	v2 =	vmul.f32 v17, v2  }
0x31d: {  	v33 =	vld [tilespmem:s19+$0xFFFFFE80];
	[tilespmem:s18+$0x1E0] =	vst v26;
	v10 =	vmul.f32 v25, v19  }
0x31e: {  	v34 =	vld [tilespmem:s19+$0xFFFFFE90];
	[tilespmem:s18+$0x1F0] =	vst v2;
	v2 =	vmul.f32 v23, v19  }
0x31f: {  	v36 =	vld [tilespmem:s19+$0xFFFFFEA0];
	v8 =	vmul.f32 v28, v19;
	[tilespmem:s19+$0xFFFFFE10] =	vst v10  }
0x320: {  	v37 =	vld [tilespmem:s19+$0xFFFFFEB0];
	[tilespmem:s19+$0xFFFFFE00] =	vst v2;
	v2 =	vmul.f32 v27, v19  }
0x321: {  	v39 =	vld [tilespmem:s19+$0xFFFFFEC0];
	v35 =	vmul.f32 v30, v19;
	[tilespmem:s19+$0xFFFFFE30] =	vst v8  }
0x322: {  	v40 =	vld [tilespmem:s19+$0xFFFFFED0];
	[tilespmem:s19+$0xFFFFFE20] =	vst v2;
	v2 =	vmul.f32 v29, v19  }
0x323: {  	v41 =	vld [tilespmem:s19+$0xFFFFFEE0];
	v38 =	vmul.f32 v32, v19;
	[tilespmem:s19+$0xFFFFFE50] =	vst v35  }
0x324: {  	v42 =	vld [tilespmem:s19+$0xFFFFFEF0];
	[tilespmem:s19+$0xFFFFFE40] =	vst v2;
	v2 =	vmul.f32 v31, v19  }
0x325: {  	v44 =	vld [tilespmem:s19+$0xFFFFFF00];
	v7 =	vmul.f32 v34, v63;
	[tilespmem:s19+$0xFFFFFE70] =	vst v38  }
0x326: {  	v45 =	vld [tilespmem:s19+$0xFFFFFF10];
	[tilespmem:s19+$0xFFFFFE60] =	vst v2;
	v2 =	vmul.f32 v33, v63  }
0x327: {  	v47 =	vld [tilespmem:s19+$0xFFFFFF20];
	v43 =	vmul.f32 v37, v63;
	[tilespmem:s19+$0xFFFFFE90] =	vst v7  }
0x328: {  	v48 =	vld [tilespmem:s19+$0xFFFFFF30];
	[tilespmem:s19+$0xFFFFFE80] =	vst v2;
	v2 =	vmul.f32 v36, v63  }
0x329: {  	v50 =	vld [tilespmem:s19+$0xFFFFFF40];
	v46 =	vmul.f32 v40, v63;
	[tilespmem:s19+$0xFFFFFEB0] =	vst v43  }
0x32a: {  	v51 =	vld [tilespmem:s19+$0xFFFFFF50];
	[tilespmem:s19+$0xFFFFFEA0] =	vst v2;
	v2 =	vmul.f32 v39, v63  }
0x32b: {  	v53 =	vld [tilespmem:s19+$0xFFFFFF60];
	v49 =	vmul.f32 v42, v63;
	[tilespmem:s19+$0xFFFFFED0] =	vst v46  }
0x32c: {  	v54 =	vld [tilespmem:s19+$0xFFFFFF70];
	[tilespmem:s19+$0xFFFFFEC0] =	vst v2;
	v2 =	vmul.f32 v41, v63  }
0x32d: {  	v15 =	vbroadcast v15, $0x0;
	v56 =	vld [tilespmem:s19+$0xFFFFFF80];
	v52 =	vmul.f32 v45, v11;
	[tilespmem:s19+$0xFFFFFEF0] =	vst v49  }
0x32e: {  	v57 =	vld [tilespmem:s19+$0xFFFFFF90];
	v62 =	vbroadcast v18, $0x0;
	[tilespmem:s19+$0xFFFFFEE0] =	vst v2;
	v2 =	vmul.f32 v44, v11  }
0x32f: {  	v59 =	vld [tilespmem:s19+$0xFFFFFFA0];
	v55 =	vmul.f32 v48, v11;
	[tilespmem:s19+$0xFFFFFF10] =	vst v52  }
0x330: {  	v60 =	vld [tilespmem:s19+$0xFFFFFFB0];
	[tilespmem:s19+$0xFFFFFF00] =	vst v2;
	v2 =	vmul.f32 v47, v11  }
0x331: {  	v17 =	vld [tilespmem:s19+$0xFFFFFFF0];
	v58 =	vmul.f32 v51, v11;
	[tilespmem:s19+$0xFFFFFF30] =	vst v55  }
0x332: {  	v6 =	vld.idx.msk [tilespmem:v61+s6+$0x0], $0xffff;
	[tilespmem:s19+$0xFFFFFF20] =	vst v2;
	v2 =	vmul.f32 v50, v11  }
0x333: {  	v5 =	vld.idx.msk [tilespmem:v15+s6+$0x0], $0xffff;
	v61 =	vmul.f32 v54, v11;
	[tilespmem:s19+$0xFFFFFF50] =	vst v58  }
0x334: {  	v4 =	vld.idx.msk [tilespmem:v62+s6+$0x0], $0xffff;
	[tilespmem:s19+$0xFFFFFF40] =	vst v2;
	v2 =	vmul.f32 v53, v11  }
0x335: {  	v15 =	vmul.f32 v57, v13;
	v62 =	vld [tilespmem:s19+$0xFFFFFFC0];
	[tilespmem:s19+$0xFFFFFF70] =	vst v61  }
0x336: {  	v20 =	vld [tilespmem:s19+$0x10];
	[tilespmem:s19+$0xFFFFFF60] =	vst v2;
	v2 =	vmul.f32 v56, v13  }
0x337: {  	v16 =	vld [tilespmem:s19+$0xFFFFFFE0];
	v18 =	vmul.f32 v60, v13;
	[tilespmem:s19+$0xFFFFFF90] =	vst v15  }
0x338: {  	v32 =	vld [tilespmem:s19+$0x90];
	[tilespmem:s19+$0xFFFFFF80] =	vst v2;
	v2 =	vmul.f32 v59, v13  }
0x339: {  	[tilespmem:s19+$0xFFFFFFB0] =	vst v18;
	v24 =	vmul.f32 v17, v13;
	v19 =	vld [tilespmem:s19+$0x0]  }
0x33a: {  	v51 =	vld [tilespmem:s19+$0x180];
	[tilespmem:s19+$0xFFFFFFA0] =	vst v2;
	v2 =	vmul.f32 v62, v13  }
0x33b: {  	v22 =	vld [tilespmem:s19+$0x20];
	v27 =	vmul.f32 v20, v6;
	[tilespmem:s19+$0xFFFFFFF0] =	vst v24  }
0x33c: {  	v54 =	vld [tilespmem:s19+$0x1A0];
	[tilespmem:s19+$0xFFFFFFC0] =	vst v2;
	v2 =	vmul.f32 v16, v13  }
0x33d: {  	v25 =	vld [tilespmem:s19+$0x40];
	v38 =	vmul.f32 v32, v5;
	[tilespmem:s19+$0x10] =	vst v27  }
0x33e: {  	v23 =	vld [tilespmem:s19+$0x30];
	[tilespmem:s19+$0xFFFFFFE0] =	vst v2;
	v2 =	vmul.f32 v19, v6  }
0x33f: {  	v28 =	vld [tilespmem:s19+$0x60];
	v58 =	vmul.f32 v51, v3;
	[tilespmem:s19+$0x90] =	vst v38  }
0x340: {  	v21 =	vld [tilespmem:s19+$0x170];
	[tilespmem:s19+$0x0] =	vst v2;
	v2 =	vmul.f32 v22, v6  }
0x341: {  	v61 =	vmul.f32 v54, v3;
	v31 =	vld [tilespmem:s19+$0x80];
	[tilespmem:s19+$0x180] =	vst v58  }
0x342: {  	v43 =	vld [tilespmem:s19+$0x110];
	[tilespmem:s19+$0x20] =	vst v2;
	v2 =	vmul.f32 v25, v6  }
0x343: {  	v34 =	vld [tilespmem:s19+$0xA0];
	v30 =	vmul.f32 v23, v6;
	[tilespmem:s19+$0x1A0] =	vst v61  }
0x344: {  	v46 =	vld [tilespmem:s19+$0x130];
	[tilespmem:s19+$0x40] =	vst v2;
	v2 =	vmul.f32 v28, v6  }
0x345: {  	v14 =	vmul.f32 v21, v4;
	[tilespmem:s19+$0x30] =	vst v30;
	v36 =	vld [tilespmem:s19+$0xC0]  }
0x346: {  	v48 =	vld [tilespmem:s19+$0x150];
	[tilespmem:s19+$0x60] =	vst v2;
	v2 =	vmul.f32 v31, v5  }
0x347: {  	v49 =	vmul.f32 v43, v4;
	[tilespmem:s19+$0x170] =	vst v14;
	v39 =	vld [tilespmem:s19+$0xE0]  }
0x348: {  	v26 =	vld [tilespmem:s19+$0x50];
	[tilespmem:s19+$0x80] =	vst v2;
	v2 =	vmul.f32 v34, v5  }
0x349: {  	v42 =	vld [tilespmem:s19+$0x100];
	v52 =	vmul.f32 v46, v4;
	[tilespmem:s19+$0x110] =	vst v49  }
0x34a: {  	v35 =	vld [tilespmem:s19+$0xB0];
	[tilespmem:s19+$0xA0] =	vst v2;
	v2 =	vmul.f32 v36, v5  }
0x34b: {  	v45 =	vld [tilespmem:s19+$0x120];
	v55 =	vmul.f32 v48, v4;
	[tilespmem:s19+$0x130] =	vst v52  }
0x34c: {  	v37 =	vld [tilespmem:s19+$0xD0];
	[tilespmem:s19+$0xC0] =	vst v2;
	v2 =	vmul.f32 v39, v5  }
0x34d: {  	v33 =	vmul.f32 v26, v6;
	[tilespmem:s19+$0x150] =	vst v55;
	v47 =	vld [tilespmem:s19+$0x140]  }
0x34e: {  	v63 =	vld [tilespmem:s19+$0xFFFFFFD0];
	[tilespmem:s19+$0xE0] =	vst v2;
	v2 =	vmul.f32 v42, v4  }
0x34f: {  	[tilespmem:s19+$0x50] =	vst v33;
	v41 =	vmul.f32 v35, v5;
	v50 =	vld [tilespmem:s19+$0x160]  }
0x350: {  	v60 =	vld [tilespmem:s19+$0x1E0];
	[tilespmem:s19+$0x100] =	vst v2;
	v2 =	vmul.f32 v45, v4  }
0x351: {  	[tilespmem:s19+$0xB0] =	vst v41;
	v44 =	vmul.f32 v37, v5;
	v53 =	vld [tilespmem:s19+$0x190]  }
0x352: {  	v29 =	vld [tilespmem:s19+$0x70];
	[tilespmem:s19+$0x120] =	vst v2;
	v2 =	vmul.f32 v47, v4  }
0x353: {  	[tilespmem:s19+$0xD0] =	vst v44;
	v21 =	vmul.f32 v63, v13;
	v56 =	vld [tilespmem:s19+$0x1B0]  }
0x354: {  	v40 =	vld [tilespmem:s19+$0xF0];
	[tilespmem:s19+$0x140] =	vst v2;
	v2 =	vmul.f32 v50, v4  }
0x355: {  	v63 =	vmul.f32 v60, v3;
	[tilespmem:s19+$0xFFFFFFD0] =	vst v21;
	v59 =	vld [tilespmem:s19+$0x1D0]  }
0x356: {  	v57 =	vld [tilespmem:s19+$0x1C0];
	[tilespmem:s19+$0x160] =	vst v2;
	v2 =	vmul.f32 v53, v3  }
0x357: {  	[tilespmem:s19+$0x1E0] =	vst v63;
	v62 =	vld [tilespmem:s19+$0x1F0];
	v6 =	vmul.f32 v29, v6  }
0x358: {  	[tilespmem:s19+$0x190] =	vst v2;
	v2 =	vmul.f32 v56, v3  }
0x359: {  	p1 =	seq.s32 s15, $0x3;
	[tilespmem:s19+$0x70] =	vst v6;
	v5 =	vmul.f32 v40, v5  }
.Ltmp8:
0x35a: {  	[tilespmem:s19+$0x1B0] =	vst v2;
	v2 =	vmul.f32 v59, v3;
	(pc) =	sbr.rel @p1 .LBB2_13-.Ltmp8, $4  }
0x35b: {  	[tilespmem:s19+$0xF0] =	vst v5;
	v4 =	vmul.f32 v57, v3  }
0x35c: {  	[tilespmem:s19+$0x1D0] =	vst v2;
	v2 =	vmul.f32 v62, v3  }
0x35d: {  	[tilespmem:s19+$0x1C0] =	vst v4  }
0x35e: {  	s4 =	sadd.s32 $0x400, s17;
	[tilespmem:s19+$0x1F0] =	vst v2  }
0x35f: {  	_ =	swait.ge [sflag:s9], $0x4000  }
.Ltmp9:
0x360: {  	s11 =	sand.u32 $0x3FFFFF00, s16;
	[sflag:s9] =	ssyncset.done $0x0;
	(pc) =	sbr.rel .LBB2_7-.Ltmp9, $4  }
0x361: {  	s11 =	sadd.s32 $0x100, s11;
	[sflag:s9] =	ssyncadd.s32 $0xFFFFC000  }
0x362: {  	[tilespmem:s23], [sflag:$0x1] =	stream.indirect.gather [hbm4b:s2+s25], $0x80, s11, s25, $0xb8;
	[tilespmem:$0x1FC00] =	vst v63  }
0x363: {  	s15 =	sadd.s32 $0x1, s15  }
0x364: {  	[spmem:s5] =	stream.indirect.scatter.add.f32 [tilespmem:s30], [sflag:$0x4], $0x80, s4, s25, $0xb8;
	[tilespmem:$0x1FC00] =	vst v63  }
.LBB2_15:
0x365: {  	_ =	sfence.sel $0x180000  }
0x366: {  	[bflag:$0x0] =	sbarrier.arrive $0xFFFF  }
0x367: {  	_ =	strace $0x9000004A  }
0x368: {  	[bflag:$0x2] =	sbarrier.arrive $0xFFFF  }
0x369: {  	p0 =	sne.s32 s21, $0x0;
	s0 =	rddreg [dreg:$0x6]  }
0x36a: {  	s0 =	sadd.s32 @!p0 $0x100000, s0  }
0x36b: {  	[sflag:s0] =	ssyncadd.tile.s32 @!p0 $0x1;
	_ =	shalt  }
.Lfunc_end2:
_tile_overlayer_lowered:
.L_overlay_start_2:
0x36c: {  	(tag) =	ssettag $0x2  }
0x36d: {  	s0 =	rddreg [dreg:$0x0];
	s2 =	stileid.u32  }
0x36e: {  	s1 =	rddreg [dreg:$0x1];
	p0 =	sne.s32 s2, $0x0  }
0x36f: {  	s3 =	rddreg [dreg:$0x2];
	[bflag:$0x3] =	sbarrier.arrive $0xFFFF;
	s2 =	simm.s32 @!p0 $0x1C05  }
0x370: {  	[timem:s3], [sflag:s2] =	dma.local @!p0 [hbm:s0], s1  }
0x371: {  	s0 =	simm.s32 @!p0 $0x5  }
0x372: {  	_ =	swait.ge @!p0 [sflag:s0], s1  }
0x373: {  	s1 =	ssub.s32 @!p0 $0x0, s1;
	[sflag:s0] =	ssyncset.done @!p0 $0x0  }
0x374: {  	[sflag:s0] =	ssyncadd.s32 @!p0 s1  }
0x375: {  	[bflag:$0x3] =	sbarrier.arrive $0xFFFF  }
0x376: {  	_ =	shalt  }

</sc_bundles>
